<compile_context>
chip_gen: v7x
topology: tpu7x:2x2x1
jax: 0.10.2.dev20260603
libtpu: 0.0.44.dev20260713+nightly
codegen_flags: <defaults>
</compile_context>

<pallas_src>
import functools

import jax
import jax.numpy as jnp
from jax import lax
from jax.experimental import pallas as pl
from jax.experimental.pallas import tpu as pltpu
from jax.experimental.pallas import tpu_sc as plsc

N_U = 10000
N_I = 5000
DIM = 64
TEMP = 0.2
LAMBDA_1 = 0.2
LAMBDA_2 = 1e-07
SVD_Q = 32
BATCH = 4096

BM = 1000
GRID_U = N_U // BM
F32 = jnp.float32
_HI = jax.lax.Precision.HIGHEST


def _dot(a, b, precision=None):
    return jax.lax.dot_general(a, b, (((1,), (0,)), ((), ())),
                               precision=precision, preferred_element_type=F32)


def _dot_t0(a, b):
    return jax.lax.dot_general(a, b, (((0,), (0,)), ((), ())),
                               preferred_element_type=F32)


def _dot_t1(a, b):
    return jax.lax.dot_general(a, b, (((1,), (1,)), ((), ())),
                               preferred_element_type=F32)



BF16 = jnp.bfloat16


def _p0_body(a_ref, gt_ref, eu0_ref, ei0t_ref,
             c_ref, raw1_ref, zu1_ref, zi1t_ref, reg_ref):
    y = _dot_t1(a_ref[...], gt_ref[...].astype(BF16))
    zu1_ref[...] = _dot_t1(a_ref[...], ei0t_ref[...].astype(BF16))

    @pl.when(pl.program_id(0) == 0)
    def _():
        c_ref[...] = jnp.zeros_like(c_ref)
        raw1_ref[...] = jnp.zeros_like(raw1_ref)
        zi1t_ref[...] = jnp.zeros_like(zi1t_ref)
        reg_ref[...] = jnp.reshape(
            jnp.sum(ei0t_ref[...] * ei0t_ref[...]), (1, 1))

    c_ref[...] += _dot_t0(y, y)
    raw1_ref[...] += _dot_t0(y.astype(BF16), a_ref[...])
    zi1t_ref[...] += _dot_t0(eu0_ref[...].astype(BF16), a_ref[...])
    reg_ref[...] += jnp.reshape(jnp.sum(eu0_ref[...] * eu0_ref[...]), (1, 1))


def _pass_a(a16, gt, eu0, ei0t):
    kq = gt.shape[0]
    return pl.pallas_call(
        _p0_body,
        grid=(GRID_U,),
        in_specs=[pl.BlockSpec((BM, N_I), lambda i: (i, 0)),
                  pl.BlockSpec((kq, N_I), lambda i: (0, 0)),
                  pl.BlockSpec((BM, DIM), lambda i: (i, 0)),
                  pl.BlockSpec((DIM, N_I), lambda i: (0, 0))],
        out_specs=[pl.BlockSpec((kq, kq), lambda i: (0, 0)),
                   pl.BlockSpec((kq, N_I), lambda i: (0, 0)),
                   pl.BlockSpec((BM, DIM), lambda i: (i, 0)),
                   pl.BlockSpec((DIM, N_I), lambda i: (0, 0)),
                   pl.BlockSpec((1, 1), lambda i: (0, 0))],
        out_shape=[jax.ShapeDtypeStruct((kq, kq), F32),
                   jax.ShapeDtypeStruct((kq, N_I), F32),
                   jax.ShapeDtypeStruct((N_U, DIM), F32),
                   jax.ShapeDtypeStruct((DIM, N_I), F32),
                   jax.ShapeDtypeStruct((1, 1), F32)],
    )(a16, gt, eu0, ei0t)


def _eye(q):
    ri = jax.lax.broadcasted_iota(jnp.int32, (q, q), 0)
    ci = jax.lax.broadcasted_iota(jnp.int32, (q, q), 1)
    return jnp.where(ri == ci, 1.0, 0.0).astype(F32)


def _trace(C):
    q = C.shape[0]
    ri = jax.lax.broadcasted_iota(jnp.int32, (q, q), 0)
    ci = jax.lax.broadcasted_iota(jnp.int32, (q, q), 1)
    return jnp.sum(jnp.where(ri == ci, C, 0.0))


def _ns_invsqrt(C, iters=14):
    eye = _eye(C.shape[0])
    s = _trace(C)
    y = C * (1.0 / s)
    z = eye
    for _ in range(iters):
        t = 1.5 * eye - 0.5 * _dot(z, y, precision=_HI)
        y = _dot(y, t, precision=_HI)
        z = _dot(t, z, precision=_HI)
    return z * jax.lax.rsqrt(s)


def _ns_inv(C, iters=24):
    eye = _eye(C.shape[0])
    x = eye * (1.0 / _trace(C))
    for _ in range(iters):
        x = _dot(x, 2.0 * eye - _dot(C, x, precision=_HI), precision=_HI)
    return x


def _orth_chain(c_prev, raw):
    wt = _dot(_ns_invsqrt(c_prev), raw, precision=_HI)
    s = _ns_invsqrt(_dot_t1(wt, wt))
    return _dot(s, wt, precision=_HI)


def _pb_body(a_ref, c0_ref, raw1_ref, c_ref, raw2_ref, zt_ref):
    @pl.when(pl.program_id(0) == 0)
    def _():
        zt_ref[...] = _orth_chain(c0_ref[...], raw1_ref[...]).astype(BF16)
        c_ref[...] = jnp.zeros_like(c_ref)
        raw2_ref[...] = jnp.zeros_like(raw2_ref)

    y = _dot_t1(a_ref[...], zt_ref[...])
    c_ref[...] += _dot_t0(y, y)
    raw2_ref[...] += _dot_t0(y.astype(BF16), a_ref[...])


def _pass_b(a16, c0, raw1):
    kq = SVD_Q
    return pl.pallas_call(
        _pb_body,
        grid=(GRID_U,),
        in_specs=[pl.BlockSpec((BM, N_I), lambda i: (i, 0)),
                  pl.BlockSpec((kq, kq), lambda i: (0, 0)),
                  pl.BlockSpec((kq, N_I), lambda i: (0, 0))],
        out_specs=[pl.BlockSpec((kq, kq), lambda i: (0, 0)),
                   pl.BlockSpec((kq, N_I), lambda i: (0, 0))],
        out_shape=[jax.ShapeDtypeStruct((kq, kq), F32),
                   jax.ShapeDtypeStruct((kq, N_I), F32)],
        scratch_shapes=[pltpu.VMEM((kq, N_I), BF16)],
    )(a16, c0, raw1)



def _pc_body(a_ref, c1_ref, raw2_ref, zu1_ref, zi1t_ref, eu0_ref, ei0t_ref,
             y_ref, c_ref, bt_ref, eu_ref, eit_ref, t2t_ref, zt_ref):
    @pl.when(pl.program_id(0) == 0)
    def _():
        zt_ref[...] = _orth_chain(c1_ref[...], raw2_ref[...]).astype(BF16)
        c_ref[...] = jnp.zeros_like(c_ref)
        bt_ref[...] = jnp.zeros_like(bt_ref)
        eit_ref[...] = ei0t_ref[...] + zi1t_ref[...]
        t2t_ref[...] = jnp.zeros_like(t2t_ref)

    y = _dot_t1(a_ref[...], zt_ref[...])
    y_ref[...] = y
    zu1 = zu1_ref[...]
    eu0 = eu0_ref[...]
    eu_ref[...] = eu0 + zu1 + _dot_t1(a_ref[...], zi1t_ref[...].astype(BF16))

    c_ref[...] += _dot_t0(y, y)
    bt_ref[...] += _dot_t0(y.astype(BF16), a_ref[...])
    eit_ref[...] += _dot_t0(zu1.astype(BF16), a_ref[...])
    t2t_ref[...] += _dot_t0(eu0 + zu1, y)


def _pass_c(a16, c1, raw2, zu1, zi1t, eu0, ei0t):
    return pl.pallas_call(
        _pc_body,
        grid=(GRID_U,),
        in_specs=[pl.BlockSpec((BM, N_I), lambda i: (i, 0)),
                  pl.BlockSpec((SVD_Q, SVD_Q), lambda i: (0, 0)),
                  pl.BlockSpec((SVD_Q, N_I), lambda i: (0, 0)),
                  pl.BlockSpec((BM, DIM), lambda i: (i, 0)),
                  pl.BlockSpec((DIM, N_I), lambda i: (0, 0)),
                  pl.BlockSpec((BM, DIM), lambda i: (i, 0)),
                  pl.BlockSpec((DIM, N_I), lambda i: (0, 0))],
        out_specs=[pl.BlockSpec((BM, SVD_Q), lambda i: (i, 0)),
                   pl.BlockSpec((SVD_Q, SVD_Q), lambda i: (0, 0)),
                   pl.BlockSpec((SVD_Q, N_I), lambda i: (0, 0)),
                   pl.BlockSpec((BM, DIM), lambda i: (i, 0)),
                   pl.BlockSpec((DIM, N_I), lambda i: (0, 0)),
                   pl.BlockSpec((DIM, SVD_Q), lambda i: (0, 0))],
        out_shape=[jax.ShapeDtypeStruct((N_U, SVD_Q), F32),
                   jax.ShapeDtypeStruct((SVD_Q, SVD_Q), F32),
                   jax.ShapeDtypeStruct((SVD_Q, N_I), F32),
                   jax.ShapeDtypeStruct((N_U, DIM), F32),
                   jax.ShapeDtypeStruct((DIM, N_I), F32),
                   jax.ShapeDtypeStruct((DIM, SVD_Q), F32)],
        scratch_shapes=[pltpu.VMEM((SVD_Q, N_I), BF16)],
    )(a16, c1, raw2, zu1, zi1t, eu0, ei0t)


def _guei_body(y_ref, c_ref, bt_ref, t2t_ref, eu0_ref, eu_ref,
               ei0t_ref, zi1t_ref, eit_ref, ueu_ref, uei_ref, t1_ref):
    @pl.when(pl.program_id(0) == 0)
    def _():
        m = _ns_inv(c_ref[...])
        t1_ref[...] = _dot(
            m, _dot_t1(bt_ref[...], ei0t_ref[...] + zi1t_ref[...]))
        git = ei0t_ref[...] + _dot(_dot(t2t_ref[...], m), bt_ref[...])
        uei_ref[...] = jnp.concatenate([git, eit_ref[...]], axis=0)

    ueu_ref[...] = jnp.concatenate(
        [eu0_ref[...] + _dot(y_ref[...], t1_ref[...]), eu_ref[...]], axis=1)


def _guei(y2, c4, bt, t2t, eu0, e_u, ei0t, zi1t, eit):
    return pl.pallas_call(
        _guei_body,
        grid=(GRID_U,),
        in_specs=[pl.BlockSpec((BM, SVD_Q), lambda i: (i, 0)),
                  pl.BlockSpec((SVD_Q, SVD_Q), lambda i: (0, 0)),
                  pl.BlockSpec((SVD_Q, N_I), lambda i: (0, 0)),
                  pl.BlockSpec((DIM, SVD_Q), lambda i: (0, 0)),
                  pl.BlockSpec((BM, DIM), lambda i: (i, 0)),
                  pl.BlockSpec((BM, DIM), lambda i: (i, 0)),
                  pl.BlockSpec((DIM, N_I), lambda i: (0, 0)),
                  pl.BlockSpec((DIM, N_I), lambda i: (0, 0)),
                  pl.BlockSpec((DIM, N_I), lambda i: (0, 0))],
        out_specs=[pl.BlockSpec((BM, 2 * DIM), lambda i: (i, 0)),
                   pl.BlockSpec((2 * DIM, N_I), lambda i: (0, 0))],
        out_shape=[jax.ShapeDtypeStruct((N_U, 2 * DIM), F32),
                   jax.ShapeDtypeStruct((2 * DIM, N_I), F32)],
        scratch_shapes=[pltpu.VMEM((SVD_Q, DIM), F32)],
    )(y2, c4, bt, t2t, eu0, e_u, ei0t, zi1t, eit)



def _sc_gather_all(ue_u, ue_i, row_ids, col_ids, pos, neg):
    info = plsc.get_sparse_core_info()
    nc, ns = info.num_cores, info.num_subcores
    nw = nc * ns
    bpw = BATCH // nw
    mesh = plsc.VectorSubcoreMesh(core_axis_name="c", subcore_axis_name="s")
    out = jax.ShapeDtypeStruct((BATCH, 2 * DIM), F32)

    @functools.partial(
        pl.kernel, mesh=mesh,
        out_type=(out,) * 4,
        scratch_types=[pltpu.VMEM((bpw,), jnp.int32),
                       pltpu.VMEM((bpw, 2 * DIM), F32),
                       pltpu.SemaphoreType.DMA],
    )
    def k(tu_hbm, ti_hbm, rid_hbm, cid_hbm, pos_hbm, neg_hbm,
          o_ru, o_rc, o_rp, o_rn, idx_v, rows_v, sem):
        wid = lax.axis_index("s") * nc + lax.axis_index("c")
        base = wid * bpw

        def gather(idx_hbm, table_hbm, out_hbm):
            pltpu.sync_copy(idx_hbm.at[pl.ds(base, bpw)], idx_v)
            pltpu.async_copy(table_hbm.at[idx_v], rows_v, sem).wait()
            pltpu.sync_copy(rows_v, out_hbm.at[pl.ds(base, bpw)])

        gather(rid_hbm, tu_hbm, o_ru)
        gather(cid_hbm, ti_hbm, o_rc)
        gather(pos_hbm, ti_hbm, o_rp)
        gather(neg_hbm, ti_hbm, o_rn)

    return k(ue_u, ue_i, row_ids, col_ids, pos, neg)



_BB = 512
_NB = BATCH // _BB
_UCH = 2000
_ICH = 2500


def _loss_body(ueu_ref, eit_ref, reg_ref, ru_ref, rc_ref, rp_ref, rn_ref,
               loss_ref, oth_ref, acc_ref):
    i = pl.program_id(0)
    gur, eur = ru_ref[:, :DIM], ru_ref[:, DIM:]
    gic, eic = rc_ref[:, :DIM], rc_ref[:, DIM:]
    eip, ein = rp_ref[:, DIM:], rn_ref[:, DIM:]

    su = jnp.zeros((_BB, 1), F32)
    for kc in range(N_U // _UCH):
        logits = _dot_t1(gur, ueu_ref[kc * _UCH:(kc + 1) * _UCH, DIM:])
        su = su + jnp.sum(jnp.exp(logits * (1.0 / TEMP)), axis=1, keepdims=True)
    si = jnp.zeros((_BB, 1), F32)
    for kc in range(N_I // _ICH):
        logits = _dot(gic, eit_ref[:, kc * _ICH:(kc + 1) * _ICH])
        si = si + jnp.sum(jnp.exp(logits * (1.0 / TEMP)), axis=1, keepdims=True)
    nl_u = jnp.sum(jnp.log(su + 1e-08))
    nl_i = jnp.sum(jnp.log(si + 1e-08))

    pu = jnp.sum(gur * eur, axis=1, keepdims=True) * (1.0 / TEMP)
    pi = jnp.sum(gic * eic, axis=1, keepdims=True) * (1.0 / TEMP)
    pos = jnp.sum(jnp.clip(pu, -5.0, 5.0)) + jnp.sum(jnp.clip(pi, -5.0, 5.0))
    d = jnp.sum(eur * eip, axis=1, keepdims=True) - \
        jnp.sum(eur * ein, axis=1, keepdims=True)
    bpr = jnp.sum(jnp.log(1.0 + jnp.exp(-d)))

    upd = jnp.concatenate(
        [jnp.reshape(nl_u, (1, 1)), jnp.reshape(nl_i, (1, 1)),
         jnp.reshape(pos, (1, 1)), jnp.reshape(bpr, (1, 1)),
         jnp.zeros((1, 124), F32)], axis=1)

    @pl.when(i == 0)
    def _():
        acc_ref[...] = jnp.zeros_like(acc_ref)
    acc_ref[...] += upd

    @pl.when(i == _NB - 1)
    def _():
        acc = acc_ref[...]
        inv_b = 1.0 / BATCH
        neg_score = (acc[0, 0] + acc[0, 1]) * inv_b
        pos_score = acc[0, 2] * inv_b
        loss_bpr = acc[0, 3] * inv_b
        loss_cl = -pos_score + neg_score
        loss = loss_bpr + LAMBDA_1 * loss_cl + LAMBDA_2 * reg_ref[0, 0]
        loss_ref[...] = jnp.reshape(loss, (1, 1))
        oth_ref[...] = jnp.concatenate(
            [jnp.full((1, 1), loss_bpr, F32),
             jnp.full((1, 1), LAMBDA_1 * loss_cl, F32)], axis=1)


def _loss(ueu, eit, reg, ru, rc, rp, rn):
    bspec = pl.BlockSpec((_BB, 2 * DIM), lambda i: (i, 0))
    return pl.pallas_call(
        _loss_body,
        grid=(_NB,),
        in_specs=[pl.BlockSpec((N_U, 2 * DIM), lambda i: (0, 0)),
                  pl.BlockSpec((DIM, N_I), lambda i: (0, 0)),
                  pl.BlockSpec((1, 1), lambda i: (0, 0)),
                  bspec, bspec, bspec, bspec],
        out_specs=[pl.BlockSpec((1, 1), lambda i: (0, 0)),
                   pl.BlockSpec((1, 2), lambda i: (0, 0))],
        out_shape=[jax.ShapeDtypeStruct((1, 1), F32),
                   jax.ShapeDtypeStruct((1, 2), F32)],
        scratch_shapes=[pltpu.VMEM((1, 128), F32)],
    )(ueu, eit, reg, ru, rc, rp, rn)



def kernel(adj, row_ids, col_ids, pos, neg, E_u_0, E_i_0):
    g0t = jax.random.normal(jax.random.key(42), (N_I, SVD_Q), dtype=F32).T
    ei0t = E_i_0.T

    a16 = adj.astype(BF16)
    c0, raw1, zu1, zi1t, reg = _pass_a(a16, g0t, E_u_0, ei0t)
    c1, raw2 = _pass_b(a16, c0, raw1)
    y2, c4, bt, e_u, e_it, t2t = _pass_c(a16, c1, raw2, zu1, zi1t,
                                         E_u_0, ei0t)
    ue_u, uei_t = _guei(y2, c4, bt, t2t, E_u_0, e_u, ei0t, zi1t, e_it)
    ue_i = uei_t.T

    ru, rc, rp, rn = _sc_gather_all(ue_u, ue_i, row_ids, col_ids, pos, neg)

    loss, oth = _loss(ue_u, e_it, reg, ru, rc, rp, rn)
    return loss[0, 0], oth[0]

# --- scband reference (transcript-rebuilt; emitter-appended) ---
"""Pipeline reference for scband-light-gcl-6545530159207 (READ-ONLY COPY).

The authoritative reference and input builder live on the scoring server;
editing this copy changes nothing except your own understanding.
"""

import jax, jax.numpy as jnp
import numpy as np

N_U = 10000
N_I = 5000
DIM = 64
N_LAYER = 2
TEMP = 0.2
LAMBDA_1 = 0.2
LAMBDA_2 = 1e-07
SVD_Q = 32
BATCH = 4096
DENSITY = 0.002


def setup_inputs(seed: int = 0) -> dict:
    key = jax.random.key(seed)
    ks = jax.random.split(key, 8)
    # sparse-pattern bipartite interaction matrix, symmetrically degree-normalized
    # (LightGCL uses a normalized sparse adjacency; dense representation here)
    adj_bin = (jax.random.uniform(ks[0], (N_U, N_I)) < DENSITY).astype(jnp.float32)
    du = jnp.clip(adj_bin.sum(axis=1, keepdims=True), 1.0, None)
    di = jnp.clip(adj_bin.sum(axis=0, keepdims=True), 1.0, None)
    adj = adj_bin / jnp.sqrt(du * di)
    row_ids = jax.random.randint(ks[1], (BATCH,), 0, N_U)
    col_ids = jax.random.randint(ks[2], (BATCH,), 0, N_I)
    pos = jax.random.randint(ks[3], (BATCH,), 0, N_I)
    neg = jax.random.randint(ks[4], (BATCH,), 0, N_I)
    # xavier_uniform init of the two embedding parameter tables
    lim_u = float(np.sqrt(6.0 / (N_U + DIM)))
    lim_i = float(np.sqrt(6.0 / (N_I + DIM)))
    E_u_0 = jax.random.uniform(ks[5], (N_U, DIM), jnp.float32, minval=-lim_u, maxval=lim_u)
    E_i_0 = jax.random.uniform(ks[6], (N_I, DIM), jnp.float32, minval=-lim_i, maxval=lim_i)
    return {"adj": adj, "row_ids": row_ids, "col_ids": col_ids, "pos": pos,
            "neg": neg, "E_u_0": E_u_0, "E_i_0": E_i_0}


def _svd_lowrank(A, q, niter=2):
    # randomized low-rank SVD, mirrors torch.svd_lowrank (default niter=2)
    m, n = A.shape
    G = jax.random.normal(jax.random.key(42), (n, q), dtype=A.dtype)
    Y = A @ G
    Q, _ = jnp.linalg.qr(Y)
    for _ in range(niter):
        Z, _ = jnp.linalg.qr(A.T @ Q)
        Q, _ = jnp.linalg.qr(A @ Z)
    B = Q.T @ A
    Ub, s, Vt = jnp.linalg.svd(B, full_matrices=False)
    U = Q @ Ub
    return U, s, Vt.T


def reference(adj, row_ids, col_ids, pos, neg, E_u_0, E_i_0):
    # one-time SVD reconstruction (cached in the torch module on first forward)
    svd_u, s, svd_v = _svd_lowrank(adj, SVD_Q)
    u_mul_s = svd_u @ jnp.diag(s)
    v_mul_s = svd_v @ jnp.diag(s)
    ut = svd_u.T
    vt = svd_v.T

    E_u_list = [E_u_0]
    E_i_list = [E_i_0]
    G_u_list = [E_u_0]
    G_i_list = [E_i_0]
    for _ in range(N_LAYER):
        # dropout = 0.0 -> sparse_dropout(adj, 0.0) is identity
        Z_u = adj @ E_i_list[-1]
        Z_i = adj.T @ E_u_list[-1]
        G_u_list.append(u_mul_s @ (vt @ E_i_list[-1]))
        G_i_list.append(v_mul_s @ (ut @ E_u_list[-1]))
        E_u_list.append(Z_u)
        E_i_list.append(Z_i)

    G_u = sum(G_u_list)
    G_i = sum(G_i_list)
    E_u = sum(E_u_list)
    E_i = sum(E_i_list)

    neg_score = jnp.log(jnp.exp(G_u[row_ids] @ E_u.T / TEMP).sum(1) + 1e-08).mean()
    neg_score = neg_score + jnp.log(jnp.exp(G_i[col_ids] @ E_i.T / TEMP).sum(1) + 1e-08).mean()
    pos_score = jnp.clip((G_u[row_ids] * E_u[row_ids]).sum(1) / TEMP, -5.0, 5.0).mean() \
        + jnp.clip((G_i[col_ids] * E_i[col_ids]).sum(1) / TEMP, -5.0, 5.0).mean()
    loss_cl = -pos_score + neg_score

    u_emb = E_u[row_ids]
    pos_emb = E_i[pos]
    neg_emb = E_i[neg]
    pos_scores = (u_emb * pos_emb).sum(-1)
    neg_scores = (u_emb * neg_emb).sum(-1)
    loss_bpr = -jnp.log(jax.nn.sigmoid(pos_scores - neg_scores)).mean()

    loss_reg = jnp.square(jnp.linalg.norm(E_u_0)) + jnp.square(jnp.linalg.norm(E_i_0))
    loss = loss_bpr + LAMBDA_1 * loss_cl + LAMBDA_2 * loss_reg
    other_information = jnp.stack([loss_bpr, LAMBDA_1 * loss_cl])
    return loss, other_information

if __name__ == "__main__":
    import jax
    _d = setup_inputs()
    print(jax.jit(kernel)(*tuple(_d.values())))

</pallas_src>

<mosaic_0001>
#map = affine_map<(d0, d1) -> (0, 0)>
#map1 = affine_map<(d0, d1) -> (0)>
module attributes {stable_mosaic.version = 14 : i64} {
  func.func @k(%arg0: i32, %arg1: i32, %arg2: memref<10000x128xf32, #tpu.memory_space<hbm>>, %arg3: memref<5000x128xf32, #tpu.memory_space<hbm>>, %arg4: memref<4096xi32, #tpu.memory_space<hbm>>, %arg5: memref<4096xi32, #tpu.memory_space<hbm>>, %arg6: memref<4096xi32, #tpu.memory_space<hbm>>, %arg7: memref<4096xi32, #tpu.memory_space<hbm>>, %arg8: memref<4096x128xf32, #tpu.memory_space<hbm>>, %arg9: memref<4096x128xf32, #tpu.memory_space<hbm>>, %arg10: memref<4096x128xf32, #tpu.memory_space<hbm>>, %arg11: memref<4096x128xf32, #tpu.memory_space<hbm>>, %arg12: memref<128xi32, #tpu.memory_space<vmem>>, %arg13: memref<128x128xf32, #tpu.memory_space<vmem>>, %arg14: memref<!tpu.dma_semaphore, #tpu.memory_space<semaphore_mem>>) attributes {dimension_semantics = [#tpu.dimension_semantics<core_parallel>, #tpu.dimension_semantics<subcore_parallel>], iteration_bounds = array<i64: 2, 16>, scalar_prefetch = 0 : i64, scratch_operands = 3 : i64, tpu.core_type = #tpu.core_type<sc_vector_subcore>, window_params = [{transform_indices = #map}, {transform_indices = #map}, {transform_indices = #map1}, {transform_indices = #map1}, {transform_indices = #map1}, {transform_indices = #map1}, {transform_indices = #map}, {transform_indices = #map}, {transform_indices = #map}, {transform_indices = #map}]} {
    %mul3A = arith.constant 2 : i32
    %mul3A_0 = arith.muli %arg1, %mul3A : i32
    %add3A = arith.addi %mul3A_0, %arg0 : i32
    %mul3A_1 = arith.constant 128 : i32
    %mul3A_2 = arith.muli %add3A, %mul3A_1 : i32
    "tpu.region"() ({
      %run_scoped3A = tpu.sem_alloc : memref<!tpu.dma_semaphore, #tpu.memory_space<semaphore_mem>>
      %dma_start3A_25 = tpu.memref_slice %arg4[%mul3A_2] : memref<4096xi32, #tpu.memory_space<hbm>> -> memref<128xi32, #tpu.memory_space<hbm>>
      %dma_start3A_26 = tpu.memref_slice %arg4[%mul3A_2] : memref<4096xi32, #tpu.memory_space<hbm>> -> memref<128xi32, #tpu.memory_space<hbm>>
      tpu.enqueue_dma source(%dma_start3A_26 : memref<128xi32, #tpu.memory_space<hbm>>) target(%arg12 : memref<128xi32, #tpu.memory_space<vmem>>) target_semaphore(%run_scoped3A : memref<!tpu.dma_semaphore, #tpu.memory_space<semaphore_mem>>)
      %dma_wait3A_27 = tpu.memref_slice %arg4[%mul3A_2] : memref<4096xi32, #tpu.memory_space<hbm>> -> memref<128xi32, #tpu.memory_space<hbm>>
      %dma_wait3A_28 = tpu.memref_slice %arg4[%mul3A_2] : memref<4096xi32, #tpu.memory_space<hbm>> -> memref<128xi32, #tpu.memory_space<hbm>>
      tpu.wait_dma2 semaphore(%run_scoped3A : memref<!tpu.dma_semaphore, #tpu.memory_space<semaphore_mem>>) src(%dma_wait3A_28 : memref<128xi32, #tpu.memory_space<hbm>>) dst(%arg12 : memref<128xi32, #tpu.memory_space<vmem>>)
      tpu.yield
    }) : () -> ()
    %dma_start3A = arith.constant 0 : i32
    %dma_start3A_3 = arith.constant 0 : i32
    %dma_start3A_4 = tpu.memref_slice %arg2[%dma_start3A, %dma_start3A_3] : memref<10000x128xf32, #tpu.memory_space<hbm>> -> memref<10000x128xf32, #tpu.memory_space<hbm>>
    tpu.enqueue_indirect_dma source(%dma_start3A_4 : memref<10000x128xf32, #tpu.memory_space<hbm>>) target(%arg13 : memref<128x128xf32, #tpu.memory_space<vmem>>) offsets(%arg12 : memref<128xi32, #tpu.memory_space<vmem>>) semaphore(%arg14 : memref<!tpu.dma_semaphore, #tpu.memory_space<semaphore_mem>>)
    %dma_wait3A = arith.constant 0 : i32
    %dma_wait3A_5 = arith.constant 0 : i32
    %dma_wait3A_6 = tpu.memref_slice %arg2[%dma_wait3A, %dma_wait3A_5] : memref<10000x128xf32, #tpu.memory_space<hbm>> -> memref<10000x128xf32, #tpu.memory_space<hbm>>
    tpu.wait_indirect_dma semaphore(%arg14 : memref<!tpu.dma_semaphore, #tpu.memory_space<semaphore_mem>>) src(%dma_wait3A_6 : memref<10000x128xf32, #tpu.memory_space<hbm>>) dst(%arg13 : memref<128x128xf32, #tpu.memory_space<vmem>>)
    "tpu.region"() ({
      %run_scoped3A = tpu.sem_alloc : memref<!tpu.dma_semaphore, #tpu.memory_space<semaphore_mem>>
      %dma_start3A_25 = arith.constant 0 : i32
      %dma_start3A_26 = tpu.memref_slice %arg8[%mul3A_2, %dma_start3A_25] : memref<4096x128xf32, #tpu.memory_space<hbm>> -> memref<128x128xf32, #tpu.memory_space<hbm>>
      %dma_start3A_27 = arith.constant 0 : i32
      %dma_start3A_28 = tpu.memref_slice %arg8[%mul3A_2, %dma_start3A_27] : memref<4096x128xf32, #tpu.memory_space<hbm>> -> memref<128x128xf32, #tpu.memory_space<hbm>>
      tpu.enqueue_dma source(%arg13 : memref<128x128xf32, #tpu.memory_space<vmem>>) target(%dma_start3A_28 : memref<128x128xf32, #tpu.memory_space<hbm>>) target_semaphore(%run_scoped3A : memref<!tpu.dma_semaphore, #tpu.memory_space<semaphore_mem>>)
      %dma_wait3A_29 = arith.constant 0 : i32
      %dma_wait3A_30 = tpu.memref_slice %arg8[%mul3A_2, %dma_wait3A_29] : memref<4096x128xf32, #tpu.memory_space<hbm>> -> memref<128x128xf32, #tpu.memory_space<hbm>>
      %dma_wait3A_31 = arith.constant 0 : i32
      %dma_wait3A_32 = tpu.memref_slice %arg8[%mul3A_2, %dma_wait3A_31] : memref<4096x128xf32, #tpu.memory_space<hbm>> -> memref<128x128xf32, #tpu.memory_space<hbm>>
      tpu.wait_dma2 semaphore(%run_scoped3A : memref<!tpu.dma_semaphore, #tpu.memory_space<semaphore_mem>>) src(%arg13 : memref<128x128xf32, #tpu.memory_space<vmem>>) dst(%dma_wait3A_32 : memref<128x128xf32, #tpu.memory_space<hbm>>)
      tpu.yield
    }) : () -> ()
    "tpu.region"() ({
      %run_scoped3A = tpu.sem_alloc : memref<!tpu.dma_semaphore, #tpu.memory_space<semaphore_mem>>
      %dma_start3A_25 = tpu.memref_slice %arg5[%mul3A_2] : memref<4096xi32, #tpu.memory_space<hbm>> -> memref<128xi32, #tpu.memory_space<hbm>>
      %dma_start3A_26 = tpu.memref_slice %arg5[%mul3A_2] : memref<4096xi32, #tpu.memory_space<hbm>> -> memref<128xi32, #tpu.memory_space<hbm>>
      tpu.enqueue_dma source(%dma_start3A_26 : memref<128xi32, #tpu.memory_space<hbm>>) target(%arg12 : memref<128xi32, #tpu.memory_space<vmem>>) target_semaphore(%run_scoped3A : memref<!tpu.dma_semaphore, #tpu.memory_space<semaphore_mem>>)
      %dma_wait3A_27 = tpu.memref_slice %arg5[%mul3A_2] : memref<4096xi32, #tpu.memory_space<hbm>> -> memref<128xi32, #tpu.memory_space<hbm>>
      %dma_wait3A_28 = tpu.memref_slice %arg5[%mul3A_2] : memref<4096xi32, #tpu.memory_space<hbm>> -> memref<128xi32, #tpu.memory_space<hbm>>
      tpu.wait_dma2 semaphore(%run_scoped3A : memref<!tpu.dma_semaphore, #tpu.memory_space<semaphore_mem>>) src(%dma_wait3A_28 : memref<128xi32, #tpu.memory_space<hbm>>) dst(%arg12 : memref<128xi32, #tpu.memory_space<vmem>>)
      tpu.yield
    }) : () -> ()
    %dma_start3A_7 = arith.constant 0 : i32
    %dma_start3A_8 = arith.constant 0 : i32
    %dma_start3A_9 = tpu.memref_slice %arg3[%dma_start3A_7, %dma_start3A_8] : memref<5000x128xf32, #tpu.memory_space<hbm>> -> memref<5000x128xf32, #tpu.memory_space<hbm>>
    tpu.enqueue_indirect_dma source(%dma_start3A_9 : memref<5000x128xf32, #tpu.memory_space<hbm>>) target(%arg13 : memref<128x128xf32, #tpu.memory_space<vmem>>) offsets(%arg12 : memref<128xi32, #tpu.memory_space<vmem>>) semaphore(%arg14 : memref<!tpu.dma_semaphore, #tpu.memory_space<semaphore_mem>>)
    %dma_wait3A_10 = arith.constant 0 : i32
    %dma_wait3A_11 = arith.constant 0 : i32
    %dma_wait3A_12 = tpu.memref_slice %arg3[%dma_wait3A_10, %dma_wait3A_11] : memref<5000x128xf32, #tpu.memory_space<hbm>> -> memref<5000x128xf32, #tpu.memory_space<hbm>>
    tpu.wait_indirect_dma semaphore(%arg14 : memref<!tpu.dma_semaphore, #tpu.memory_space<semaphore_mem>>) src(%dma_wait3A_12 : memref<5000x128xf32, #tpu.memory_space<hbm>>) dst(%arg13 : memref<128x128xf32, #tpu.memory_space<vmem>>)
    "tpu.region"() ({
      %run_scoped3A = tpu.sem_alloc : memref<!tpu.dma_semaphore, #tpu.memory_space<semaphore_mem>>
      %dma_start3A_25 = arith.constant 0 : i32
      %dma_start3A_26 = tpu.memref_slice %arg9[%mul3A_2, %dma_start3A_25] : memref<4096x128xf32, #tpu.memory_space<hbm>> -> memref<128x128xf32, #tpu.memory_space<hbm>>
      %dma_start3A_27 = arith.constant 0 : i32
      %dma_start3A_28 = tpu.memref_slice %arg9[%mul3A_2, %dma_start3A_27] : memref<4096x128xf32, #tpu.memory_space<hbm>> -> memref<128x128xf32, #tpu.memory_space<hbm>>
      tpu.enqueue_dma source(%arg13 : memref<128x128xf32, #tpu.memory_space<vmem>>) target(%dma_start3A_28 : memref<128x128xf32, #tpu.memory_space<hbm>>) target_semaphore(%run_scoped3A : memref<!tpu.dma_semaphore, #tpu.memory_space<semaphore_mem>>)
      %dma_wait3A_29 = arith.constant 0 : i32
      %dma_wait3A_30 = tpu.memref_slice %arg9[%mul3A_2, %dma_wait3A_29] : memref<4096x128xf32, #tpu.memory_space<hbm>> -> memref<128x128xf32, #tpu.memory_space<hbm>>
      %dma_wait3A_31 = arith.constant 0 : i32
      %dma_wait3A_32 = tpu.memref_slice %arg9[%mul3A_2, %dma_wait3A_31] : memref<4096x128xf32, #tpu.memory_space<hbm>> -> memref<128x128xf32, #tpu.memory_space<hbm>>
      tpu.wait_dma2 semaphore(%run_scoped3A : memref<!tpu.dma_semaphore, #tpu.memory_space<semaphore_mem>>) src(%arg13 : memref<128x128xf32, #tpu.memory_space<vmem>>) dst(%dma_wait3A_32 : memref<128x128xf32, #tpu.memory_space<hbm>>)
      tpu.yield
    }) : () -> ()
    "tpu.region"() ({
      %run_scoped3A = tpu.sem_alloc : memref<!tpu.dma_semaphore, #tpu.memory_space<semaphore_mem>>
      %dma_start3A_25 = tpu.memref_slice %arg6[%mul3A_2] : memref<4096xi32, #tpu.memory_space<hbm>> -> memref<128xi32, #tpu.memory_space<hbm>>
      %dma_start3A_26 = tpu.memref_slice %arg6[%mul3A_2] : memref<4096xi32, #tpu.memory_space<hbm>> -> memref<128xi32, #tpu.memory_space<hbm>>
      tpu.enqueue_dma source(%dma_start3A_26 : memref<128xi32, #tpu.memory_space<hbm>>) target(%arg12 : memref<128xi32, #tpu.memory_space<vmem>>) target_semaphore(%run_scoped3A : memref<!tpu.dma_semaphore, #tpu.memory_space<semaphore_mem>>)
      %dma_wait3A_27 = tpu.memref_slice %arg6[%mul3A_2] : memref<4096xi32, #tpu.memory_space<hbm>> -> memref<128xi32, #tpu.memory_space<hbm>>
      %dma_wait3A_28 = tpu.memref_slice %arg6[%mul3A_2] : memref<4096xi32, #tpu.memory_space<hbm>> -> memref<128xi32, #tpu.memory_space<hbm>>
      tpu.wait_dma2 semaphore(%run_scoped3A : memref<!tpu.dma_semaphore, #tpu.memory_space<semaphore_mem>>) src(%dma_wait3A_28 : memref<128xi32, #tpu.memory_space<hbm>>) dst(%arg12 : memref<128xi32, #tpu.memory_space<vmem>>)
      tpu.yield
    }) : () -> ()
    %dma_start3A_13 = arith.constant 0 : i32
    %dma_start3A_14 = arith.constant 0 : i32
    %dma_start3A_15 = tpu.memref_slice %arg3[%dma_start3A_13, %dma_start3A_14] : memref<5000x128xf32, #tpu.memory_space<hbm>> -> memref<5000x128xf32, #tpu.memory_space<hbm>>
    tpu.enqueue_indirect_dma source(%dma_start3A_15 : memref<5000x128xf32, #tpu.memory_space<hbm>>) target(%arg13 : memref<128x128xf32, #tpu.memory_space<vmem>>) offsets(%arg12 : memref<128xi32, #tpu.memory_space<vmem>>) semaphore(%arg14 : memref<!tpu.dma_semaphore, #tpu.memory_space<semaphore_mem>>)
    %dma_wait3A_16 = arith.constant 0 : i32
    %dma_wait3A_17 = arith.constant 0 : i32
    %dma_wait3A_18 = tpu.memref_slice %arg3[%dma_wait3A_16, %dma_wait3A_17] : memref<5000x128xf32, #tpu.memory_space<hbm>> -> memref<5000x128xf32, #tpu.memory_space<hbm>>
    tpu.wait_indirect_dma semaphore(%arg14 : memref<!tpu.dma_semaphore, #tpu.memory_space<semaphore_mem>>) src(%dma_wait3A_18 : memref<5000x128xf32, #tpu.memory_space<hbm>>) dst(%arg13 : memref<128x128xf32, #tpu.memory_space<vmem>>)
    "tpu.region"() ({
      %run_scoped3A = tpu.sem_alloc : memref<!tpu.dma_semaphore, #tpu.memory_space<semaphore_mem>>
      %dma_start3A_25 = arith.constant 0 : i32
      %dma_start3A_26 = tpu.memref_slice %arg10[%mul3A_2, %dma_start3A_25] : memref<4096x128xf32, #tpu.memory_space<hbm>> -> memref<128x128xf32, #tpu.memory_space<hbm>>
      %dma_start3A_27 = arith.constant 0 : i32
      %dma_start3A_28 = tpu.memref_slice %arg10[%mul3A_2, %dma_start3A_27] : memref<4096x128xf32, #tpu.memory_space<hbm>> -> memref<128x128xf32, #tpu.memory_space<hbm>>
      tpu.enqueue_dma source(%arg13 : memref<128x128xf32, #tpu.memory_space<vmem>>) target(%dma_start3A_28 : memref<128x128xf32, #tpu.memory_space<hbm>>) target_semaphore(%run_scoped3A : memref<!tpu.dma_semaphore, #tpu.memory_space<semaphore_mem>>)
      %dma_wait3A_29 = arith.constant 0 : i32
      %dma_wait3A_30 = tpu.memref_slice %arg10[%mul3A_2, %dma_wait3A_29] : memref<4096x128xf32, #tpu.memory_space<hbm>> -> memref<128x128xf32, #tpu.memory_space<hbm>>
      %dma_wait3A_31 = arith.constant 0 : i32
      %dma_wait3A_32 = tpu.memref_slice %arg10[%mul3A_2, %dma_wait3A_31] : memref<4096x128xf32, #tpu.memory_space<hbm>> -> memref<128x128xf32, #tpu.memory_space<hbm>>
      tpu.wait_dma2 semaphore(%run_scoped3A : memref<!tpu.dma_semaphore, #tpu.memory_space<semaphore_mem>>) src(%arg13 : memref<128x128xf32, #tpu.memory_space<vmem>>) dst(%dma_wait3A_32 : memref<128x128xf32, #tpu.memory_space<hbm>>)
      tpu.yield
    }) : () -> ()
    "tpu.region"() ({
      %run_scoped3A = tpu.sem_alloc : memref<!tpu.dma_semaphore, #tpu.memory_space<semaphore_mem>>
      %dma_start3A_25 = tpu.memref_slice %arg7[%mul3A_2] : memref<4096xi32, #tpu.memory_space<hbm>> -> memref<128xi32, #tpu.memory_space<hbm>>
      %dma_start3A_26 = tpu.memref_slice %arg7[%mul3A_2] : memref<4096xi32, #tpu.memory_space<hbm>> -> memref<128xi32, #tpu.memory_space<hbm>>
      tpu.enqueue_dma source(%dma_start3A_26 : memref<128xi32, #tpu.memory_space<hbm>>) target(%arg12 : memref<128xi32, #tpu.memory_space<vmem>>) target_semaphore(%run_scoped3A : memref<!tpu.dma_semaphore, #tpu.memory_space<semaphore_mem>>)
      %dma_wait3A_27 = tpu.memref_slice %arg7[%mul3A_2] : memref<4096xi32, #tpu.memory_space<hbm>> -> memref<128xi32, #tpu.memory_space<hbm>>
      %dma_wait3A_28 = tpu.memref_slice %arg7[%mul3A_2] : memref<4096xi32, #tpu.memory_space<hbm>> -> memref<128xi32, #tpu.memory_space<hbm>>
      tpu.wait_dma2 semaphore(%run_scoped3A : memref<!tpu.dma_semaphore, #tpu.memory_space<semaphore_mem>>) src(%dma_wait3A_28 : memref<128xi32, #tpu.memory_space<hbm>>) dst(%arg12 : memref<128xi32, #tpu.memory_space<vmem>>)
      tpu.yield
    }) : () -> ()
    %dma_start3A_19 = arith.constant 0 : i32
    %dma_start3A_20 = arith.constant 0 : i32
    %dma_start3A_21 = tpu.memref_slice %arg3[%dma_start3A_19, %dma_start3A_20] : memref<5000x128xf32, #tpu.memory_space<hbm>> -> memref<5000x128xf32, #tpu.memory_space<hbm>>
    tpu.enqueue_indirect_dma source(%dma_start3A_21 : memref<5000x128xf32, #tpu.memory_space<hbm>>) target(%arg13 : memref<128x128xf32, #tpu.memory_space<vmem>>) offsets(%arg12 : memref<128xi32, #tpu.memory_space<vmem>>) semaphore(%arg14 : memref<!tpu.dma_semaphore, #tpu.memory_space<semaphore_mem>>)
    %dma_wait3A_22 = arith.constant 0 : i32
    %dma_wait3A_23 = arith.constant 0 : i32
    %dma_wait3A_24 = tpu.memref_slice %arg3[%dma_wait3A_22, %dma_wait3A_23] : memref<5000x128xf32, #tpu.memory_space<hbm>> -> memref<5000x128xf32, #tpu.memory_space<hbm>>
    tpu.wait_indirect_dma semaphore(%arg14 : memref<!tpu.dma_semaphore, #tpu.memory_space<semaphore_mem>>) src(%dma_wait3A_24 : memref<5000x128xf32, #tpu.memory_space<hbm>>) dst(%arg13 : memref<128x128xf32, #tpu.memory_space<vmem>>)
    "tpu.region"() ({
      %run_scoped3A = tpu.sem_alloc : memref<!tpu.dma_semaphore, #tpu.memory_space<semaphore_mem>>
      %dma_start3A_25 = arith.constant 0 : i32
      %dma_start3A_26 = tpu.memref_slice %arg11[%mul3A_2, %dma_start3A_25] : memref<4096x128xf32, #tpu.memory_space<hbm>> -> memref<128x128xf32, #tpu.memory_space<hbm>>
      %dma_start3A_27 = arith.constant 0 : i32
      %dma_start3A_28 = tpu.memref_slice %arg11[%mul3A_2, %dma_start3A_27] : memref<4096x128xf32, #tpu.memory_space<hbm>> -> memref<128x128xf32, #tpu.memory_space<hbm>>
      tpu.enqueue_dma source(%arg13 : memref<128x128xf32, #tpu.memory_space<vmem>>) target(%dma_start3A_28 : memref<128x128xf32, #tpu.memory_space<hbm>>) target_semaphore(%run_scoped3A : memref<!tpu.dma_semaphore, #tpu.memory_space<semaphore_mem>>)
      %dma_wait3A_29 = arith.constant 0 : i32
      %dma_wait3A_30 = tpu.memref_slice %arg11[%mul3A_2, %dma_wait3A_29] : memref<4096x128xf32, #tpu.memory_space<hbm>> -> memref<128x128xf32, #tpu.memory_space<hbm>>
      %dma_wait3A_31 = arith.constant 0 : i32
      %dma_wait3A_32 = tpu.memref_slice %arg11[%mul3A_2, %dma_wait3A_31] : memref<4096x128xf32, #tpu.memory_space<hbm>> -> memref<128x128xf32, #tpu.memory_space<hbm>>
      tpu.wait_dma2 semaphore(%run_scoped3A : memref<!tpu.dma_semaphore, #tpu.memory_space<semaphore_mem>>) src(%arg13 : memref<128x128xf32, #tpu.memory_space<vmem>>) dst(%dma_wait3A_32 : memref<128x128xf32, #tpu.memory_space<hbm>>)
      tpu.yield
    }) : () -> ()
    return
  }
}

module attributes {stable_mosaic.version = 14 : i64} {
  func.func @_p0_body(%arg0: i32, %arg1: memref<1000x5000xbf16, #tpu.memory_space<vmem>>, %arg2: memref<32x5000xf32, #tpu.memory_space<vmem>>, %arg3: memref<1000x64xf32, #tpu.memory_space<vmem>>, %arg4: memref<64x5000xf32, #tpu.memory_space<vmem>>, %arg5: memref<32x32xf32, #tpu.memory_space<vmem>>, %arg6: memref<32x5000xf32, #tpu.memory_space<vmem>>, %arg7: memref<1000x64xf32, #tpu.memory_space<vmem>>, %arg8: memref<64x5000xf32, #tpu.memory_space<vmem>>, %arg9: memref<1x1xf32, #tpu.memory_space<vmem>>) attributes {dimension_semantics = [#tpu.dimension_semantics<arbitrary>], iteration_bounds = array<i64: 10>, scalar_prefetch = 0 : i64, scratch_operands = 0 : i64, tpu.core_type = #tpu.core_type<tc>, window_params = [{transform_indices = @transform_0, window_bounds = array<i64: 1000, 5000>}, {pipeline_mode = #tpu.pipeline_mode<synchronous>, transform_indices = @transform_1, window_bounds = array<i64: 32, 5000>}, {transform_indices = @transform_2, window_bounds = array<i64: 1000, 64>}, {pipeline_mode = #tpu.pipeline_mode<synchronous>, transform_indices = @transform_3, window_bounds = array<i64: 64, 5000>}, {pipeline_mode = #tpu.pipeline_mode<synchronous>, transform_indices = @transform_4, window_bounds = array<i64: 32, 32>}, {pipeline_mode = #tpu.pipeline_mode<synchronous>, transform_indices = @transform_5, window_bounds = array<i64: 32, 5000>}, {transform_indices = @transform_6, window_bounds = array<i64: 1000, 64>}, {pipeline_mode = #tpu.pipeline_mode<synchronous>, transform_indices = @transform_7, window_bounds = array<i64: 64, 5000>}, {pipeline_mode = #tpu.pipeline_mode<synchronous>, transform_indices = @transform_8, window_bounds = array<i64: 1, 1>}]} {
    %get3A = arith.constant 0 : index
    %get3A_0 = arith.constant 0 : index
    %get3A_1 = vector.load %arg1[%get3A, %get3A_0] : memref<1000x5000xbf16, #tpu.memory_space<vmem>>, vector<1000x5000xbf16>
    %get3A_2 = arith.constant 0 : index
    %get3A_3 = arith.constant 0 : index
    %get3A_4 = vector.load %arg2[%get3A_2, %get3A_3] : memref<32x5000xf32, #tpu.memory_space<vmem>>, vector<32x5000xf32>
    %convert_element_type3A = arith.truncf %get3A_4 : vector<32x5000xf32> to vector<32x5000xbf16>
    %dot_general3A = arith.constant dense<0.000000e+00> : vector<1000x32xf32>
    %dot_general3A_5 = tpu.matmul %get3A_1, %convert_element_type3A, %dot_general3A {dimension_numbers = #tpu.dot_dimension_numbers<[1], [1], [0], [0], [0, 0, 1, 0], [], []>, transpose_lhs_hint = false} : vector<1000x5000xbf16>, vector<32x5000xbf16>, vector<1000x32xf32> -> vector<1000x32xf32>
    %get3A_6 = arith.constant 0 : index
    %get3A_7 = arith.constant 0 : index
    %get3A_8 = vector.load %arg1[%get3A_6, %get3A_7] : memref<1000x5000xbf16, #tpu.memory_space<vmem>>, vector<1000x5000xbf16>
    %get3A_9 = arith.constant 0 : index
    %get3A_10 = arith.constant 0 : index
    %get3A_11 = vector.load %arg4[%get3A_9, %get3A_10] : memref<64x5000xf32, #tpu.memory_space<vmem>>, vector<64x5000xf32>
    %convert_element_type3A_12 = arith.truncf %get3A_11 : vector<64x5000xf32> to vector<64x5000xbf16>
    %dot_general3A_13 = arith.constant dense<0.000000e+00> : vector<1000x64xf32>
    %dot_general3A_14 = tpu.matmul %get3A_8, %convert_element_type3A_12, %dot_general3A_13 {dimension_numbers = #tpu.dot_dimension_numbers<[1], [1], [0], [0], [0, 0, 1, 0], [], []>, transpose_lhs_hint = false} : vector<1000x5000xbf16>, vector<64x5000xbf16>, vector<1000x64xf32> -> vector<1000x64xf32>
    %swap3A = arith.constant 0 : index
    %swap3A_15 = arith.constant 0 : index
    %swap3A_16 = vector.load %arg7[%swap3A, %swap3A_15] : memref<1000x64xf32, #tpu.memory_space<vmem>>, vector<1000x64xf32>
    tpu.vector_store %arg7[%swap3A, %swap3A_15], %dot_general3A_14 {strides = array<i32>} : memref<1000x64xf32, #tpu.memory_space<vmem>>, vector<1000x64xf32>,
    %eq3A = arith.constant 0 : i32
    %eq3A_17 = arith.cmpi eq, %arg0, %eq3A : i32
    %convert_element_type3A_18 = arith.extui %eq3A_17 : i1 to i32
    %cond3A = arith.constant 0 : i32
    %cond3A_19 = arith.cmpi ne, %convert_element_type3A_18, %cond3A : i32
    scf.if %cond3A_19 {
      %broadcast_in_dim3A = arith.constant 0.000000e+00 : f32
      %broadcast_in_dim3A_74 = vector.broadcast %broadcast_in_dim3A : f32 to vector<32x32xf32>
      %swap3A_75 = arith.constant 0 : index
      %swap3A_76 = arith.constant 0 : index
      %swap3A_77 = vector.load %arg5[%swap3A_75, %swap3A_76] : memref<32x32xf32, #tpu.memory_space<vmem>>, vector<32x32xf32>
      tpu.vector_store %arg5[%swap3A_75, %swap3A_76], %broadcast_in_dim3A_74 {strides = array<i32>} : memref<32x32xf32, #tpu.memory_space<vmem>>, vector<32x32xf32>,
      %broadcast_in_dim3A_78 = arith.constant 0.000000e+00 : f32
      %broadcast_in_dim3A_79 = vector.broadcast %broadcast_in_dim3A_78 : f32 to vector<32x5000xf32>
      %swap3A_80 = arith.constant 0 : index
      %swap3A_81 = arith.constant 0 : index
      %swap3A_82 = vector.load %arg6[%swap3A_80, %swap3A_81] : memref<32x5000xf32, #tpu.memory_space<vmem>>, vector<32x5000xf32>
      tpu.vector_store %arg6[%swap3A_80, %swap3A_81], %broadcast_in_dim3A_79 {strides = array<i32>} : memref<32x5000xf32, #tpu.memory_space<vmem>>, vector<32x5000xf32>,
      %broadcast_in_dim3A_83 = arith.constant 0.000000e+00 : f32
      %broadcast_in_dim3A_84 = vector.broadcast %broadcast_in_dim3A_83 : f32 to vector<64x5000xf32>
      %swap3A_85 = arith.constant 0 : index
      %swap3A_86 = arith.constant 0 : index
      %swap3A_87 = vector.load %arg8[%swap3A_85, %swap3A_86] : memref<64x5000xf32, #tpu.memory_space<vmem>>, vector<64x5000xf32>
      tpu.vector_store %arg8[%swap3A_85, %swap3A_86], %broadcast_in_dim3A_84 {strides = array<i32>} : memref<64x5000xf32, #tpu.memory_space<vmem>>, vector<64x5000xf32>,
      %get3A_88 = arith.constant 0 : index
      %get3A_89 = arith.constant 0 : index
      %get3A_90 = vector.load %arg4[%get3A_88, %get3A_89] : memref<64x5000xf32, #tpu.memory_space<vmem>>, vector<64x5000xf32>
      %get3A_91 = arith.constant 0 : index
      %get3A_92 = arith.constant 0 : index
      %get3A_93 = vector.load %arg4[%get3A_91, %get3A_92] : memref<64x5000xf32, #tpu.memory_space<vmem>>, vector<64x5000xf32>
      %mul3A_94 = arith.mulf %get3A_90, %get3A_93 : vector<64x5000xf32>
      %reduce_sum3A_95 = vector.shape_cast %mul3A_94 : vector<64x5000xf32> to vector<1x64x5000xf32>
      %reduce_sum3A_96 = arith.constant dense<0.000000e+00> : vector<1xf32>
      %reduce_sum3A_97 = vector.multi_reduction <add>, %reduce_sum3A_95, %reduce_sum3A_96 [1, 2] : vector<1x64x5000xf32> to vector<1xf32>
      %reduce_sum3A_98 = vector.shape_cast %reduce_sum3A_97 : vector<1xf32> to vector<1x1x1xf32>
      %reduce_sum3A_99 = vector.extract %reduce_sum3A_98[0, 0, 0] : f32 from vector<1x1x1xf32>
      %reshape3A_100 = vector.broadcast %reduce_sum3A_99 : f32 to vector<1x1xf32>
      %swap3A_101 = arith.constant 0 : index
      %swap3A_102 = arith.constant 0 : index
      %swap3A_103 = vector.load %arg9[%swap3A_101, %swap3A_102] : memref<1x1xf32, #tpu.memory_space<vmem>>, vector<1x1xf32>
      tpu.vector_store %arg9[%swap3A_101, %swap3A_102], %reshape3A_100 {strides = array<i32>} : memref<1x1xf32, #tpu.memory_space<vmem>>, vector<1x1xf32>,
    } else {
    }
    %get3A_20 = arith.constant 0 : index
    %get3A_21 = arith.constant 0 : index
    %get3A_22 = vector.load %arg5[%get3A_20, %get3A_21] : memref<32x32xf32, #tpu.memory_space<vmem>>, vector<32x32xf32>
    %dot_general3A_23 = arith.constant dense<0.000000e+00> : vector<32x32xf32>
    %dot_general3A_24 = tpu.matmul %dot_general3A_5, %dot_general3A_5, %dot_general3A_23 {dimension_numbers = #tpu.dot_dimension_numbers<[0], [0], [1], [1], [0, 1, 1, 1], [], []>, transpose_lhs_hint = false} : vector<1000x32xf32>, vector<1000x32xf32>, vector<32x32xf32> -> vector<32x32xf32>
    %add3A = arith.addf %get3A_22, %dot_general3A_24 : vector<32x32xf32>
    %swap3A_25 = arith.constant 0 : index
    %swap3A_26 = arith.constant 0 : index
    %swap3A_27 = vector.load %arg5[%swap3A_25, %swap3A_26] : memref<32x32xf32, #tpu.memory_space<vmem>>, vector<32x32xf32>
    tpu.vector_store %arg5[%swap3A_25, %swap3A_26], %add3A {strides = array<i32>} : memref<32x32xf32, #tpu.memory_space<vmem>>, vector<32x32xf32>,
    %get3A_28 = arith.constant 0 : index
    %get3A_29 = arith.constant 0 : index
    %get3A_30 = vector.load %arg6[%get3A_28, %get3A_29] : memref<32x5000xf32, #tpu.memory_space<vmem>>, vector<32x5000xf32>
    %convert_element_type3A_31 = arith.truncf %dot_general3A_5 : vector<1000x32xf32> to vector<1000x32xbf16>
    %get3A_32 = arith.constant 0 : index
    %get3A_33 = arith.constant 0 : index
    %get3A_34 = vector.load %arg1[%get3A_32, %get3A_33] : memref<1000x5000xbf16, #tpu.memory_space<vmem>>, vector<1000x5000xbf16>
    %dot_general3A_35 = arith.constant dense<0.000000e+00> : vector<32x5000xf32>
    %dot_general3A_36 = tpu.matmul %convert_element_type3A_31, %get3A_34, %dot_general3A_35 {dimension_numbers = #tpu.dot_dimension_numbers<[0], [0], [1], [1], [0, 1, 1, 1], [], []>, transpose_lhs_hint = false} : vector<1000x32xbf16>, vector<1000x5000xbf16>, vector<32x5000xf32> -> vector<32x5000xf32>
    %add3A_37 = arith.addf %get3A_30, %dot_general3A_36 : vector<32x5000xf32>
    %swap3A_38 = arith.constant 0 : index
    %swap3A_39 = arith.constant 0 : index
    %swap3A_40 = vector.load %arg6[%swap3A_38, %swap3A_39] : memref<32x5000xf32, #tpu.memory_space<vmem>>, vector<32x5000xf32>
    tpu.vector_store %arg6[%swap3A_38, %swap3A_39], %add3A_37 {strides = array<i32>} : memref<32x5000xf32, #tpu.memory_space<vmem>>, vector<32x5000xf32>,
    %get3A_41 = arith.constant 0 : index
    %get3A_42 = arith.constant 0 : index
    %get3A_43 = vector.load %arg8[%get3A_41, %get3A_42] : memref<64x5000xf32, #tpu.memory_space<vmem>>, vector<64x5000xf32>
    %get3A_44 = arith.constant 0 : index
    %get3A_45 = arith.constant 0 : index
    %get3A_46 = vector.load %arg3[%get3A_44, %get3A_45] : memref<1000x64xf32, #tpu.memory_space<vmem>>, vector<1000x64xf32>
    %convert_element_type3A_47 = arith.truncf %get3A_46 : vector<1000x64xf32> to vector<1000x64xbf16>
    %get3A_48 = arith.constant 0 : index
    %get3A_49 = arith.constant 0 : index
    %get3A_50 = vector.load %arg1[%get3A_48, %get3A_49] : memref<1000x5000xbf16, #tpu.memory_space<vmem>>, vector<1000x5000xbf16>
    %dot_general3A_51 = arith.constant dense<0.000000e+00> : vector<64x5000xf32>
    %dot_general3A_52 = tpu.matmul %convert_element_type3A_47, %get3A_50, %dot_general3A_51 {dimension_numbers = #tpu.dot_dimension_numbers<[0], [0], [1], [1], [0, 1, 1, 1], [], []>, transpose_lhs_hint = false} : vector<1000x64xbf16>, vector<1000x5000xbf16>, vector<64x5000xf32> -> vector<64x5000xf32>
    %add3A_53 = arith.addf %get3A_43, %dot_general3A_52 : vector<64x5000xf32>
    %swap3A_54 = arith.constant 0 : index
    %swap3A_55 = arith.constant 0 : index
    %swap3A_56 = vector.load %arg8[%swap3A_54, %swap3A_55] : memref<64x5000xf32, #tpu.memory_space<vmem>>, vector<64x5000xf32>
    tpu.vector_store %arg8[%swap3A_54, %swap3A_55], %add3A_53 {strides = array<i32>} : memref<64x5000xf32, #tpu.memory_space<vmem>>, vector<64x5000xf32>,
    %get3A_57 = arith.constant 0 : index
    %get3A_58 = arith.constant 0 : index
    %get3A_59 = vector.load %arg9[%get3A_57, %get3A_58] : memref<1x1xf32, #tpu.memory_space<vmem>>, vector<1x1xf32>
    %get3A_60 = arith.constant 0 : index
    %get3A_61 = arith.constant 0 : index
    %get3A_62 = vector.load %arg3[%get3A_60, %get3A_61] : memref<1000x64xf32, #tpu.memory_space<vmem>>, vector<1000x64xf32>
    %get3A_63 = arith.constant 0 : index
    %get3A_64 = arith.constant 0 : index
    %get3A_65 = vector.load %arg3[%get3A_63, %get3A_64] : memref<1000x64xf32, #tpu.memory_space<vmem>>, vector<1000x64xf32>
    %mul3A = arith.mulf %get3A_62, %get3A_65 : vector<1000x64xf32>
    %reduce_sum3A = vector.shape_cast %mul3A : vector<1000x64xf32> to vector<1x1000x64xf32>
    %reduce_sum3A_66 = arith.constant dense<0.000000e+00> : vector<1xf32>
    %reduce_sum3A_67 = vector.multi_reduction <add>, %reduce_sum3A, %reduce_sum3A_66 [1, 2] : vector<1x1000x64xf32> to vector<1xf32>
    %reduce_sum3A_68 = vector.shape_cast %reduce_sum3A_67 : vector<1xf32> to vector<1x1x1xf32>
    %reduce_sum3A_69 = vector.extract %reduce_sum3A_68[0, 0, 0] : f32 from vector<1x1x1xf32>
    %reshape3A = vector.broadcast %reduce_sum3A_69 : f32 to vector<1x1xf32>
    %add3A_70 = arith.addf %get3A_59, %reshape3A : vector<1x1xf32>
    %swap3A_71 = arith.constant 0 : index
    %swap3A_72 = arith.constant 0 : index
    %swap3A_73 = vector.load %arg9[%swap3A_71, %swap3A_72] : memref<1x1xf32, #tpu.memory_space<vmem>>, vector<1x1xf32>
    tpu.vector_store %arg9[%swap3A_71, %swap3A_72], %add3A_70 {strides = array<i32>} : memref<1x1xf32, #tpu.memory_space<vmem>>, vector<1x1xf32>,
    return
  }
  func.func @transform_0(%arg0: i32) -> (i32, i32) {
    %c0_i32 = arith.constant 0 : i32
    %c0_i32_0 = arith.constant 0 : i32
    return %arg0, %c0_i32 : i32, i32
  }
  func.func @transform_1(%arg0: i32) -> (i32, i32) {
    %c0_i32 = arith.constant 0 : i32
    %c0_i32_0 = arith.constant 0 : i32
    %c0_i32_1 = arith.constant 0 : i32
    return %c0_i32, %c0_i32_0 : i32, i32
  }
  func.func @transform_2(%arg0: i32) -> (i32, i32) {
    %c0_i32 = arith.constant 0 : i32
    %c0_i32_0 = arith.constant 0 : i32
    return %arg0, %c0_i32 : i32, i32
  }
  func.func @transform_3(%arg0: i32) -> (i32, i32) {
    %c0_i32 = arith.constant 0 : i32
    %c0_i32_0 = arith.constant 0 : i32
    %c0_i32_1 = arith.constant 0 : i32
    return %c0_i32, %c0_i32_0 : i32, i32
  }
  func.func @transform_4(%arg0: i32) -> (i32, i32) {
    %c0_i32 = arith.constant 0 : i32
    %c0_i32_0 = arith.constant 0 : i32
    %c0_i32_1 = arith.constant 0 : i32
    return %c0_i32, %c0_i32_0 : i32, i32
  }
  func.func @transform_5(%arg0: i32) -> (i32, i32) {
    %c0_i32 = arith.constant 0 : i32
    %c0_i32_0 = arith.constant 0 : i32
    %c0_i32_1 = arith.constant 0 : i32
    return %c0_i32, %c0_i32_0 : i32, i32
  }
  func.func @transform_6(%arg0: i32) -> (i32, i32) {
    %c0_i32 = arith.constant 0 : i32
    %c0_i32_0 = arith.constant 0 : i32
    return %arg0, %c0_i32 : i32, i32
  }
  func.func @transform_7(%arg0: i32) -> (i32, i32) {
    %c0_i32 = arith.constant 0 : i32
    %c0_i32_0 = arith.constant 0 : i32
    %c0_i32_1 = arith.constant 0 : i32
    return %c0_i32, %c0_i32_0 : i32, i32
  }
  func.func @transform_8(%arg0: i32) -> (i32, i32) {
    %c0_i32 = arith.constant 0 : i32
    %c0_i32_0 = arith.constant 0 : i32
    %c0_i32_1 = arith.constant 0 : i32
    return %c0_i32, %c0_i32_0 : i32, i32
  }
}

module attributes {stable_mosaic.version = 14 : i64} {
  func.func @_pb_body(%arg0: i32, %arg1: memref<1000x5000xbf16, #tpu.memory_space<vmem>>, %arg2: memref<32x32xf32, #tpu.memory_space<vmem>>, %arg3: memref<32x5000xf32, #tpu.memory_space<vmem>>, %arg4: memref<32x32xf32, #tpu.memory_space<vmem>>, %arg5: memref<32x5000xf32, #tpu.memory_space<vmem>>, %arg6: memref<32x5000xbf16, #tpu.memory_space<vmem>>) attributes {dimension_semantics = [#tpu.dimension_semantics<arbitrary>], iteration_bounds = array<i64: 10>, scalar_prefetch = 0 : i64, scratch_operands = 1 : i64, tpu.core_type = #tpu.core_type<tc>, window_params = [{transform_indices = @transform_0, window_bounds = array<i64: 1000, 5000>}, {pipeline_mode = #tpu.pipeline_mode<synchronous>, transform_indices = @transform_1, window_bounds = array<i64: 32, 32>}, {pipeline_mode = #tpu.pipeline_mode<synchronous>, transform_indices = @transform_2, window_bounds = array<i64: 32, 5000>}, {pipeline_mode = #tpu.pipeline_mode<synchronous>, transform_indices = @transform_3, window_bounds = array<i64: 32, 32>}, {pipeline_mode = #tpu.pipeline_mode<synchronous>, transform_indices = @transform_4, window_bounds = array<i64: 32, 5000>}]} {
    %eq3A = arith.constant 0 : i32
    %eq3A_0 = arith.cmpi eq, %arg0, %eq3A : i32
    %convert_element_type3A = arith.extui %eq3A_0 : i1 to i32
    %cond3A = arith.constant 0 : i32
    %cond3A_1 = arith.cmpi ne, %convert_element_type3A, %cond3A : i32
    scf.if %cond3A_1 {
      %get3A_28 = arith.constant 0 : index
      %get3A_29 = arith.constant 0 : index
      %get3A_30 = vector.load %arg2[%get3A_28, %get3A_29] : memref<32x32xf32, #tpu.memory_space<vmem>>, vector<32x32xf32>
      %get3A_31 = arith.constant 0 : index
      %get3A_32 = arith.constant 0 : index
      %get3A_33 = vector.load %arg3[%get3A_31, %get3A_32] : memref<32x5000xf32, #tpu.memory_space<vmem>>, vector<32x5000xf32>
      %iota3A = tpu.iota {dimensions = array<i32: 0>} : vector<32x32xi32>
      %iota3A_34 = tpu.iota {dimensions = array<i32: 1>} : vector<32x32xi32>
      %eq3A_35 = arith.cmpi eq, %iota3A, %iota3A_34 : vector<32x32xi32>
      %jit3A = arith.constant 1.000000e+00 : f32
      %jit3A_36 = arith.constant 0.000000e+00 : f32
      %broadcast_in_dim3A = vector.broadcast %jit3A : f32 to vector<32x32xf32>
      %broadcast_in_dim3A_37 = vector.broadcast %jit3A_36 : f32 to vector<32x32xf32>
      %select_n3A = arith.select %eq3A_35, %broadcast_in_dim3A, %broadcast_in_dim3A_37 : vector<32x32xi1>, vector<32x32xf32>
      %iota3A_38 = tpu.iota {dimensions = array<i32: 0>} : vector<32x32xi32>
      %iota3A_39 = tpu.iota {dimensions = array<i32: 1>} : vector<32x32xi32>
      %eq3A_40 = arith.cmpi eq, %iota3A_38, %iota3A_39 : vector<32x32xi32>
      %jit3A_41 = arith.constant 0.000000e+00 : f32
      %broadcast_in_dim3A_42 = vector.broadcast %jit3A_41 : f32 to vector<32x32xf32>
      %select_n3A_43 = arith.select %eq3A_40, %get3A_30, %broadcast_in_dim3A_42 : vector<32x32xi1>, vector<32x32xf32>
      %reduce_sum3A = vector.shape_cast %select_n3A_43 : vector<32x32xf32> to vector<1x32x32xf32>
      %reduce_sum3A_44 = arith.constant dense<0.000000e+00> : vector<1xf32>
      %reduce_sum3A_45 = vector.multi_reduction <add>, %reduce_sum3A, %reduce_sum3A_44 [1, 2] : vector<1x32x32xf32> to vector<1xf32>
      %reduce_sum3A_46 = vector.shape_cast %reduce_sum3A_45 : vector<1xf32> to vector<1x1x1xf32>
      %reduce_sum3A_47 = vector.extract %reduce_sum3A_46[0, 0, 0] : f32 from vector<1x1x1xf32>
      %div3A = arith.constant 1.000000e+00 : f32
      %div3A_48 = arith.divf %div3A, %reduce_sum3A_47 : f32
      %mul3A = vector.broadcast %div3A_48 : f32 to vector<32x32xf32>
      %mul3A_49 = arith.mulf %get3A_30, %mul3A : vector<32x32xf32>
      %mul3A_50 = arith.constant 1.500000e+00 : f32
      %mul3A_51 = vector.broadcast %mul3A_50 : f32 to vector<32x32xf32>
      %mul3A_52 = arith.mulf %mul3A_51, %select_n3A : vector<32x32xf32>
      %dot_general3A_53 = arith.constant dense<0.000000e+00> : vector<32x32xf32>
      %dot_general3A_54 = tpu.matmul %select_n3A, %mul3A_49, %dot_general3A_53 {dimension_numbers = #tpu.dot_dimension_numbers<[1], [0], [0], [1], [0, 0, 1, 1], [], []>, precision = #tpu.contract_precision<fp32>, transpose_lhs_hint = false} : vector<32x32xf32>, vector<32x32xf32>, vector<32x32xf32> -> vector<32x32xf32>
      %mul3A_55 = arith.constant 5.000000e-01 : f32
      %mul3A_56 = vector.broadcast %mul3A_55 : f32 to vector<32x32xf32>
      %mul3A_57 = arith.mulf %mul3A_56, %dot_general3A_54 : vector<32x32xf32>
      %sub3A = arith.subf %mul3A_52, %mul3A_57 : vector<32x32xf32>
      %dot_general3A_58 = arith.constant dense<0.000000e+00> : vector<32x32xf32>
      %dot_general3A_59 = tpu.matmul %mul3A_49, %sub3A, %dot_general3A_58 {dimension_numbers = #tpu.dot_dimension_numbers<[1], [0], [0], [1], [0, 0, 1, 1], [], []>, precision = #tpu.contract_precision<fp32>, transpose_lhs_hint = false} : vector<32x32xf32>, vector<32x32xf32>, vector<32x32xf32> -> vector<32x32xf32>
      %dot_general3A_60 = arith.constant dense<0.000000e+00> : vector<32x32xf32>
      %dot_general3A_61 = tpu.matmul %sub3A, %select_n3A, %dot_general3A_60 {dimension_numbers = #tpu.dot_dimension_numbers<[1], [0], [0], [1], [0, 0, 1, 1], [], []>, precision = #tpu.contract_precision<fp32>, transpose_lhs_hint = false} : vector<32x32xf32>, vector<32x32xf32>, vector<32x32xf32> -> vector<32x32xf32>
      %mul3A_62 = arith.constant 1.500000e+00 : f32
      %mul3A_63 = vector.broadcast %mul3A_62 : f32 to vector<32x32xf32>
      %mul3A_64 = arith.mulf %mul3A_63, %select_n3A : vector<32x32xf32>
      %dot_general3A_65 = arith.constant dense<0.000000e+00> : vector<32x32xf32>
      %dot_general3A_66 = tpu.matmul %dot_general3A_61, %dot_general3A_59, %dot_general3A_65 {dimension_numbers = #tpu.dot_dimension_numbers<[1], [0], [0], [1], [0, 0, 1, 1], [], []>, precision = #tpu.contract_precision<fp32>, transpose_lhs_hint = false} : vector<32x32xf32>, vector<32x32xf32>, vector<32x32xf32> -> vector<32x32xf32>
      %mul3A_67 = arith.constant 5.000000e-01 : f32
      %mul3A_68 = vector.broadcast %mul3A_67 : f32 to vector<32x32xf32>
      %mul3A_69 = arith.mulf %mul3A_68, %dot_general3A_66 : vector<32x32xf32>
      %sub3A_70 = arith.subf %mul3A_64, %mul3A_69 : vector<32x32xf32>
      %dot_general3A_71 = arith.constant dense<0.000000e+00> : vector<32x32xf32>
      %dot_general3A_72 = tpu.matmul %dot_general3A_59, %sub3A_70, %dot_general3A_71 {dimension_numbers = #tpu.dot_dimension_numbers<[1], [0], [0], [1], [0, 0, 1, 1], [], []>, precision = #tpu.contract_precision<fp32>, transpose_lhs_hint = false} : vector<32x32xf32>, vector<32x32xf32>, vector<32x32xf32> -> vector<32x32xf32>
      %dot_general3A_73 = arith.constant dense<0.000000e+00> : vector<32x32xf32>
      %dot_general3A_74 = tpu.matmul %sub3A_70, %dot_general3A_61, %dot_general3A_73 {dimension_numbers = #tpu.dot_dimension_numbers<[1], [0], [0], [1], [0, 0, 1, 1], [], []>, precision = #tpu.contract_precision<fp32>, transpose_lhs_hint = false} : vector<32x32xf32>, vector<32x32xf32>, vector<32x32xf32> -> vector<32x32xf32>
      %mul3A_75 = arith.constant 1.500000e+00 : f32
      %mul3A_76 = vector.broadcast %mul3A_75 : f32 to vector<32x32xf32>
      %mul3A_77 = arith.mulf %mul3A_76, %select_n3A : vector<32x32xf32>
      %dot_general3A_78 = arith.constant dense<0.000000e+00> : vector<32x32xf32>
      %dot_general3A_79 = tpu.matmul %dot_general3A_74, %dot_general3A_72, %dot_general3A_78 {dimension_numbers = #tpu.dot_dimension_numbers<[1], [0], [0], [1], [0, 0, 1, 1], [], []>, precision = #tpu.contract_precision<fp32>, transpose_lhs_hint = false} : vector<32x32xf32>, vector<32x32xf32>, vector<32x32xf32> -> vector<32x32xf32>
      %mul3A_80 = arith.constant 5.000000e-01 : f32
      %mul3A_81 = vector.broadcast %mul3A_80 : f32 to vector<32x32xf32>
      %mul3A_82 = arith.mulf %mul3A_81, %dot_general3A_79 : vector<32x32xf32>
      %sub3A_83 = arith.subf %mul3A_77, %mul3A_82 : vector<32x32xf32>
      %dot_general3A_84 = arith.constant dense<0.000000e+00> : vector<32x32xf32>
      %dot_general3A_85 = tpu.matmul %dot_general3A_72, %sub3A_83, %dot_general3A_84 {dimension_numbers = #tpu.dot_dimension_numbers<[1], [0], [0], [1], [0, 0, 1, 1], [], []>, precision = #tpu.contract_precision<fp32>, transpose_lhs_hint = false} : vector<32x32xf32>, vector<32x32xf32>, vector<32x32xf32> -> vector<32x32xf32>
      %dot_general3A_86 = arith.constant dense<0.000000e+00> : vector<32x32xf32>
      %dot_general3A_87 = tpu.matmul %sub3A_83, %dot_general3A_74, %dot_general3A_86 {dimension_numbers = #tpu.dot_dimension_numbers<[1], [0], [0], [1], [0, 0, 1, 1], [], []>, precision = #tpu.contract_precision<fp32>, transpose_lhs_hint = false} : vector<32x32xf32>, vector<32x32xf32>, vector<32x32xf32> -> vector<32x32xf32>
      %mul3A_88 = arith.constant 1.500000e+00 : f32
      %mul3A_89 = vector.broadcast %mul3A_88 : f32 to vector<32x32xf32>
      %mul3A_90 = arith.mulf %mul3A_89, %select_n3A : vector<32x32xf32>
      %dot_general3A_91 = arith.constant dense<0.000000e+00> : vector<32x32xf32>
      %dot_general3A_92 = tpu.matmul %dot_general3A_87, %dot_general3A_85, %dot_general3A_91 {dimension_numbers = #tpu.dot_dimension_numbers<[1], [0], [0], [1], [0, 0, 1, 1], [], []>, precision = #tpu.contract_precision<fp32>, transpose_lhs_hint = false} : vector<32x32xf32>, vector<32x32xf32>, vector<32x32xf32> -> vector<32x32xf32>
      %mul3A_93 = arith.constant 5.000000e-01 : f32
      %mul3A_94 = vector.broadcast %mul3A_93 : f32 to vector<32x32xf32>
      %mul3A_95 = arith.mulf %mul3A_94, %dot_general3A_92 : vector<32x32xf32>
      %sub3A_96 = arith.subf %mul3A_90, %mul3A_95 : vector<32x32xf32>
      %dot_general3A_97 = arith.constant dense<0.000000e+00> : vector<32x32xf32>
      %dot_general3A_98 = tpu.matmul %dot_general3A_85, %sub3A_96, %dot_general3A_97 {dimension_numbers = #tpu.dot_dimension_numbers<[1], [0], [0], [1], [0, 0, 1, 1], [], []>, precision = #tpu.contract_precision<fp32>, transpose_lhs_hint = false} : vector<32x32xf32>, vector<32x32xf32>, vector<32x32xf32> -> vector<32x32xf32>
      %dot_general3A_99 = arith.constant dense<0.000000e+00> : vector<32x32xf32>
      %dot_general3A_100 = tpu.matmul %sub3A_96, %dot_general3A_87, %dot_general3A_99 {dimension_numbers = #tpu.dot_dimension_numbers<[1], [0], [0], [1], [0, 0, 1, 1], [], []>, precision = #tpu.contract_precision<fp32>, transpose_lhs_hint = false} : vector<32x32xf32>, vector<32x32xf32>, vector<32x32xf32> -> vector<32x32xf32>
      %mul3A_101 = arith.constant 1.500000e+00 : f32
      %mul3A_102 = vector.broadcast %mul3A_101 : f32 to vector<32x32xf32>
      %mul3A_103 = arith.mulf %mul3A_102, %select_n3A : vector<32x32xf32>
      %dot_general3A_104 = arith.constant dense<0.000000e+00> : vector<32x32xf32>
      %dot_general3A_105 = tpu.matmul %dot_general3A_100, %dot_general3A_98, %dot_general3A_104 {dimension_numbers = #tpu.dot_dimension_numbers<[1], [0], [0], [1], [0, 0, 1, 1], [], []>, precision = #tpu.contract_precision<fp32>, transpose_lhs_hint = false} : vector<32x32xf32>, vector<32x32xf32>, vector<32x32xf32> -> vector<32x32xf32>
      %mul3A_106 = arith.constant 5.000000e-01 : f32
      %mul3A_107 = vector.broadcast %mul3A_106 : f32 to vector<32x32xf32>
      %mul3A_108 = arith.mulf %mul3A_107, %dot_general3A_105 : vector<32x32xf32>
      %sub3A_109 = arith.subf %mul3A_103, %mul3A_108 : vector<32x32xf32>
      %dot_general3A_110 = arith.constant dense<0.000000e+00> : vector<32x32xf32>
      %dot_general3A_111 = tpu.matmul %dot_general3A_98, %sub3A_109, %dot_general3A_110 {dimension_numbers = #tpu.dot_dimension_numbers<[1], [0], [0], [1], [0, 0, 1, 1], [], []>, precision = #tpu.contract_precision<fp32>, transpose_lhs_hint = false} : vector<32x32xf32>, vector<32x32xf32>, vector<32x32xf32> -> vector<32x32xf32>
      %dot_general3A_112 = arith.constant dense<0.000000e+00> : vector<32x32xf32>
      %dot_general3A_113 = tpu.matmul %sub3A_109, %dot_general3A_100, %dot_general3A_112 {dimension_numbers = #tpu.dot_dimension_numbers<[1], [0], [0], [1], [0, 0, 1, 1], [], []>, precision = #tpu.contract_precision<fp32>, transpose_lhs_hint = false} : vector<32x32xf32>, vector<32x32xf32>, vector<32x32xf32> -> vector<32x32xf32>
      %mul3A_114 = arith.constant 1.500000e+00 : f32
      %mul3A_115 = vector.broadcast %mul3A_114 : f32 to vector<32x32xf32>
      %mul3A_116 = arith.mulf %mul3A_115, %select_n3A : vector<32x32xf32>
      %dot_general3A_117 = arith.constant dense<0.000000e+00> : vector<32x32xf32>
      %dot_general3A_118 = tpu.matmul %dot_general3A_113, %dot_general3A_111, %dot_general3A_117 {dimension_numbers = #tpu.dot_dimension_numbers<[1], [0], [0], [1], [0, 0, 1, 1], [], []>, precision = #tpu.contract_precision<fp32>, transpose_lhs_hint = false} : vector<32x32xf32>, vector<32x32xf32>, vector<32x32xf32> -> vector<32x32xf32>
      %mul3A_119 = arith.constant 5.000000e-01 : f32
      %mul3A_120 = vector.broadcast %mul3A_119 : f32 to vector<32x32xf32>
      %mul3A_121 = arith.mulf %mul3A_120, %dot_general3A_118 : vector<32x32xf32>
      %sub3A_122 = arith.subf %mul3A_116, %mul3A_121 : vector<32x32xf32>
      %dot_general3A_123 = arith.constant dense<0.000000e+00> : vector<32x32xf32>
      %dot_general3A_124 = tpu.matmul %dot_general3A_111, %sub3A_122, %dot_general3A_123 {dimension_numbers = #tpu.dot_dimension_numbers<[1], [0], [0], [1], [0, 0, 1, 1], [], []>, precision = #tpu.contract_precision<fp32>, transpose_lhs_hint = false} : vector<32x32xf32>, vector<32x32xf32>, vector<32x32xf32> -> vector<32x32xf32>
      %dot_general3A_125 = arith.constant dense<0.000000e+00> : vector<32x32xf32>
      %dot_general3A_126 = tpu.matmul %sub3A_122, %dot_general3A_113, %dot_general3A_125 {dimension_numbers = #tpu.dot_dimension_numbers<[1], [0], [0], [1], [0, 0, 1, 1], [], []>, precision = #tpu.contract_precision<fp32>, transpose_lhs_hint = false} : vector<32x32xf32>, vector<32x32xf32>, vector<32x32xf32> -> vector<32x32xf32>
      %mul3A_127 = arith.constant 1.500000e+00 : f32
      %mul3A_128 = vector.broadcast %mul3A_127 : f32 to vector<32x32xf32>
      %mul3A_129 = arith.mulf %mul3A_128, %select_n3A : vector<32x32xf32>
      %dot_general3A_130 = arith.constant dense<0.000000e+00> : vector<32x32xf32>
      %dot_general3A_131 = tpu.matmul %dot_general3A_126, %dot_general3A_124, %dot_general3A_130 {dimension_numbers = #tpu.dot_dimension_numbers<[1], [0], [0], [1], [0, 0, 1, 1], [], []>, precision = #tpu.contract_precision<fp32>, transpose_lhs_hint = false} : vector<32x32xf32>, vector<32x32xf32>, vector<32x32xf32> -> vector<32x32xf32>
      %mul3A_132 = arith.constant 5.000000e-01 : f32
      %mul3A_133 = vector.broadcast %mul3A_132 : f32 to vector<32x32xf32>
      %mul3A_134 = arith.mulf %mul3A_133, %dot_general3A_131 : vector<32x32xf32>
      %sub3A_135 = arith.subf %mul3A_129, %mul3A_134 : vector<32x32xf32>
      %dot_general3A_136 = arith.constant dense<0.000000e+00> : vector<32x32xf32>
      %dot_general3A_137 = tpu.matmul %dot_general3A_124, %sub3A_135, %dot_general3A_136 {dimension_numbers = #tpu.dot_dimension_numbers<[1], [0], [0], [1], [0, 0, 1, 1], [], []>, precision = #tpu.contract_precision<fp32>, transpose_lhs_hint = false} : vector<32x32xf32>, vector<32x32xf32>, vector<32x32xf32> -> vector<32x32xf32>
      %dot_general3A_138 = arith.constant dense<0.000000e+00> : vector<32x32xf32>
      %dot_general3A_139 = tpu.matmul %sub3A_135, %dot_general3A_126, %dot_general3A_138 {dimension_numbers = #tpu.dot_dimension_numbers<[1], [0], [0], [1], [0, 0, 1, 1], [], []>, precision = #tpu.contract_precision<fp32>, transpose_lhs_hint = false} : vector<32x32xf32>, vector<32x32xf32>, vector<32x32xf32> -> vector<32x32xf32>
      %mul3A_140 = arith.constant 1.500000e+00 : f32
      %mul3A_141 = vector.broadcast %mul3A_140 : f32 to vector<32x32xf32>
      %mul3A_142 = arith.mulf %mul3A_141, %select_n3A : vector<32x32xf32>
      %dot_general3A_143 = arith.constant dense<0.000000e+00> : vector<32x32xf32>
      %dot_general3A_144 = tpu.matmul %dot_general3A_139, %dot_general3A_137, %dot_general3A_143 {dimension_numbers = #tpu.dot_dimension_numbers<[1], [0], [0], [1], [0, 0, 1, 1], [], []>, precision = #tpu.contract_precision<fp32>, transpose_lhs_hint = false} : vector<32x32xf32>, vector<32x32xf32>, vector<32x32xf32> -> vector<32x32xf32>
      %mul3A_145 = arith.constant 5.000000e-01 : f32
      %mul3A_146 = vector.broadcast %mul3A_145 : f32 to vector<32x32xf32>
      %mul3A_147 = arith.mulf %mul3A_146, %dot_general3A_144 : vector<32x32xf32>
      %sub3A_148 = arith.subf %mul3A_142, %mul3A_147 : vector<32x32xf32>
      %dot_general3A_149 = arith.constant dense<0.000000e+00> : vector<32x32xf32>
      %dot_general3A_150 = tpu.matmul %dot_general3A_137, %sub3A_148, %dot_general3A_149 {dimension_numbers = #tpu.dot_dimension_numbers<[1], [0], [0], [1], [0, 0, 1, 1], [], []>, precision = #tpu.contract_precision<fp32>, transpose_lhs_hint = false} : vector<32x32xf32>, vector<32x32xf32>, vector<32x32xf32> -> vector<32x32xf32>
      %dot_general3A_151 = arith.constant dense<0.000000e+00> : vector<32x32xf32>
      %dot_general3A_152 = tpu.matmul %sub3A_148, %dot_general3A_139, %dot_general3A_151 {dimension_numbers = #tpu.dot_dimension_numbers<[1], [0], [0], [1], [0, 0, 1, 1], [], []>, precision = #tpu.contract_precision<fp32>, transpose_lhs_hint = false} : vector<32x32xf32>, vector<32x32xf32>, vector<32x32xf32> -> vector<32x32xf32>
      %mul3A_153 = arith.constant 1.500000e+00 : f32
      %mul3A_154 = vector.broadcast %mul3A_153 : f32 to vector<32x32xf32>
      %mul3A_155 = arith.mulf %mul3A_154, %select_n3A : vector<32x32xf32>
      %dot_general3A_156 = arith.constant dense<0.000000e+00> : vector<32x32xf32>
      %dot_general3A_157 = tpu.matmul %dot_general3A_152, %dot_general3A_150, %dot_general3A_156 {dimension_numbers = #tpu.dot_dimension_numbers<[1], [0], [0], [1], [0, 0, 1, 1], [], []>, precision = #tpu.contract_precision<fp32>, transpose_lhs_hint = false} : vector<32x32xf32>, vector<32x32xf32>, vector<32x32xf32> -> vector<32x32xf32>
      %mul3A_158 = arith.constant 5.000000e-01 : f32
      %mul3A_159 = vector.broadcast %mul3A_158 : f32 to vector<32x32xf32>
      %mul3A_160 = arith.mulf %mul3A_159, %dot_general3A_157 : vector<32x32xf32>
      %sub3A_161 = arith.subf %mul3A_155, %mul3A_160 : vector<32x32xf32>
      %dot_general3A_162 = arith.constant dense<0.000000e+00> : vector<32x32xf32>
      %dot_general3A_163 = tpu.matmul %dot_general3A_150, %sub3A_161, %dot_general3A_162 {dimension_numbers = #tpu.dot_dimension_numbers<[1], [0], [0], [1], [0, 0, 1, 1], [], []>, precision = #tpu.contract_precision<fp32>, transpose_lhs_hint = false} : vector<32x32xf32>, vector<32x32xf32>, vector<32x32xf32> -> vector<32x32xf32>
      %dot_general3A_164 = arith.constant dense<0.000000e+00> : vector<32x32xf32>
      %dot_general3A_165 = tpu.matmul %sub3A_161, %dot_general3A_152, %dot_general3A_164 {dimension_numbers = #tpu.dot_dimension_numbers<[1], [0], [0], [1], [0, 0, 1, 1], [], []>, precision = #tpu.contract_precision<fp32>, transpose_lhs_hint = false} : vector<32x32xf32>, vector<32x32xf32>, vector<32x32xf32> -> vector<32x32xf32>
      %mul3A_166 = arith.constant 1.500000e+00 : f32
      %mul3A_167 = vector.broadcast %mul3A_166 : f32 to vector<32x32xf32>
      %mul3A_168 = arith.mulf %mul3A_167, %select_n3A : vector<32x32xf32>
      %dot_general3A_169 = arith.constant dense<0.000000e+00> : vector<32x32xf32>
      %dot_general3A_170 = tpu.matmul %dot_general3A_165, %dot_general3A_163, %dot_general3A_169 {dimension_numbers = #tpu.dot_dimension_numbers<[1], [0], [0], [1], [0, 0, 1, 1], [], []>, precision = #tpu.contract_precision<fp32>, transpose_lhs_hint = false} : vector<32x32xf32>, vector<32x32xf32>, vector<32x32xf32> -> vector<32x32xf32>
      %mul3A_171 = arith.constant 5.000000e-01 : f32
      %mul3A_172 = vector.broadcast %mul3A_171 : f32 to vector<32x32xf32>
      %mul3A_173 = arith.mulf %mul3A_172, %dot_general3A_170 : vector<32x32xf32>
      %sub3A_174 = arith.subf %mul3A_168, %mul3A_173 : vector<32x32xf32>
      %dot_general3A_175 = arith.constant dense<0.000000e+00> : vector<32x32xf32>
      %dot_general3A_176 = tpu.matmul %dot_general3A_163, %sub3A_174, %dot_general3A_175 {dimension_numbers = #tpu.dot_dimension_numbers<[1], [0], [0], [1], [0, 0, 1, 1], [], []>, precision = #tpu.contract_precision<fp32>, transpose_lhs_hint = false} : vector<32x32xf32>, vector<32x32xf32>, vector<32x32xf32> -> vector<32x32xf32>
      %dot_general3A_177 = arith.constant dense<0.000000e+00> : vector<32x32xf32>
      %dot_general3A_178 = tpu.matmul %sub3A_174, %dot_general3A_165, %dot_general3A_177 {dimension_numbers = #tpu.dot_dimension_numbers<[1], [0], [0], [1], [0, 0, 1, 1], [], []>, precision = #tpu.contract_precision<fp32>, transpose_lhs_hint = false} : vector<32x32xf32>, vector<32x32xf32>, vector<32x32xf32> -> vector<32x32xf32>
      %mul3A_179 = arith.constant 1.500000e+00 : f32
      %mul3A_180 = vector.broadcast %mul3A_179 : f32 to vector<32x32xf32>
      %mul3A_181 = arith.mulf %mul3A_180, %select_n3A : vector<32x32xf32>
      %dot_general3A_182 = arith.constant dense<0.000000e+00> : vector<32x32xf32>
      %dot_general3A_183 = tpu.matmul %dot_general3A_178, %dot_general3A_176, %dot_general3A_182 {dimension_numbers = #tpu.dot_dimension_numbers<[1], [0], [0], [1], [0, 0, 1, 1], [], []>, precision = #tpu.contract_precision<fp32>, transpose_lhs_hint = false} : vector<32x32xf32>, vector<32x32xf32>, vector<32x32xf32> -> vector<32x32xf32>
      %mul3A_184 = arith.constant 5.000000e-01 : f32
      %mul3A_185 = vector.broadcast %mul3A_184 : f32 to vector<32x32xf32>
      %mul3A_186 = arith.mulf %mul3A_185, %dot_general3A_183 : vector<32x32xf32>
      %sub3A_187 = arith.subf %mul3A_181, %mul3A_186 : vector<32x32xf32>
      %dot_general3A_188 = arith.constant dense<0.000000e+00> : vector<32x32xf32>
      %dot_general3A_189 = tpu.matmul %dot_general3A_176, %sub3A_187, %dot_general3A_188 {dimension_numbers = #tpu.dot_dimension_numbers<[1], [0], [0], [1], [0, 0, 1, 1], [], []>, precision = #tpu.contract_precision<fp32>, transpose_lhs_hint = false} : vector<32x32xf32>, vector<32x32xf32>, vector<32x32xf32> -> vector<32x32xf32>
      %dot_general3A_190 = arith.constant dense<0.000000e+00> : vector<32x32xf32>
      %dot_general3A_191 = tpu.matmul %sub3A_187, %dot_general3A_178, %dot_general3A_190 {dimension_numbers = #tpu.dot_dimension_numbers<[1], [0], [0], [1], [0, 0, 1, 1], [], []>, precision = #tpu.contract_precision<fp32>, transpose_lhs_hint = false} : vector<32x32xf32>, vector<32x32xf32>, vector<32x32xf32> -> vector<32x32xf32>
      %mul3A_192 = arith.constant 1.500000e+00 : f32
      %mul3A_193 = vector.broadcast %mul3A_192 : f32 to vector<32x32xf32>
      %mul3A_194 = arith.mulf %mul3A_193, %select_n3A : vector<32x32xf32>
      %dot_general3A_195 = arith.constant dense<0.000000e+00> : vector<32x32xf32>
      %dot_general3A_196 = tpu.matmul %dot_general3A_191, %dot_general3A_189, %dot_general3A_195 {dimension_numbers = #tpu.dot_dimension_numbers<[1], [0], [0], [1], [0, 0, 1, 1], [], []>, precision = #tpu.contract_precision<fp32>, transpose_lhs_hint = false} : vector<32x32xf32>, vector<32x32xf32>, vector<32x32xf32> -> vector<32x32xf32>
      %mul3A_197 = arith.constant 5.000000e-01 : f32
      %mul3A_198 = vector.broadcast %mul3A_197 : f32 to vector<32x32xf32>
      %mul3A_199 = arith.mulf %mul3A_198, %dot_general3A_196 : vector<32x32xf32>
      %sub3A_200 = arith.subf %mul3A_194, %mul3A_199 : vector<32x32xf32>
      %dot_general3A_201 = arith.constant dense<0.000000e+00> : vector<32x32xf32>
      %dot_general3A_202 = tpu.matmul %dot_general3A_189, %sub3A_200, %dot_general3A_201 {dimension_numbers = #tpu.dot_dimension_numbers<[1], [0], [0], [1], [0, 0, 1, 1], [], []>, precision = #tpu.contract_precision<fp32>, transpose_lhs_hint = false} : vector<32x32xf32>, vector<32x32xf32>, vector<32x32xf32> -> vector<32x32xf32>
      %dot_general3A_203 = arith.constant dense<0.000000e+00> : vector<32x32xf32>
      %dot_general3A_204 = tpu.matmul %sub3A_200, %dot_general3A_191, %dot_general3A_203 {dimension_numbers = #tpu.dot_dimension_numbers<[1], [0], [0], [1], [0, 0, 1, 1], [], []>, precision = #tpu.contract_precision<fp32>, transpose_lhs_hint = false} : vector<32x32xf32>, vector<32x32xf32>, vector<32x32xf32> -> vector<32x32xf32>
      %mul3A_205 = arith.constant 1.500000e+00 : f32
      %mul3A_206 = vector.broadcast %mul3A_205 : f32 to vector<32x32xf32>
      %mul3A_207 = arith.mulf %mul3A_206, %select_n3A : vector<32x32xf32>
      %dot_general3A_208 = arith.constant dense<0.000000e+00> : vector<32x32xf32>
      %dot_general3A_209 = tpu.matmul %dot_general3A_204, %dot_general3A_202, %dot_general3A_208 {dimension_numbers = #tpu.dot_dimension_numbers<[1], [0], [0], [1], [0, 0, 1, 1], [], []>, precision = #tpu.contract_precision<fp32>, transpose_lhs_hint = false} : vector<32x32xf32>, vector<32x32xf32>, vector<32x32xf32> -> vector<32x32xf32>
      %mul3A_210 = arith.constant 5.000000e-01 : f32
      %mul3A_211 = vector.broadcast %mul3A_210 : f32 to vector<32x32xf32>
      %mul3A_212 = arith.mulf %mul3A_211, %dot_general3A_209 : vector<32x32xf32>
      %sub3A_213 = arith.subf %mul3A_207, %mul3A_212 : vector<32x32xf32>
      %dot_general3A_214 = arith.constant dense<0.000000e+00> : vector<32x32xf32>
      %dot_general3A_215 = tpu.matmul %dot_general3A_202, %sub3A_213, %dot_general3A_214 {dimension_numbers = #tpu.dot_dimension_numbers<[1], [0], [0], [1], [0, 0, 1, 1], [], []>, precision = #tpu.contract_precision<fp32>, transpose_lhs_hint = false} : vector<32x32xf32>, vector<32x32xf32>, vector<32x32xf32> -> vector<32x32xf32>
      %dot_general3A_216 = arith.constant dense<0.000000e+00> : vector<32x32xf32>
      %dot_general3A_217 = tpu.matmul %sub3A_213, %dot_general3A_204, %dot_general3A_216 {dimension_numbers = #tpu.dot_dimension_numbers<[1], [0], [0], [1], [0, 0, 1, 1], [], []>, precision = #tpu.contract_precision<fp32>, transpose_lhs_hint = false} : vector<32x32xf32>, vector<32x32xf32>, vector<32x32xf32> -> vector<32x32xf32>
      %mul3A_218 = arith.constant 1.500000e+00 : f32
      %mul3A_219 = vector.broadcast %mul3A_218 : f32 to vector<32x32xf32>
      %mul3A_220 = arith.mulf %mul3A_219, %select_n3A : vector<32x32xf32>
      %dot_general3A_221 = arith.constant dense<0.000000e+00> : vector<32x32xf32>
      %dot_general3A_222 = tpu.matmul %dot_general3A_217, %dot_general3A_215, %dot_general3A_221 {dimension_numbers = #tpu.dot_dimension_numbers<[1], [0], [0], [1], [0, 0, 1, 1], [], []>, precision = #tpu.contract_precision<fp32>, transpose_lhs_hint = false} : vector<32x32xf32>, vector<32x32xf32>, vector<32x32xf32> -> vector<32x32xf32>
      %mul3A_223 = arith.constant 5.000000e-01 : f32
      %mul3A_224 = vector.broadcast %mul3A_223 : f32 to vector<32x32xf32>
      %mul3A_225 = arith.mulf %mul3A_224, %dot_general3A_222 : vector<32x32xf32>
      %sub3A_226 = arith.subf %mul3A_220, %mul3A_225 : vector<32x32xf32>
      %dot_general3A_227 = arith.constant dense<0.000000e+00> : vector<32x32xf32>
      %dot_general3A_228 = tpu.matmul %sub3A_226, %dot_general3A_217, %dot_general3A_227 {dimension_numbers = #tpu.dot_dimension_numbers<[1], [0], [0], [1], [0, 0, 1, 1], [], []>, precision = #tpu.contract_precision<fp32>, transpose_lhs_hint = false} : vector<32x32xf32>, vector<32x32xf32>, vector<32x32xf32> -> vector<32x32xf32>
      %rsqrt3A = math.rsqrt %reduce_sum3A_47 : f32
      %mul3A_229 = vector.broadcast %rsqrt3A : f32 to vector<32x32xf32>
      %mul3A_230 = arith.mulf %dot_general3A_228, %mul3A_229 : vector<32x32xf32>
      %dot_general3A_231 = arith.constant dense<0.000000e+00> : vector<32x5000xf32>
      %dot_general3A_232 = tpu.matmul %mul3A_230, %get3A_33, %dot_general3A_231 {dimension_numbers = #tpu.dot_dimension_numbers<[1], [0], [0], [1], [0, 0, 1, 1], [], []>, precision = #tpu.contract_precision<fp32>, transpose_lhs_hint = false} : vector<32x32xf32>, vector<32x5000xf32>, vector<32x5000xf32> -> vector<32x5000xf32>
      %dot_general3A_233 = arith.constant dense<0.000000e+00> : vector<32x32xf32>
      %dot_general3A_234 = tpu.matmul %dot_general3A_232, %dot_general3A_232, %dot_general3A_233 {dimension_numbers = #tpu.dot_dimension_numbers<[1], [1], [0], [0], [0, 0, 1, 0], [], []>, transpose_lhs_hint = false} : vector<32x5000xf32>, vector<32x5000xf32>, vector<32x32xf32> -> vector<32x32xf32>
      %iota3A_235 = tpu.iota {dimensions = array<i32: 0>} : vector<32x32xi32>
      %iota3A_236 = tpu.iota {dimensions = array<i32: 1>} : vector<32x32xi32>
      %eq3A_237 = arith.cmpi eq, %iota3A_235, %iota3A_236 : vector<32x32xi32>
      %jit3A_238 = arith.constant 1.000000e+00 : f32
      %jit3A_239 = arith.constant 0.000000e+00 : f32
      %broadcast_in_dim3A_240 = vector.broadcast %jit3A_238 : f32 to vector<32x32xf32>
      %broadcast_in_dim3A_241 = vector.broadcast %jit3A_239 : f32 to vector<32x32xf32>
      %select_n3A_242 = arith.select %eq3A_237, %broadcast_in_dim3A_240, %broadcast_in_dim3A_241 : vector<32x32xi1>, vector<32x32xf32>
      %iota3A_243 = tpu.iota {dimensions = array<i32: 0>} : vector<32x32xi32>
      %iota3A_244 = tpu.iota {dimensions = array<i32: 1>} : vector<32x32xi32>
      %eq3A_245 = arith.cmpi eq, %iota3A_243, %iota3A_244 : vector<32x32xi32>
      %jit3A_246 = arith.constant 0.000000e+00 : f32
      %broadcast_in_dim3A_247 = vector.broadcast %jit3A_246 : f32 to vector<32x32xf32>
      %select_n3A_248 = arith.select %eq3A_245, %dot_general3A_234, %broadcast_in_dim3A_247 : vector<32x32xi1>, vector<32x32xf32>
      %reduce_sum3A_249 = vector.shape_cast %select_n3A_248 : vector<32x32xf32> to vector<1x32x32xf32>
      %reduce_sum3A_250 = arith.constant dense<0.000000e+00> : vector<1xf32>
      %reduce_sum3A_251 = vector.multi_reduction <add>, %reduce_sum3A_249, %reduce_sum3A_250 [1, 2] : vector<1x32x32xf32> to vector<1xf32>
      %reduce_sum3A_252 = vector.shape_cast %reduce_sum3A_251 : vector<1xf32> to vector<1x1x1xf32>
      %reduce_sum3A_253 = vector.extract %reduce_sum3A_252[0, 0, 0] : f32 from vector<1x1x1xf32>
      %div3A_254 = arith.constant 1.000000e+00 : f32
      %div3A_255 = arith.divf %div3A_254, %reduce_sum3A_253 : f32
      %mul3A_256 = vector.broadcast %div3A_255 : f32 to vector<32x32xf32>
      %mul3A_257 = arith.mulf %dot_general3A_234, %mul3A_256 : vector<32x32xf32>
      %mul3A_258 = arith.constant 1.500000e+00 : f32
      %mul3A_259 = vector.broadcast %mul3A_258 : f32 to vector<32x32xf32>
      %mul3A_260 = arith.mulf %mul3A_259, %select_n3A_242 : vector<32x32xf32>
      %dot_general3A_261 = arith.constant dense<0.000000e+00> : vector<32x32xf32>
      %dot_general3A_262 = tpu.matmul %select_n3A_242, %mul3A_257, %dot_general3A_261 {dimension_numbers = #tpu.dot_dimension_numbers<[1], [0], [0], [1], [0, 0, 1, 1], [], []>, precision = #tpu.contract_precision<fp32>, transpose_lhs_hint = false} : vector<32x32xf32>, vector<32x32xf32>, vector<32x32xf32> -> vector<32x32xf32>
      %mul3A_263 = arith.constant 5.000000e-01 : f32
      %mul3A_264 = vector.broadcast %mul3A_263 : f32 to vector<32x32xf32>
      %mul3A_265 = arith.mulf %mul3A_264, %dot_general3A_262 : vector<32x32xf32>
      %sub3A_266 = arith.subf %mul3A_260, %mul3A_265 : vector<32x32xf32>
      %dot_general3A_267 = arith.constant dense<0.000000e+00> : vector<32x32xf32>
      %dot_general3A_268 = tpu.matmul %mul3A_257, %sub3A_266, %dot_general3A_267 {dimension_numbers = #tpu.dot_dimension_numbers<[1], [0], [0], [1], [0, 0, 1, 1], [], []>, precision = #tpu.contract_precision<fp32>, transpose_lhs_hint = false} : vector<32x32xf32>, vector<32x32xf32>, vector<32x32xf32> -> vector<32x32xf32>
      %dot_general3A_269 = arith.constant dense<0.000000e+00> : vector<32x32xf32>
      %dot_general3A_270 = tpu.matmul %sub3A_266, %select_n3A_242, %dot_general3A_269 {dimension_numbers = #tpu.dot_dimension_numbers<[1], [0], [0], [1], [0, 0, 1, 1], [], []>, precision = #tpu.contract_precision<fp32>, transpose_lhs_hint = false} : vector<32x32xf32>, vector<32x32xf32>, vector<32x32xf32> -> vector<32x32xf32>
      %mul3A_271 = arith.constant 1.500000e+00 : f32
      %mul3A_272 = vector.broadcast %mul3A_271 : f32 to vector<32x32xf32>
      %mul3A_273 = arith.mulf %mul3A_272, %select_n3A_242 : vector<32x32xf32>
      %dot_general3A_274 = arith.constant dense<0.000000e+00> : vector<32x32xf32>
      %dot_general3A_275 = tpu.matmul %dot_general3A_270, %dot_general3A_268, %dot_general3A_274 {dimension_numbers = #tpu.dot_dimension_numbers<[1], [0], [0], [1], [0, 0, 1, 1], [], []>, precision = #tpu.contract_precision<fp32>, transpose_lhs_hint = false} : vector<32x32xf32>, vector<32x32xf32>, vector<32x32xf32> -> vector<32x32xf32>
      %mul3A_276 = arith.constant 5.000000e-01 : f32
      %mul3A_277 = vector.broadcast %mul3A_276 : f32 to vector<32x32xf32>
      %mul3A_278 = arith.mulf %mul3A_277, %dot_general3A_275 : vector<32x32xf32>
      %sub3A_279 = arith.subf %mul3A_273, %mul3A_278 : vector<32x32xf32>
      %dot_general3A_280 = arith.constant dense<0.000000e+00> : vector<32x32xf32>
      %dot_general3A_281 = tpu.matmul %dot_general3A_268, %sub3A_279, %dot_general3A_280 {dimension_numbers = #tpu.dot_dimension_numbers<[1], [0], [0], [1], [0, 0, 1, 1], [], []>, precision = #tpu.contract_precision<fp32>, transpose_lhs_hint = false} : vector<32x32xf32>, vector<32x32xf32>, vector<32x32xf32> -> vector<32x32xf32>
      %dot_general3A_282 = arith.constant dense<0.000000e+00> : vector<32x32xf32>
      %dot_general3A_283 = tpu.matmul %sub3A_279, %dot_general3A_270, %dot_general3A_282 {dimension_numbers = #tpu.dot_dimension_numbers<[1], [0], [0], [1], [0, 0, 1, 1], [], []>, precision = #tpu.contract_precision<fp32>, transpose_lhs_hint = false} : vector<32x32xf32>, vector<32x32xf32>, vector<32x32xf32> -> vector<32x32xf32>
      %mul3A_284 = arith.constant 1.500000e+00 : f32
      %mul3A_285 = vector.broadcast %mul3A_284 : f32 to vector<32x32xf32>
      %mul3A_286 = arith.mulf %mul3A_285, %select_n3A_242 : vector<32x32xf32>
      %dot_general3A_287 = arith.constant dense<0.000000e+00> : vector<32x32xf32>
      %dot_general3A_288 = tpu.matmul %dot_general3A_283, %dot_general3A_281, %dot_general3A_287 {dimension_numbers = #tpu.dot_dimension_numbers<[1], [0], [0], [1], [0, 0, 1, 1], [], []>, precision = #tpu.contract_precision<fp32>, transpose_lhs_hint = false} : vector<32x32xf32>, vector<32x32xf32>, vector<32x32xf32> -> vector<32x32xf32>
      %mul3A_289 = arith.constant 5.000000e-01 : f32
      %mul3A_290 = vector.broadcast %mul3A_289 : f32 to vector<32x32xf32>
      %mul3A_291 = arith.mulf %mul3A_290, %dot_general3A_288 : vector<32x32xf32>
      %sub3A_292 = arith.subf %mul3A_286, %mul3A_291 : vector<32x32xf32>
      %dot_general3A_293 = arith.constant dense<0.000000e+00> : vector<32x32xf32>
      %dot_general3A_294 = tpu.matmul %dot_general3A_281, %sub3A_292, %dot_general3A_293 {dimension_numbers = #tpu.dot_dimension_numbers<[1], [0], [0], [1], [0, 0, 1, 1], [], []>, precision = #tpu.contract_precision<fp32>, transpose_lhs_hint = false} : vector<32x32xf32>, vector<32x32xf32>, vector<32x32xf32> -> vector<32x32xf32>
      %dot_general3A_295 = arith.constant dense<0.000000e+00> : vector<32x32xf32>
      %dot_general3A_296 = tpu.matmul %sub3A_292, %dot_general3A_283, %dot_general3A_295 {dimension_numbers = #tpu.dot_dimension_numbers<[1], [0], [0], [1], [0, 0, 1, 1], [], []>, precision = #tpu.contract_precision<fp32>, transpose_lhs_hint = false} : vector<32x32xf32>, vector<32x32xf32>, vector<32x32xf32> -> vector<32x32xf32>
      %mul3A_297 = arith.constant 1.500000e+00 : f32
      %mul3A_298 = vector.broadcast %mul3A_297 : f32 to vector<32x32xf32>
      %mul3A_299 = arith.mulf %mul3A_298, %select_n3A_242 : vector<32x32xf32>
      %dot_general3A_300 = arith.constant dense<0.000000e+00> : vector<32x32xf32>
      %dot_general3A_301 = tpu.matmul %dot_general3A_296, %dot_general3A_294, %dot_general3A_300 {dimension_numbers = #tpu.dot_dimension_numbers<[1], [0], [0], [1], [0, 0, 1, 1], [], []>, precision = #tpu.contract_precision<fp32>, transpose_lhs_hint = false} : vector<32x32xf32>, vector<32x32xf32>, vector<32x32xf32> -> vector<32x32xf32>
      %mul3A_302 = arith.constant 5.000000e-01 : f32
      %mul3A_303 = vector.broadcast %mul3A_302 : f32 to vector<32x32xf32>
      %mul3A_304 = arith.mulf %mul3A_303, %dot_general3A_301 : vector<32x32xf32>
      %sub3A_305 = arith.subf %mul3A_299, %mul3A_304 : vector<32x32xf32>
      %dot_general3A_306 = arith.constant dense<0.000000e+00> : vector<32x32xf32>
      %dot_general3A_307 = tpu.matmul %dot_general3A_294, %sub3A_305, %dot_general3A_306 {dimension_numbers = #tpu.dot_dimension_numbers<[1], [0], [0], [1], [0, 0, 1, 1], [], []>, precision = #tpu.contract_precision<fp32>, transpose_lhs_hint = false} : vector<32x32xf32>, vector<32x32xf32>, vector<32x32xf32> -> vector<32x32xf32>
      %dot_general3A_308 = arith.constant dense<0.000000e+00> : vector<32x32xf32>
      %dot_general3A_309 = tpu.matmul %sub3A_305, %dot_general3A_296, %dot_general3A_308 {dimension_numbers = #tpu.dot_dimension_numbers<[1], [0], [0], [1], [0, 0, 1, 1], [], []>, precision = #tpu.contract_precision<fp32>, transpose_lhs_hint = false} : vector<32x32xf32>, vector<32x32xf32>, vector<32x32xf32> -> vector<32x32xf32>
      %mul3A_310 = arith.constant 1.500000e+00 : f32
      %mul3A_311 = vector.broadcast %mul3A_310 : f32 to vector<32x32xf32>
      %mul3A_312 = arith.mulf %mul3A_311, %select_n3A_242 : vector<32x32xf32>
      %dot_general3A_313 = arith.constant dense<0.000000e+00> : vector<32x32xf32>
      %dot_general3A_314 = tpu.matmul %dot_general3A_309, %dot_general3A_307, %dot_general3A_313 {dimension_numbers = #tpu.dot_dimension_numbers<[1], [0], [0], [1], [0, 0, 1, 1], [], []>, precision = #tpu.contract_precision<fp32>, transpose_lhs_hint = false} : vector<32x32xf32>, vector<32x32xf32>, vector<32x32xf32> -> vector<32x32xf32>
      %mul3A_315 = arith.constant 5.000000e-01 : f32
      %mul3A_316 = vector.broadcast %mul3A_315 : f32 to vector<32x32xf32>
      %mul3A_317 = arith.mulf %mul3A_316, %dot_general3A_314 : vector<32x32xf32>
      %sub3A_318 = arith.subf %mul3A_312, %mul3A_317 : vector<32x32xf32>
      %dot_general3A_319 = arith.constant dense<0.000000e+00> : vector<32x32xf32>
      %dot_general3A_320 = tpu.matmul %dot_general3A_307, %sub3A_318, %dot_general3A_319 {dimension_numbers = #tpu.dot_dimension_numbers<[1], [0], [0], [1], [0, 0, 1, 1], [], []>, precision = #tpu.contract_precision<fp32>, transpose_lhs_hint = false} : vector<32x32xf32>, vector<32x32xf32>, vector<32x32xf32> -> vector<32x32xf32>
      %dot_general3A_321 = arith.constant dense<0.000000e+00> : vector<32x32xf32>
      %dot_general3A_322 = tpu.matmul %sub3A_318, %dot_general3A_309, %dot_general3A_321 {dimension_numbers = #tpu.dot_dimension_numbers<[1], [0], [0], [1], [0, 0, 1, 1], [], []>, precision = #tpu.contract_precision<fp32>, transpose_lhs_hint = false} : vector<32x32xf32>, vector<32x32xf32>, vector<32x32xf32> -> vector<32x32xf32>
      %mul3A_323 = arith.constant 1.500000e+00 : f32
      %mul3A_324 = vector.broadcast %mul3A_323 : f32 to vector<32x32xf32>
      %mul3A_325 = arith.mulf %mul3A_324, %select_n3A_242 : vector<32x32xf32>
      %dot_general3A_326 = arith.constant dense<0.000000e+00> : vector<32x32xf32>
      %dot_general3A_327 = tpu.matmul %dot_general3A_322, %dot_general3A_320, %dot_general3A_326 {dimension_numbers = #tpu.dot_dimension_numbers<[1], [0], [0], [1], [0, 0, 1, 1], [], []>, precision = #tpu.contract_precision<fp32>, transpose_lhs_hint = false} : vector<32x32xf32>, vector<32x32xf32>, vector<32x32xf32> -> vector<32x32xf32>
      %mul3A_328 = arith.constant 5.000000e-01 : f32
      %mul3A_329 = vector.broadcast %mul3A_328 : f32 to vector<32x32xf32>
      %mul3A_330 = arith.mulf %mul3A_329, %dot_general3A_327 : vector<32x32xf32>
      %sub3A_331 = arith.subf %mul3A_325, %mul3A_330 : vector<32x32xf32>
      %dot_general3A_332 = arith.constant dense<0.000000e+00> : vector<32x32xf32>
      %dot_general3A_333 = tpu.matmul %dot_general3A_320, %sub3A_331, %dot_general3A_332 {dimension_numbers = #tpu.dot_dimension_numbers<[1], [0], [0], [1], [0, 0, 1, 1], [], []>, precision = #tpu.contract_precision<fp32>, transpose_lhs_hint = false} : vector<32x32xf32>, vector<32x32xf32>, vector<32x32xf32> -> vector<32x32xf32>
      %dot_general3A_334 = arith.constant dense<0.000000e+00> : vector<32x32xf32>
      %dot_general3A_335 = tpu.matmul %sub3A_331, %dot_general3A_322, %dot_general3A_334 {dimension_numbers = #tpu.dot_dimension_numbers<[1], [0], [0], [1], [0, 0, 1, 1], [], []>, precision = #tpu.contract_precision<fp32>, transpose_lhs_hint = false} : vector<32x32xf32>, vector<32x32xf32>, vector<32x32xf32> -> vector<32x32xf32>
      %mul3A_336 = arith.constant 1.500000e+00 : f32
      %mul3A_337 = vector.broadcast %mul3A_336 : f32 to vector<32x32xf32>
      %mul3A_338 = arith.mulf %mul3A_337, %select_n3A_242 : vector<32x32xf32>
      %dot_general3A_339 = arith.constant dense<0.000000e+00> : vector<32x32xf32>
      %dot_general3A_340 = tpu.matmul %dot_general3A_335, %dot_general3A_333, %dot_general3A_339 {dimension_numbers = #tpu.dot_dimension_numbers<[1], [0], [0], [1], [0, 0, 1, 1], [], []>, precision = #tpu.contract_precision<fp32>, transpose_lhs_hint = false} : vector<32x32xf32>, vector<32x32xf32>, vector<32x32xf32> -> vector<32x32xf32>
      %mul3A_341 = arith.constant 5.000000e-01 : f32
      %mul3A_342 = vector.broadcast %mul3A_341 : f32 to vector<32x32xf32>
      %mul3A_343 = arith.mulf %mul3A_342, %dot_general3A_340 : vector<32x32xf32>
      %sub3A_344 = arith.subf %mul3A_338, %mul3A_343 : vector<32x32xf32>
      %dot_general3A_345 = arith.constant dense<0.000000e+00> : vector<32x32xf32>
      %dot_general3A_346 = tpu.matmul %dot_general3A_333, %sub3A_344, %dot_general3A_345 {dimension_numbers = #tpu.dot_dimension_numbers<[1], [0], [0], [1], [0, 0, 1, 1], [], []>, precision = #tpu.contract_precision<fp32>, transpose_lhs_hint = false} : vector<32x32xf32>, vector<32x32xf32>, vector<32x32xf32> -> vector<32x32xf32>
      %dot_general3A_347 = arith.constant dense<0.000000e+00> : vector<32x32xf32>
      %dot_general3A_348 = tpu.matmul %sub3A_344, %dot_general3A_335, %dot_general3A_347 {dimension_numbers = #tpu.dot_dimension_numbers<[1], [0], [0], [1], [0, 0, 1, 1], [], []>, precision = #tpu.contract_precision<fp32>, transpose_lhs_hint = false} : vector<32x32xf32>, vector<32x32xf32>, vector<32x32xf32> -> vector<32x32xf32>
      %mul3A_349 = arith.constant 1.500000e+00 : f32
      %mul3A_350 = vector.broadcast %mul3A_349 : f32 to vector<32x32xf32>
      %mul3A_351 = arith.mulf %mul3A_350, %select_n3A_242 : vector<32x32xf32>
      %dot_general3A_352 = arith.constant dense<0.000000e+00> : vector<32x32xf32>
      %dot_general3A_353 = tpu.matmul %dot_general3A_348, %dot_general3A_346, %dot_general3A_352 {dimension_numbers = #tpu.dot_dimension_numbers<[1], [0], [0], [1], [0, 0, 1, 1], [], []>, precision = #tpu.contract_precision<fp32>, transpose_lhs_hint = false} : vector<32x32xf32>, vector<32x32xf32>, vector<32x32xf32> -> vector<32x32xf32>
      %mul3A_354 = arith.constant 5.000000e-01 : f32
      %mul3A_355 = vector.broadcast %mul3A_354 : f32 to vector<32x32xf32>
      %mul3A_356 = arith.mulf %mul3A_355, %dot_general3A_353 : vector<32x32xf32>
      %sub3A_357 = arith.subf %mul3A_351, %mul3A_356 : vector<32x32xf32>
      %dot_general3A_358 = arith.constant dense<0.000000e+00> : vector<32x32xf32>
      %dot_general3A_359 = tpu.matmul %dot_general3A_346, %sub3A_357, %dot_general3A_358 {dimension_numbers = #tpu.dot_dimension_numbers<[1], [0], [0], [1], [0, 0, 1, 1], [], []>, precision = #tpu.contract_precision<fp32>, transpose_lhs_hint = false} : vector<32x32xf32>, vector<32x32xf32>, vector<32x32xf32> -> vector<32x32xf32>
      %dot_general3A_360 = arith.constant dense<0.000000e+00> : vector<32x32xf32>
      %dot_general3A_361 = tpu.matmul %sub3A_357, %dot_general3A_348, %dot_general3A_360 {dimension_numbers = #tpu.dot_dimension_numbers<[1], [0], [0], [1], [0, 0, 1, 1], [], []>, precision = #tpu.contract_precision<fp32>, transpose_lhs_hint = false} : vector<32x32xf32>, vector<32x32xf32>, vector<32x32xf32> -> vector<32x32xf32>
      %mul3A_362 = arith.constant 1.500000e+00 : f32
      %mul3A_363 = vector.broadcast %mul3A_362 : f32 to vector<32x32xf32>
      %mul3A_364 = arith.mulf %mul3A_363, %select_n3A_242 : vector<32x32xf32>
      %dot_general3A_365 = arith.constant dense<0.000000e+00> : vector<32x32xf32>
      %dot_general3A_366 = tpu.matmul %dot_general3A_361, %dot_general3A_359, %dot_general3A_365 {dimension_numbers = #tpu.dot_dimension_numbers<[1], [0], [0], [1], [0, 0, 1, 1], [], []>, precision = #tpu.contract_precision<fp32>, transpose_lhs_hint = false} : vector<32x32xf32>, vector<32x32xf32>, vector<32x32xf32> -> vector<32x32xf32>
      %mul3A_367 = arith.constant 5.000000e-01 : f32
      %mul3A_368 = vector.broadcast %mul3A_367 : f32 to vector<32x32xf32>
      %mul3A_369 = arith.mulf %mul3A_368, %dot_general3A_366 : vector<32x32xf32>
      %sub3A_370 = arith.subf %mul3A_364, %mul3A_369 : vector<32x32xf32>
      %dot_general3A_371 = arith.constant dense<0.000000e+00> : vector<32x32xf32>
      %dot_general3A_372 = tpu.matmul %dot_general3A_359, %sub3A_370, %dot_general3A_371 {dimension_numbers = #tpu.dot_dimension_numbers<[1], [0], [0], [1], [0, 0, 1, 1], [], []>, precision = #tpu.contract_precision<fp32>, transpose_lhs_hint = false} : vector<32x32xf32>, vector<32x32xf32>, vector<32x32xf32> -> vector<32x32xf32>
      %dot_general3A_373 = arith.constant dense<0.000000e+00> : vector<32x32xf32>
      %dot_general3A_374 = tpu.matmul %sub3A_370, %dot_general3A_361, %dot_general3A_373 {dimension_numbers = #tpu.dot_dimension_numbers<[1], [0], [0], [1], [0, 0, 1, 1], [], []>, precision = #tpu.contract_precision<fp32>, transpose_lhs_hint = false} : vector<32x32xf32>, vector<32x32xf32>, vector<32x32xf32> -> vector<32x32xf32>
      %mul3A_375 = arith.constant 1.500000e+00 : f32
      %mul3A_376 = vector.broadcast %mul3A_375 : f32 to vector<32x32xf32>
      %mul3A_377 = arith.mulf %mul3A_376, %select_n3A_242 : vector<32x32xf32>
      %dot_general3A_378 = arith.constant dense<0.000000e+00> : vector<32x32xf32>
      %dot_general3A_379 = tpu.matmul %dot_general3A_374, %dot_general3A_372, %dot_general3A_378 {dimension_numbers = #tpu.dot_dimension_numbers<[1], [0], [0], [1], [0, 0, 1, 1], [], []>, precision = #tpu.contract_precision<fp32>, transpose_lhs_hint = false} : vector<32x32xf32>, vector<32x32xf32>, vector<32x32xf32> -> vector<32x32xf32>
      %mul3A_380 = arith.constant 5.000000e-01 : f32
      %mul3A_381 = vector.broadcast %mul3A_380 : f32 to vector<32x32xf32>
      %mul3A_382 = arith.mulf %mul3A_381, %dot_general3A_379 : vector<32x32xf32>
      %sub3A_383 = arith.subf %mul3A_377, %mul3A_382 : vector<32x32xf32>
      %dot_general3A_384 = arith.constant dense<0.000000e+00> : vector<32x32xf32>
      %dot_general3A_385 = tpu.matmul %dot_general3A_372, %sub3A_383, %dot_general3A_384 {dimension_numbers = #tpu.dot_dimension_numbers<[1], [0], [0], [1], [0, 0, 1, 1], [], []>, precision = #tpu.contract_precision<fp32>, transpose_lhs_hint = false} : vector<32x32xf32>, vector<32x32xf32>, vector<32x32xf32> -> vector<32x32xf32>
      %dot_general3A_386 = arith.constant dense<0.000000e+00> : vector<32x32xf32>
      %dot_general3A_387 = tpu.matmul %sub3A_383, %dot_general3A_374, %dot_general3A_386 {dimension_numbers = #tpu.dot_dimension_numbers<[1], [0], [0], [1], [0, 0, 1, 1], [], []>, precision = #tpu.contract_precision<fp32>, transpose_lhs_hint = false} : vector<32x32xf32>, vector<32x32xf32>, vector<32x32xf32> -> vector<32x32xf32>
      %mul3A_388 = arith.constant 1.500000e+00 : f32
      %mul3A_389 = vector.broadcast %mul3A_388 : f32 to vector<32x32xf32>
      %mul3A_390 = arith.mulf %mul3A_389, %select_n3A_242 : vector<32x32xf32>
      %dot_general3A_391 = arith.constant dense<0.000000e+00> : vector<32x32xf32>
      %dot_general3A_392 = tpu.matmul %dot_general3A_387, %dot_general3A_385, %dot_general3A_391 {dimension_numbers = #tpu.dot_dimension_numbers<[1], [0], [0], [1], [0, 0, 1, 1], [], []>, precision = #tpu.contract_precision<fp32>, transpose_lhs_hint = false} : vector<32x32xf32>, vector<32x32xf32>, vector<32x32xf32> -> vector<32x32xf32>
      %mul3A_393 = arith.constant 5.000000e-01 : f32
      %mul3A_394 = vector.broadcast %mul3A_393 : f32 to vector<32x32xf32>
      %mul3A_395 = arith.mulf %mul3A_394, %dot_general3A_392 : vector<32x32xf32>
      %sub3A_396 = arith.subf %mul3A_390, %mul3A_395 : vector<32x32xf32>
      %dot_general3A_397 = arith.constant dense<0.000000e+00> : vector<32x32xf32>
      %dot_general3A_398 = tpu.matmul %dot_general3A_385, %sub3A_396, %dot_general3A_397 {dimension_numbers = #tpu.dot_dimension_numbers<[1], [0], [0], [1], [0, 0, 1, 1], [], []>, precision = #tpu.contract_precision<fp32>, transpose_lhs_hint = false} : vector<32x32xf32>, vector<32x32xf32>, vector<32x32xf32> -> vector<32x32xf32>
      %dot_general3A_399 = arith.constant dense<0.000000e+00> : vector<32x32xf32>
      %dot_general3A_400 = tpu.matmul %sub3A_396, %dot_general3A_387, %dot_general3A_399 {dimension_numbers = #tpu.dot_dimension_numbers<[1], [0], [0], [1], [0, 0, 1, 1], [], []>, precision = #tpu.contract_precision<fp32>, transpose_lhs_hint = false} : vector<32x32xf32>, vector<32x32xf32>, vector<32x32xf32> -> vector<32x32xf32>
      %mul3A_401 = arith.constant 1.500000e+00 : f32
      %mul3A_402 = vector.broadcast %mul3A_401 : f32 to vector<32x32xf32>
      %mul3A_403 = arith.mulf %mul3A_402, %select_n3A_242 : vector<32x32xf32>
      %dot_general3A_404 = arith.constant dense<0.000000e+00> : vector<32x32xf32>
      %dot_general3A_405 = tpu.matmul %dot_general3A_400, %dot_general3A_398, %dot_general3A_404 {dimension_numbers = #tpu.dot_dimension_numbers<[1], [0], [0], [1], [0, 0, 1, 1], [], []>, precision = #tpu.contract_precision<fp32>, transpose_lhs_hint = false} : vector<32x32xf32>, vector<32x32xf32>, vector<32x32xf32> -> vector<32x32xf32>
      %mul3A_406 = arith.constant 5.000000e-01 : f32
      %mul3A_407 = vector.broadcast %mul3A_406 : f32 to vector<32x32xf32>
      %mul3A_408 = arith.mulf %mul3A_407, %dot_general3A_405 : vector<32x32xf32>
      %sub3A_409 = arith.subf %mul3A_403, %mul3A_408 : vector<32x32xf32>
      %dot_general3A_410 = arith.constant dense<0.000000e+00> : vector<32x32xf32>
      %dot_general3A_411 = tpu.matmul %dot_general3A_398, %sub3A_409, %dot_general3A_410 {dimension_numbers = #tpu.dot_dimension_numbers<[1], [0], [0], [1], [0, 0, 1, 1], [], []>, precision = #tpu.contract_precision<fp32>, transpose_lhs_hint = false} : vector<32x32xf32>, vector<32x32xf32>, vector<32x32xf32> -> vector<32x32xf32>
      %dot_general3A_412 = arith.constant dense<0.000000e+00> : vector<32x32xf32>
      %dot_general3A_413 = tpu.matmul %sub3A_409, %dot_general3A_400, %dot_general3A_412 {dimension_numbers = #tpu.dot_dimension_numbers<[1], [0], [0], [1], [0, 0, 1, 1], [], []>, precision = #tpu.contract_precision<fp32>, transpose_lhs_hint = false} : vector<32x32xf32>, vector<32x32xf32>, vector<32x32xf32> -> vector<32x32xf32>
      %mul3A_414 = arith.constant 1.500000e+00 : f32
      %mul3A_415 = vector.broadcast %mul3A_414 : f32 to vector<32x32xf32>
      %mul3A_416 = arith.mulf %mul3A_415, %select_n3A_242 : vector<32x32xf32>
      %dot_general3A_417 = arith.constant dense<0.000000e+00> : vector<32x32xf32>
      %dot_general3A_418 = tpu.matmul %dot_general3A_413, %dot_general3A_411, %dot_general3A_417 {dimension_numbers = #tpu.dot_dimension_numbers<[1], [0], [0], [1], [0, 0, 1, 1], [], []>, precision = #tpu.contract_precision<fp32>, transpose_lhs_hint = false} : vector<32x32xf32>, vector<32x32xf32>, vector<32x32xf32> -> vector<32x32xf32>
      %mul3A_419 = arith.constant 5.000000e-01 : f32
      %mul3A_420 = vector.broadcast %mul3A_419 : f32 to vector<32x32xf32>
      %mul3A_421 = arith.mulf %mul3A_420, %dot_general3A_418 : vector<32x32xf32>
      %sub3A_422 = arith.subf %mul3A_416, %mul3A_421 : vector<32x32xf32>
      %dot_general3A_423 = arith.constant dense<0.000000e+00> : vector<32x32xf32>
      %dot_general3A_424 = tpu.matmul %dot_general3A_411, %sub3A_422, %dot_general3A_423 {dimension_numbers = #tpu.dot_dimension_numbers<[1], [0], [0], [1], [0, 0, 1, 1], [], []>, precision = #tpu.contract_precision<fp32>, transpose_lhs_hint = false} : vector<32x32xf32>, vector<32x32xf32>, vector<32x32xf32> -> vector<32x32xf32>
      %dot_general3A_425 = arith.constant dense<0.000000e+00> : vector<32x32xf32>
      %dot_general3A_426 = tpu.matmul %sub3A_422, %dot_general3A_413, %dot_general3A_425 {dimension_numbers = #tpu.dot_dimension_numbers<[1], [0], [0], [1], [0, 0, 1, 1], [], []>, precision = #tpu.contract_precision<fp32>, transpose_lhs_hint = false} : vector<32x32xf32>, vector<32x32xf32>, vector<32x32xf32> -> vector<32x32xf32>
      %mul3A_427 = arith.constant 1.500000e+00 : f32
      %mul3A_428 = vector.broadcast %mul3A_427 : f32 to vector<32x32xf32>
      %mul3A_429 = arith.mulf %mul3A_428, %select_n3A_242 : vector<32x32xf32>
      %dot_general3A_430 = arith.constant dense<0.000000e+00> : vector<32x32xf32>
      %dot_general3A_431 = tpu.matmul %dot_general3A_426, %dot_general3A_424, %dot_general3A_430 {dimension_numbers = #tpu.dot_dimension_numbers<[1], [0], [0], [1], [0, 0, 1, 1], [], []>, precision = #tpu.contract_precision<fp32>, transpose_lhs_hint = false} : vector<32x32xf32>, vector<32x32xf32>, vector<32x32xf32> -> vector<32x32xf32>
      %mul3A_432 = arith.constant 5.000000e-01 : f32
      %mul3A_433 = vector.broadcast %mul3A_432 : f32 to vector<32x32xf32>
      %mul3A_434 = arith.mulf %mul3A_433, %dot_general3A_431 : vector<32x32xf32>
      %sub3A_435 = arith.subf %mul3A_429, %mul3A_434 : vector<32x32xf32>
      %dot_general3A_436 = arith.constant dense<0.000000e+00> : vector<32x32xf32>
      %dot_general3A_437 = tpu.matmul %sub3A_435, %dot_general3A_426, %dot_general3A_436 {dimension_numbers = #tpu.dot_dimension_numbers<[1], [0], [0], [1], [0, 0, 1, 1], [], []>, precision = #tpu.contract_precision<fp32>, transpose_lhs_hint = false} : vector<32x32xf32>, vector<32x32xf32>, vector<32x32xf32> -> vector<32x32xf32>
      %rsqrt3A_438 = math.rsqrt %reduce_sum3A_253 : f32
      %mul3A_439 = vector.broadcast %rsqrt3A_438 : f32 to vector<32x32xf32>
      %mul3A_440 = arith.mulf %dot_general3A_437, %mul3A_439 : vector<32x32xf32>
      %dot_general3A_441 = arith.constant dense<0.000000e+00> : vector<32x5000xf32>
      %dot_general3A_442 = tpu.matmul %mul3A_440, %dot_general3A_232, %dot_general3A_441 {dimension_numbers = #tpu.dot_dimension_numbers<[1], [0], [0], [1], [0, 0, 1, 1], [], []>, precision = #tpu.contract_precision<fp32>, transpose_lhs_hint = false} : vector<32x32xf32>, vector<32x5000xf32>, vector<32x5000xf32> -> vector<32x5000xf32>
      %convert_element_type3A_443 = arith.truncf %dot_general3A_442 : vector<32x5000xf32> to vector<32x5000xbf16>
      %swap3A_444 = arith.constant 0 : index
      %swap3A_445 = arith.constant 0 : index
      %swap3A_446 = vector.load %arg6[%swap3A_444, %swap3A_445] : memref<32x5000xbf16, #tpu.memory_space<vmem>>, vector<32x5000xbf16>
      tpu.vector_store %arg6[%swap3A_444, %swap3A_445], %convert_element_type3A_443 {strides = array<i32>} : memref<32x5000xbf16, #tpu.memory_space<vmem>>, vector<32x5000xbf16>,
      %broadcast_in_dim3A_447 = arith.constant 0.000000e+00 : f32
      %broadcast_in_dim3A_448 = vector.broadcast %broadcast_in_dim3A_447 : f32 to vector<32x32xf32>
      %swap3A_449 = arith.constant 0 : index
      %swap3A_450 = arith.constant 0 : index
      %swap3A_451 = vector.load %arg4[%swap3A_449, %swap3A_450] : memref<32x32xf32, #tpu.memory_space<vmem>>, vector<32x32xf32>
      tpu.vector_store %arg4[%swap3A_449, %swap3A_450], %broadcast_in_dim3A_448 {strides = array<i32>} : memref<32x32xf32, #tpu.memory_space<vmem>>, vector<32x32xf32>,
      %broadcast_in_dim3A_452 = arith.constant 0.000000e+00 : f32
      %broadcast_in_dim3A_453 = vector.broadcast %broadcast_in_dim3A_452 : f32 to vector<32x5000xf32>
      %swap3A_454 = arith.constant 0 : index
      %swap3A_455 = arith.constant 0 : index
      %swap3A_456 = vector.load %arg5[%swap3A_454, %swap3A_455] : memref<32x5000xf32, #tpu.memory_space<vmem>>, vector<32x5000xf32>
      tpu.vector_store %arg5[%swap3A_454, %swap3A_455], %broadcast_in_dim3A_453 {strides = array<i32>} : memref<32x5000xf32, #tpu.memory_space<vmem>>, vector<32x5000xf32>,
    } else {
    }
    %get3A = arith.constant 0 : index
    %get3A_2 = arith.constant 0 : index
    %get3A_3 = vector.load %arg1[%get3A, %get3A_2] : memref<1000x5000xbf16, #tpu.memory_space<vmem>>, vector<1000x5000xbf16>
    %get3A_4 = arith.constant 0 : index
    %get3A_5 = arith.constant 0 : index
    %get3A_6 = vector.load %arg6[%get3A_4, %get3A_5] : memref<32x5000xbf16, #tpu.memory_space<vmem>>, vector<32x5000xbf16>
    %dot_general3A = arith.constant dense<0.000000e+00> : vector<1000x32xf32>
    %dot_general3A_7 = tpu.matmul %get3A_3, %get3A_6, %dot_general3A {dimension_numbers = #tpu.dot_dimension_numbers<[1], [1], [0], [0], [0, 0, 1, 0], [], []>, transpose_lhs_hint = false} : vector<1000x5000xbf16>, vector<32x5000xbf16>, vector<1000x32xf32> -> vector<1000x32xf32>
    %get3A_8 = arith.constant 0 : index
    %get3A_9 = arith.constant 0 : index
    %get3A_10 = vector.load %arg4[%get3A_8, %get3A_9] : memref<32x32xf32, #tpu.memory_space<vmem>>, vector<32x32xf32>
    %dot_general3A_11 = arith.constant dense<0.000000e+00> : vector<32x32xf32>
    %dot_general3A_12 = tpu.matmul %dot_general3A_7, %dot_general3A_7, %dot_general3A_11 {dimension_numbers = #tpu.dot_dimension_numbers<[0], [0], [1], [1], [0, 1, 1, 1], [], []>, transpose_lhs_hint = false} : vector<1000x32xf32>, vector<1000x32xf32>, vector<32x32xf32> -> vector<32x32xf32>
    %add3A = arith.addf %get3A_10, %dot_general3A_12 : vector<32x32xf32>
    %swap3A = arith.constant 0 : index
    %swap3A_13 = arith.constant 0 : index
    %swap3A_14 = vector.load %arg4[%swap3A, %swap3A_13] : memref<32x32xf32, #tpu.memory_space<vmem>>, vector<32x32xf32>
    tpu.vector_store %arg4[%swap3A, %swap3A_13], %add3A {strides = array<i32>} : memref<32x32xf32, #tpu.memory_space<vmem>>, vector<32x32xf32>,
    %get3A_15 = arith.constant 0 : index
    %get3A_16 = arith.constant 0 : index
    %get3A_17 = vector.load %arg5[%get3A_15, %get3A_16] : memref<32x5000xf32, #tpu.memory_space<vmem>>, vector<32x5000xf32>
    %convert_element_type3A_18 = arith.truncf %dot_general3A_7 : vector<1000x32xf32> to vector<1000x32xbf16>
    %get3A_19 = arith.constant 0 : index
    %get3A_20 = arith.constant 0 : index
    %get3A_21 = vector.load %arg1[%get3A_19, %get3A_20] : memref<1000x5000xbf16, #tpu.memory_space<vmem>>, vector<1000x5000xbf16>
    %dot_general3A_22 = arith.constant dense<0.000000e+00> : vector<32x5000xf32>
    %dot_general3A_23 = tpu.matmul %convert_element_type3A_18, %get3A_21, %dot_general3A_22 {dimension_numbers = #tpu.dot_dimension_numbers<[0], [0], [1], [1], [0, 1, 1, 1], [], []>, transpose_lhs_hint = false} : vector<1000x32xbf16>, vector<1000x5000xbf16>, vector<32x5000xf32> -> vector<32x5000xf32>
    %add3A_24 = arith.addf %get3A_17, %dot_general3A_23 : vector<32x5000xf32>
    %swap3A_25 = arith.constant 0 : index
    %swap3A_26 = arith.constant 0 : index
    %swap3A_27 = vector.load %arg5[%swap3A_25, %swap3A_26] : memref<32x5000xf32, #tpu.memory_space<vmem>>, vector<32x5000xf32>
    tpu.vector_store %arg5[%swap3A_25, %swap3A_26], %add3A_24 {strides = array<i32>} : memref<32x5000xf32, #tpu.memory_space<vmem>>, vector<32x5000xf32>,
    return
  }
  func.func @transform_0(%arg0: i32) -> (i32, i32) {
    %c0_i32 = arith.constant 0 : i32
    %c0_i32_0 = arith.constant 0 : i32
    return %arg0, %c0_i32 : i32, i32
  }
  func.func @transform_1(%arg0: i32) -> (i32, i32) {
    %c0_i32 = arith.constant 0 : i32
    %c0_i32_0 = arith.constant 0 : i32
    %c0_i32_1 = arith.constant 0 : i32
    return %c0_i32, %c0_i32_0 : i32, i32
  }
  func.func @transform_2(%arg0: i32) -> (i32, i32) {
    %c0_i32 = arith.constant 0 : i32
    %c0_i32_0 = arith.constant 0 : i32
    %c0_i32_1 = arith.constant 0 : i32
    return %c0_i32, %c0_i32_0 : i32, i32
  }
  func.func @transform_3(%arg0: i32) -> (i32, i32) {
    %c0_i32 = arith.constant 0 : i32
    %c0_i32_0 = arith.constant 0 : i32
    %c0_i32_1 = arith.constant 0 : i32
    return %c0_i32, %c0_i32_0 : i32, i32
  }
  func.func @transform_4(%arg0: i32) -> (i32, i32) {
    %c0_i32 = arith.constant 0 : i32
    %c0_i32_0 = arith.constant 0 : i32
    %c0_i32_1 = arith.constant 0 : i32
    return %c0_i32, %c0_i32_0 : i32, i32
  }
}

module attributes {stable_mosaic.version = 14 : i64} {
  func.func @_pc_body(%arg0: i32, %arg1: memref<1000x5000xbf16, #tpu.memory_space<vmem>>, %arg2: memref<32x32xf32, #tpu.memory_space<vmem>>, %arg3: memref<32x5000xf32, #tpu.memory_space<vmem>>, %arg4: memref<1000x64xf32, #tpu.memory_space<vmem>>, %arg5: memref<64x5000xf32, #tpu.memory_space<vmem>>, %arg6: memref<1000x64xf32, #tpu.memory_space<vmem>>, %arg7: memref<64x5000xf32, #tpu.memory_space<vmem>>, %arg8: memref<1000x32xf32, #tpu.memory_space<vmem>>, %arg9: memref<32x32xf32, #tpu.memory_space<vmem>>, %arg10: memref<32x5000xf32, #tpu.memory_space<vmem>>, %arg11: memref<1000x64xf32, #tpu.memory_space<vmem>>, %arg12: memref<64x5000xf32, #tpu.memory_space<vmem>>, %arg13: memref<64x32xf32, #tpu.memory_space<vmem>>, %arg14: memref<32x5000xbf16, #tpu.memory_space<vmem>>) attributes {dimension_semantics = [#tpu.dimension_semantics<arbitrary>], iteration_bounds = array<i64: 10>, scalar_prefetch = 0 : i64, scratch_operands = 1 : i64, tpu.core_type = #tpu.core_type<tc>, window_params = [{transform_indices = @transform_0, window_bounds = array<i64: 1000, 5000>}, {pipeline_mode = #tpu.pipeline_mode<synchronous>, transform_indices = @transform_1, window_bounds = array<i64: 32, 32>}, {pipeline_mode = #tpu.pipeline_mode<synchronous>, transform_indices = @transform_2, window_bounds = array<i64: 32, 5000>}, {transform_indices = @transform_3, window_bounds = array<i64: 1000, 64>}, {pipeline_mode = #tpu.pipeline_mode<synchronous>, transform_indices = @transform_4, window_bounds = array<i64: 64, 5000>}, {transform_indices = @transform_5, window_bounds = array<i64: 1000, 64>}, {pipeline_mode = #tpu.pipeline_mode<synchronous>, transform_indices = @transform_6, window_bounds = array<i64: 64, 5000>}, {transform_indices = @transform_7, window_bounds = array<i64: 1000, 32>}, {pipeline_mode = #tpu.pipeline_mode<synchronous>, transform_indices = @transform_8, window_bounds = array<i64: 32, 32>}, {pipeline_mode = #tpu.pipeline_mode<synchronous>, transform_indices = @transform_9, window_bounds = array<i64: 32, 5000>}, {transform_indices = @transform_10, window_bounds = array<i64: 1000, 64>}, {pipeline_mode = #tpu.pipeline_mode<synchronous>, transform_indices = @transform_11, window_bounds = array<i64: 64, 5000>}, {pipeline_mode = #tpu.pipeline_mode<synchronous>, transform_indices = @transform_12, window_bounds = array<i64: 64, 32>}]} {
    %eq3A = arith.constant 0 : i32
    %eq3A_0 = arith.cmpi eq, %arg0, %eq3A : i32
    %convert_element_type3A = arith.extui %eq3A_0 : i1 to i32
    %cond3A = arith.constant 0 : i32
    %cond3A_1 = arith.cmpi ne, %convert_element_type3A, %cond3A : i32
    scf.if %cond3A_1 {
      %get3A_74 = arith.constant 0 : index
      %get3A_75 = arith.constant 0 : index
      %get3A_76 = vector.load %arg2[%get3A_74, %get3A_75] : memref<32x32xf32, #tpu.memory_space<vmem>>, vector<32x32xf32>
      %get3A_77 = arith.constant 0 : index
      %get3A_78 = arith.constant 0 : index
      %get3A_79 = vector.load %arg3[%get3A_77, %get3A_78] : memref<32x5000xf32, #tpu.memory_space<vmem>>, vector<32x5000xf32>
      %iota3A = tpu.iota {dimensions = array<i32: 0>} : vector<32x32xi32>
      %iota3A_80 = tpu.iota {dimensions = array<i32: 1>} : vector<32x32xi32>
      %eq3A_81 = arith.cmpi eq, %iota3A, %iota3A_80 : vector<32x32xi32>
      %jit3A = arith.constant 1.000000e+00 : f32
      %jit3A_82 = arith.constant 0.000000e+00 : f32
      %broadcast_in_dim3A = vector.broadcast %jit3A : f32 to vector<32x32xf32>
      %broadcast_in_dim3A_83 = vector.broadcast %jit3A_82 : f32 to vector<32x32xf32>
      %select_n3A = arith.select %eq3A_81, %broadcast_in_dim3A, %broadcast_in_dim3A_83 : vector<32x32xi1>, vector<32x32xf32>
      %iota3A_84 = tpu.iota {dimensions = array<i32: 0>} : vector<32x32xi32>
      %iota3A_85 = tpu.iota {dimensions = array<i32: 1>} : vector<32x32xi32>
      %eq3A_86 = arith.cmpi eq, %iota3A_84, %iota3A_85 : vector<32x32xi32>
      %jit3A_87 = arith.constant 0.000000e+00 : f32
      %broadcast_in_dim3A_88 = vector.broadcast %jit3A_87 : f32 to vector<32x32xf32>
      %select_n3A_89 = arith.select %eq3A_86, %get3A_76, %broadcast_in_dim3A_88 : vector<32x32xi1>, vector<32x32xf32>
      %reduce_sum3A = vector.shape_cast %select_n3A_89 : vector<32x32xf32> to vector<1x32x32xf32>
      %reduce_sum3A_90 = arith.constant dense<0.000000e+00> : vector<1xf32>
      %reduce_sum3A_91 = vector.multi_reduction <add>, %reduce_sum3A, %reduce_sum3A_90 [1, 2] : vector<1x32x32xf32> to vector<1xf32>
      %reduce_sum3A_92 = vector.shape_cast %reduce_sum3A_91 : vector<1xf32> to vector<1x1x1xf32>
      %reduce_sum3A_93 = vector.extract %reduce_sum3A_92[0, 0, 0] : f32 from vector<1x1x1xf32>
      %div3A = arith.constant 1.000000e+00 : f32
      %div3A_94 = arith.divf %div3A, %reduce_sum3A_93 : f32
      %mul3A = vector.broadcast %div3A_94 : f32 to vector<32x32xf32>
      %mul3A_95 = arith.mulf %get3A_76, %mul3A : vector<32x32xf32>
      %mul3A_96 = arith.constant 1.500000e+00 : f32
      %mul3A_97 = vector.broadcast %mul3A_96 : f32 to vector<32x32xf32>
      %mul3A_98 = arith.mulf %mul3A_97, %select_n3A : vector<32x32xf32>
      %dot_general3A_99 = arith.constant dense<0.000000e+00> : vector<32x32xf32>
      %dot_general3A_100 = tpu.matmul %select_n3A, %mul3A_95, %dot_general3A_99 {dimension_numbers = #tpu.dot_dimension_numbers<[1], [0], [0], [1], [0, 0, 1, 1], [], []>, precision = #tpu.contract_precision<fp32>, transpose_lhs_hint = false} : vector<32x32xf32>, vector<32x32xf32>, vector<32x32xf32> -> vector<32x32xf32>
      %mul3A_101 = arith.constant 5.000000e-01 : f32
      %mul3A_102 = vector.broadcast %mul3A_101 : f32 to vector<32x32xf32>
      %mul3A_103 = arith.mulf %mul3A_102, %dot_general3A_100 : vector<32x32xf32>
      %sub3A = arith.subf %mul3A_98, %mul3A_103 : vector<32x32xf32>
      %dot_general3A_104 = arith.constant dense<0.000000e+00> : vector<32x32xf32>
      %dot_general3A_105 = tpu.matmul %mul3A_95, %sub3A, %dot_general3A_104 {dimension_numbers = #tpu.dot_dimension_numbers<[1], [0], [0], [1], [0, 0, 1, 1], [], []>, precision = #tpu.contract_precision<fp32>, transpose_lhs_hint = false} : vector<32x32xf32>, vector<32x32xf32>, vector<32x32xf32> -> vector<32x32xf32>
      %dot_general3A_106 = arith.constant dense<0.000000e+00> : vector<32x32xf32>
      %dot_general3A_107 = tpu.matmul %sub3A, %select_n3A, %dot_general3A_106 {dimension_numbers = #tpu.dot_dimension_numbers<[1], [0], [0], [1], [0, 0, 1, 1], [], []>, precision = #tpu.contract_precision<fp32>, transpose_lhs_hint = false} : vector<32x32xf32>, vector<32x32xf32>, vector<32x32xf32> -> vector<32x32xf32>
      %mul3A_108 = arith.constant 1.500000e+00 : f32
      %mul3A_109 = vector.broadcast %mul3A_108 : f32 to vector<32x32xf32>
      %mul3A_110 = arith.mulf %mul3A_109, %select_n3A : vector<32x32xf32>
      %dot_general3A_111 = arith.constant dense<0.000000e+00> : vector<32x32xf32>
      %dot_general3A_112 = tpu.matmul %dot_general3A_107, %dot_general3A_105, %dot_general3A_111 {dimension_numbers = #tpu.dot_dimension_numbers<[1], [0], [0], [1], [0, 0, 1, 1], [], []>, precision = #tpu.contract_precision<fp32>, transpose_lhs_hint = false} : vector<32x32xf32>, vector<32x32xf32>, vector<32x32xf32> -> vector<32x32xf32>
      %mul3A_113 = arith.constant 5.000000e-01 : f32
      %mul3A_114 = vector.broadcast %mul3A_113 : f32 to vector<32x32xf32>
      %mul3A_115 = arith.mulf %mul3A_114, %dot_general3A_112 : vector<32x32xf32>
      %sub3A_116 = arith.subf %mul3A_110, %mul3A_115 : vector<32x32xf32>
      %dot_general3A_117 = arith.constant dense<0.000000e+00> : vector<32x32xf32>
      %dot_general3A_118 = tpu.matmul %dot_general3A_105, %sub3A_116, %dot_general3A_117 {dimension_numbers = #tpu.dot_dimension_numbers<[1], [0], [0], [1], [0, 0, 1, 1], [], []>, precision = #tpu.contract_precision<fp32>, transpose_lhs_hint = false} : vector<32x32xf32>, vector<32x32xf32>, vector<32x32xf32> -> vector<32x32xf32>
      %dot_general3A_119 = arith.constant dense<0.000000e+00> : vector<32x32xf32>
      %dot_general3A_120 = tpu.matmul %sub3A_116, %dot_general3A_107, %dot_general3A_119 {dimension_numbers = #tpu.dot_dimension_numbers<[1], [0], [0], [1], [0, 0, 1, 1], [], []>, precision = #tpu.contract_precision<fp32>, transpose_lhs_hint = false} : vector<32x32xf32>, vector<32x32xf32>, vector<32x32xf32> -> vector<32x32xf32>
      %mul3A_121 = arith.constant 1.500000e+00 : f32
      %mul3A_122 = vector.broadcast %mul3A_121 : f32 to vector<32x32xf32>
      %mul3A_123 = arith.mulf %mul3A_122, %select_n3A : vector<32x32xf32>
      %dot_general3A_124 = arith.constant dense<0.000000e+00> : vector<32x32xf32>
      %dot_general3A_125 = tpu.matmul %dot_general3A_120, %dot_general3A_118, %dot_general3A_124 {dimension_numbers = #tpu.dot_dimension_numbers<[1], [0], [0], [1], [0, 0, 1, 1], [], []>, precision = #tpu.contract_precision<fp32>, transpose_lhs_hint = false} : vector<32x32xf32>, vector<32x32xf32>, vector<32x32xf32> -> vector<32x32xf32>
      %mul3A_126 = arith.constant 5.000000e-01 : f32
      %mul3A_127 = vector.broadcast %mul3A_126 : f32 to vector<32x32xf32>
      %mul3A_128 = arith.mulf %mul3A_127, %dot_general3A_125 : vector<32x32xf32>
      %sub3A_129 = arith.subf %mul3A_123, %mul3A_128 : vector<32x32xf32>
      %dot_general3A_130 = arith.constant dense<0.000000e+00> : vector<32x32xf32>
      %dot_general3A_131 = tpu.matmul %dot_general3A_118, %sub3A_129, %dot_general3A_130 {dimension_numbers = #tpu.dot_dimension_numbers<[1], [0], [0], [1], [0, 0, 1, 1], [], []>, precision = #tpu.contract_precision<fp32>, transpose_lhs_hint = false} : vector<32x32xf32>, vector<32x32xf32>, vector<32x32xf32> -> vector<32x32xf32>
      %dot_general3A_132 = arith.constant dense<0.000000e+00> : vector<32x32xf32>
      %dot_general3A_133 = tpu.matmul %sub3A_129, %dot_general3A_120, %dot_general3A_132 {dimension_numbers = #tpu.dot_dimension_numbers<[1], [0], [0], [1], [0, 0, 1, 1], [], []>, precision = #tpu.contract_precision<fp32>, transpose_lhs_hint = false} : vector<32x32xf32>, vector<32x32xf32>, vector<32x32xf32> -> vector<32x32xf32>
      %mul3A_134 = arith.constant 1.500000e+00 : f32
      %mul3A_135 = vector.broadcast %mul3A_134 : f32 to vector<32x32xf32>
      %mul3A_136 = arith.mulf %mul3A_135, %select_n3A : vector<32x32xf32>
      %dot_general3A_137 = arith.constant dense<0.000000e+00> : vector<32x32xf32>
      %dot_general3A_138 = tpu.matmul %dot_general3A_133, %dot_general3A_131, %dot_general3A_137 {dimension_numbers = #tpu.dot_dimension_numbers<[1], [0], [0], [1], [0, 0, 1, 1], [], []>, precision = #tpu.contract_precision<fp32>, transpose_lhs_hint = false} : vector<32x32xf32>, vector<32x32xf32>, vector<32x32xf32> -> vector<32x32xf32>
      %mul3A_139 = arith.constant 5.000000e-01 : f32
      %mul3A_140 = vector.broadcast %mul3A_139 : f32 to vector<32x32xf32>
      %mul3A_141 = arith.mulf %mul3A_140, %dot_general3A_138 : vector<32x32xf32>
      %sub3A_142 = arith.subf %mul3A_136, %mul3A_141 : vector<32x32xf32>
      %dot_general3A_143 = arith.constant dense<0.000000e+00> : vector<32x32xf32>
      %dot_general3A_144 = tpu.matmul %dot_general3A_131, %sub3A_142, %dot_general3A_143 {dimension_numbers = #tpu.dot_dimension_numbers<[1], [0], [0], [1], [0, 0, 1, 1], [], []>, precision = #tpu.contract_precision<fp32>, transpose_lhs_hint = false} : vector<32x32xf32>, vector<32x32xf32>, vector<32x32xf32> -> vector<32x32xf32>
      %dot_general3A_145 = arith.constant dense<0.000000e+00> : vector<32x32xf32>
      %dot_general3A_146 = tpu.matmul %sub3A_142, %dot_general3A_133, %dot_general3A_145 {dimension_numbers = #tpu.dot_dimension_numbers<[1], [0], [0], [1], [0, 0, 1, 1], [], []>, precision = #tpu.contract_precision<fp32>, transpose_lhs_hint = false} : vector<32x32xf32>, vector<32x32xf32>, vector<32x32xf32> -> vector<32x32xf32>
      %mul3A_147 = arith.constant 1.500000e+00 : f32
      %mul3A_148 = vector.broadcast %mul3A_147 : f32 to vector<32x32xf32>
      %mul3A_149 = arith.mulf %mul3A_148, %select_n3A : vector<32x32xf32>
      %dot_general3A_150 = arith.constant dense<0.000000e+00> : vector<32x32xf32>
      %dot_general3A_151 = tpu.matmul %dot_general3A_146, %dot_general3A_144, %dot_general3A_150 {dimension_numbers = #tpu.dot_dimension_numbers<[1], [0], [0], [1], [0, 0, 1, 1], [], []>, precision = #tpu.contract_precision<fp32>, transpose_lhs_hint = false} : vector<32x32xf32>, vector<32x32xf32>, vector<32x32xf32> -> vector<32x32xf32>
      %mul3A_152 = arith.constant 5.000000e-01 : f32
      %mul3A_153 = vector.broadcast %mul3A_152 : f32 to vector<32x32xf32>
      %mul3A_154 = arith.mulf %mul3A_153, %dot_general3A_151 : vector<32x32xf32>
      %sub3A_155 = arith.subf %mul3A_149, %mul3A_154 : vector<32x32xf32>
      %dot_general3A_156 = arith.constant dense<0.000000e+00> : vector<32x32xf32>
      %dot_general3A_157 = tpu.matmul %dot_general3A_144, %sub3A_155, %dot_general3A_156 {dimension_numbers = #tpu.dot_dimension_numbers<[1], [0], [0], [1], [0, 0, 1, 1], [], []>, precision = #tpu.contract_precision<fp32>, transpose_lhs_hint = false} : vector<32x32xf32>, vector<32x32xf32>, vector<32x32xf32> -> vector<32x32xf32>
      %dot_general3A_158 = arith.constant dense<0.000000e+00> : vector<32x32xf32>
      %dot_general3A_159 = tpu.matmul %sub3A_155, %dot_general3A_146, %dot_general3A_158 {dimension_numbers = #tpu.dot_dimension_numbers<[1], [0], [0], [1], [0, 0, 1, 1], [], []>, precision = #tpu.contract_precision<fp32>, transpose_lhs_hint = false} : vector<32x32xf32>, vector<32x32xf32>, vector<32x32xf32> -> vector<32x32xf32>
      %mul3A_160 = arith.constant 1.500000e+00 : f32
      %mul3A_161 = vector.broadcast %mul3A_160 : f32 to vector<32x32xf32>
      %mul3A_162 = arith.mulf %mul3A_161, %select_n3A : vector<32x32xf32>
      %dot_general3A_163 = arith.constant dense<0.000000e+00> : vector<32x32xf32>
      %dot_general3A_164 = tpu.matmul %dot_general3A_159, %dot_general3A_157, %dot_general3A_163 {dimension_numbers = #tpu.dot_dimension_numbers<[1], [0], [0], [1], [0, 0, 1, 1], [], []>, precision = #tpu.contract_precision<fp32>, transpose_lhs_hint = false} : vector<32x32xf32>, vector<32x32xf32>, vector<32x32xf32> -> vector<32x32xf32>
      %mul3A_165 = arith.constant 5.000000e-01 : f32
      %mul3A_166 = vector.broadcast %mul3A_165 : f32 to vector<32x32xf32>
      %mul3A_167 = arith.mulf %mul3A_166, %dot_general3A_164 : vector<32x32xf32>
      %sub3A_168 = arith.subf %mul3A_162, %mul3A_167 : vector<32x32xf32>
      %dot_general3A_169 = arith.constant dense<0.000000e+00> : vector<32x32xf32>
      %dot_general3A_170 = tpu.matmul %dot_general3A_157, %sub3A_168, %dot_general3A_169 {dimension_numbers = #tpu.dot_dimension_numbers<[1], [0], [0], [1], [0, 0, 1, 1], [], []>, precision = #tpu.contract_precision<fp32>, transpose_lhs_hint = false} : vector<32x32xf32>, vector<32x32xf32>, vector<32x32xf32> -> vector<32x32xf32>
      %dot_general3A_171 = arith.constant dense<0.000000e+00> : vector<32x32xf32>
      %dot_general3A_172 = tpu.matmul %sub3A_168, %dot_general3A_159, %dot_general3A_171 {dimension_numbers = #tpu.dot_dimension_numbers<[1], [0], [0], [1], [0, 0, 1, 1], [], []>, precision = #tpu.contract_precision<fp32>, transpose_lhs_hint = false} : vector<32x32xf32>, vector<32x32xf32>, vector<32x32xf32> -> vector<32x32xf32>
      %mul3A_173 = arith.constant 1.500000e+00 : f32
      %mul3A_174 = vector.broadcast %mul3A_173 : f32 to vector<32x32xf32>
      %mul3A_175 = arith.mulf %mul3A_174, %select_n3A : vector<32x32xf32>
      %dot_general3A_176 = arith.constant dense<0.000000e+00> : vector<32x32xf32>
      %dot_general3A_177 = tpu.matmul %dot_general3A_172, %dot_general3A_170, %dot_general3A_176 {dimension_numbers = #tpu.dot_dimension_numbers<[1], [0], [0], [1], [0, 0, 1, 1], [], []>, precision = #tpu.contract_precision<fp32>, transpose_lhs_hint = false} : vector<32x32xf32>, vector<32x32xf32>, vector<32x32xf32> -> vector<32x32xf32>
      %mul3A_178 = arith.constant 5.000000e-01 : f32
      %mul3A_179 = vector.broadcast %mul3A_178 : f32 to vector<32x32xf32>
      %mul3A_180 = arith.mulf %mul3A_179, %dot_general3A_177 : vector<32x32xf32>
      %sub3A_181 = arith.subf %mul3A_175, %mul3A_180 : vector<32x32xf32>
      %dot_general3A_182 = arith.constant dense<0.000000e+00> : vector<32x32xf32>
      %dot_general3A_183 = tpu.matmul %dot_general3A_170, %sub3A_181, %dot_general3A_182 {dimension_numbers = #tpu.dot_dimension_numbers<[1], [0], [0], [1], [0, 0, 1, 1], [], []>, precision = #tpu.contract_precision<fp32>, transpose_lhs_hint = false} : vector<32x32xf32>, vector<32x32xf32>, vector<32x32xf32> -> vector<32x32xf32>
      %dot_general3A_184 = arith.constant dense<0.000000e+00> : vector<32x32xf32>
      %dot_general3A_185 = tpu.matmul %sub3A_181, %dot_general3A_172, %dot_general3A_184 {dimension_numbers = #tpu.dot_dimension_numbers<[1], [0], [0], [1], [0, 0, 1, 1], [], []>, precision = #tpu.contract_precision<fp32>, transpose_lhs_hint = false} : vector<32x32xf32>, vector<32x32xf32>, vector<32x32xf32> -> vector<32x32xf32>
      %mul3A_186 = arith.constant 1.500000e+00 : f32
      %mul3A_187 = vector.broadcast %mul3A_186 : f32 to vector<32x32xf32>
      %mul3A_188 = arith.mulf %mul3A_187, %select_n3A : vector<32x32xf32>
      %dot_general3A_189 = arith.constant dense<0.000000e+00> : vector<32x32xf32>
      %dot_general3A_190 = tpu.matmul %dot_general3A_185, %dot_general3A_183, %dot_general3A_189 {dimension_numbers = #tpu.dot_dimension_numbers<[1], [0], [0], [1], [0, 0, 1, 1], [], []>, precision = #tpu.contract_precision<fp32>, transpose_lhs_hint = false} : vector<32x32xf32>, vector<32x32xf32>, vector<32x32xf32> -> vector<32x32xf32>
      %mul3A_191 = arith.constant 5.000000e-01 : f32
      %mul3A_192 = vector.broadcast %mul3A_191 : f32 to vector<32x32xf32>
      %mul3A_193 = arith.mulf %mul3A_192, %dot_general3A_190 : vector<32x32xf32>
      %sub3A_194 = arith.subf %mul3A_188, %mul3A_193 : vector<32x32xf32>
      %dot_general3A_195 = arith.constant dense<0.000000e+00> : vector<32x32xf32>
      %dot_general3A_196 = tpu.matmul %dot_general3A_183, %sub3A_194, %dot_general3A_195 {dimension_numbers = #tpu.dot_dimension_numbers<[1], [0], [0], [1], [0, 0, 1, 1], [], []>, precision = #tpu.contract_precision<fp32>, transpose_lhs_hint = false} : vector<32x32xf32>, vector<32x32xf32>, vector<32x32xf32> -> vector<32x32xf32>
      %dot_general3A_197 = arith.constant dense<0.000000e+00> : vector<32x32xf32>
      %dot_general3A_198 = tpu.matmul %sub3A_194, %dot_general3A_185, %dot_general3A_197 {dimension_numbers = #tpu.dot_dimension_numbers<[1], [0], [0], [1], [0, 0, 1, 1], [], []>, precision = #tpu.contract_precision<fp32>, transpose_lhs_hint = false} : vector<32x32xf32>, vector<32x32xf32>, vector<32x32xf32> -> vector<32x32xf32>
      %mul3A_199 = arith.constant 1.500000e+00 : f32
      %mul3A_200 = vector.broadcast %mul3A_199 : f32 to vector<32x32xf32>
      %mul3A_201 = arith.mulf %mul3A_200, %select_n3A : vector<32x32xf32>
      %dot_general3A_202 = arith.constant dense<0.000000e+00> : vector<32x32xf32>
      %dot_general3A_203 = tpu.matmul %dot_general3A_198, %dot_general3A_196, %dot_general3A_202 {dimension_numbers = #tpu.dot_dimension_numbers<[1], [0], [0], [1], [0, 0, 1, 1], [], []>, precision = #tpu.contract_precision<fp32>, transpose_lhs_hint = false} : vector<32x32xf32>, vector<32x32xf32>, vector<32x32xf32> -> vector<32x32xf32>
      %mul3A_204 = arith.constant 5.000000e-01 : f32
      %mul3A_205 = vector.broadcast %mul3A_204 : f32 to vector<32x32xf32>
      %mul3A_206 = arith.mulf %mul3A_205, %dot_general3A_203 : vector<32x32xf32>
      %sub3A_207 = arith.subf %mul3A_201, %mul3A_206 : vector<32x32xf32>
      %dot_general3A_208 = arith.constant dense<0.000000e+00> : vector<32x32xf32>
      %dot_general3A_209 = tpu.matmul %dot_general3A_196, %sub3A_207, %dot_general3A_208 {dimension_numbers = #tpu.dot_dimension_numbers<[1], [0], [0], [1], [0, 0, 1, 1], [], []>, precision = #tpu.contract_precision<fp32>, transpose_lhs_hint = false} : vector<32x32xf32>, vector<32x32xf32>, vector<32x32xf32> -> vector<32x32xf32>
      %dot_general3A_210 = arith.constant dense<0.000000e+00> : vector<32x32xf32>
      %dot_general3A_211 = tpu.matmul %sub3A_207, %dot_general3A_198, %dot_general3A_210 {dimension_numbers = #tpu.dot_dimension_numbers<[1], [0], [0], [1], [0, 0, 1, 1], [], []>, precision = #tpu.contract_precision<fp32>, transpose_lhs_hint = false} : vector<32x32xf32>, vector<32x32xf32>, vector<32x32xf32> -> vector<32x32xf32>
      %mul3A_212 = arith.constant 1.500000e+00 : f32
      %mul3A_213 = vector.broadcast %mul3A_212 : f32 to vector<32x32xf32>
      %mul3A_214 = arith.mulf %mul3A_213, %select_n3A : vector<32x32xf32>
      %dot_general3A_215 = arith.constant dense<0.000000e+00> : vector<32x32xf32>
      %dot_general3A_216 = tpu.matmul %dot_general3A_211, %dot_general3A_209, %dot_general3A_215 {dimension_numbers = #tpu.dot_dimension_numbers<[1], [0], [0], [1], [0, 0, 1, 1], [], []>, precision = #tpu.contract_precision<fp32>, transpose_lhs_hint = false} : vector<32x32xf32>, vector<32x32xf32>, vector<32x32xf32> -> vector<32x32xf32>
      %mul3A_217 = arith.constant 5.000000e-01 : f32
      %mul3A_218 = vector.broadcast %mul3A_217 : f32 to vector<32x32xf32>
      %mul3A_219 = arith.mulf %mul3A_218, %dot_general3A_216 : vector<32x32xf32>
      %sub3A_220 = arith.subf %mul3A_214, %mul3A_219 : vector<32x32xf32>
      %dot_general3A_221 = arith.constant dense<0.000000e+00> : vector<32x32xf32>
      %dot_general3A_222 = tpu.matmul %dot_general3A_209, %sub3A_220, %dot_general3A_221 {dimension_numbers = #tpu.dot_dimension_numbers<[1], [0], [0], [1], [0, 0, 1, 1], [], []>, precision = #tpu.contract_precision<fp32>, transpose_lhs_hint = false} : vector<32x32xf32>, vector<32x32xf32>, vector<32x32xf32> -> vector<32x32xf32>
      %dot_general3A_223 = arith.constant dense<0.000000e+00> : vector<32x32xf32>
      %dot_general3A_224 = tpu.matmul %sub3A_220, %dot_general3A_211, %dot_general3A_223 {dimension_numbers = #tpu.dot_dimension_numbers<[1], [0], [0], [1], [0, 0, 1, 1], [], []>, precision = #tpu.contract_precision<fp32>, transpose_lhs_hint = false} : vector<32x32xf32>, vector<32x32xf32>, vector<32x32xf32> -> vector<32x32xf32>
      %mul3A_225 = arith.constant 1.500000e+00 : f32
      %mul3A_226 = vector.broadcast %mul3A_225 : f32 to vector<32x32xf32>
      %mul3A_227 = arith.mulf %mul3A_226, %select_n3A : vector<32x32xf32>
      %dot_general3A_228 = arith.constant dense<0.000000e+00> : vector<32x32xf32>
      %dot_general3A_229 = tpu.matmul %dot_general3A_224, %dot_general3A_222, %dot_general3A_228 {dimension_numbers = #tpu.dot_dimension_numbers<[1], [0], [0], [1], [0, 0, 1, 1], [], []>, precision = #tpu.contract_precision<fp32>, transpose_lhs_hint = false} : vector<32x32xf32>, vector<32x32xf32>, vector<32x32xf32> -> vector<32x32xf32>
      %mul3A_230 = arith.constant 5.000000e-01 : f32
      %mul3A_231 = vector.broadcast %mul3A_230 : f32 to vector<32x32xf32>
      %mul3A_232 = arith.mulf %mul3A_231, %dot_general3A_229 : vector<32x32xf32>
      %sub3A_233 = arith.subf %mul3A_227, %mul3A_232 : vector<32x32xf32>
      %dot_general3A_234 = arith.constant dense<0.000000e+00> : vector<32x32xf32>
      %dot_general3A_235 = tpu.matmul %dot_general3A_222, %sub3A_233, %dot_general3A_234 {dimension_numbers = #tpu.dot_dimension_numbers<[1], [0], [0], [1], [0, 0, 1, 1], [], []>, precision = #tpu.contract_precision<fp32>, transpose_lhs_hint = false} : vector<32x32xf32>, vector<32x32xf32>, vector<32x32xf32> -> vector<32x32xf32>
      %dot_general3A_236 = arith.constant dense<0.000000e+00> : vector<32x32xf32>
      %dot_general3A_237 = tpu.matmul %sub3A_233, %dot_general3A_224, %dot_general3A_236 {dimension_numbers = #tpu.dot_dimension_numbers<[1], [0], [0], [1], [0, 0, 1, 1], [], []>, precision = #tpu.contract_precision<fp32>, transpose_lhs_hint = false} : vector<32x32xf32>, vector<32x32xf32>, vector<32x32xf32> -> vector<32x32xf32>
      %mul3A_238 = arith.constant 1.500000e+00 : f32
      %mul3A_239 = vector.broadcast %mul3A_238 : f32 to vector<32x32xf32>
      %mul3A_240 = arith.mulf %mul3A_239, %select_n3A : vector<32x32xf32>
      %dot_general3A_241 = arith.constant dense<0.000000e+00> : vector<32x32xf32>
      %dot_general3A_242 = tpu.matmul %dot_general3A_237, %dot_general3A_235, %dot_general3A_241 {dimension_numbers = #tpu.dot_dimension_numbers<[1], [0], [0], [1], [0, 0, 1, 1], [], []>, precision = #tpu.contract_precision<fp32>, transpose_lhs_hint = false} : vector<32x32xf32>, vector<32x32xf32>, vector<32x32xf32> -> vector<32x32xf32>
      %mul3A_243 = arith.constant 5.000000e-01 : f32
      %mul3A_244 = vector.broadcast %mul3A_243 : f32 to vector<32x32xf32>
      %mul3A_245 = arith.mulf %mul3A_244, %dot_general3A_242 : vector<32x32xf32>
      %sub3A_246 = arith.subf %mul3A_240, %mul3A_245 : vector<32x32xf32>
      %dot_general3A_247 = arith.constant dense<0.000000e+00> : vector<32x32xf32>
      %dot_general3A_248 = tpu.matmul %dot_general3A_235, %sub3A_246, %dot_general3A_247 {dimension_numbers = #tpu.dot_dimension_numbers<[1], [0], [0], [1], [0, 0, 1, 1], [], []>, precision = #tpu.contract_precision<fp32>, transpose_lhs_hint = false} : vector<32x32xf32>, vector<32x32xf32>, vector<32x32xf32> -> vector<32x32xf32>
      %dot_general3A_249 = arith.constant dense<0.000000e+00> : vector<32x32xf32>
      %dot_general3A_250 = tpu.matmul %sub3A_246, %dot_general3A_237, %dot_general3A_249 {dimension_numbers = #tpu.dot_dimension_numbers<[1], [0], [0], [1], [0, 0, 1, 1], [], []>, precision = #tpu.contract_precision<fp32>, transpose_lhs_hint = false} : vector<32x32xf32>, vector<32x32xf32>, vector<32x32xf32> -> vector<32x32xf32>
      %mul3A_251 = arith.constant 1.500000e+00 : f32
      %mul3A_252 = vector.broadcast %mul3A_251 : f32 to vector<32x32xf32>
      %mul3A_253 = arith.mulf %mul3A_252, %select_n3A : vector<32x32xf32>
      %dot_general3A_254 = arith.constant dense<0.000000e+00> : vector<32x32xf32>
      %dot_general3A_255 = tpu.matmul %dot_general3A_250, %dot_general3A_248, %dot_general3A_254 {dimension_numbers = #tpu.dot_dimension_numbers<[1], [0], [0], [1], [0, 0, 1, 1], [], []>, precision = #tpu.contract_precision<fp32>, transpose_lhs_hint = false} : vector<32x32xf32>, vector<32x32xf32>, vector<32x32xf32> -> vector<32x32xf32>
      %mul3A_256 = arith.constant 5.000000e-01 : f32
      %mul3A_257 = vector.broadcast %mul3A_256 : f32 to vector<32x32xf32>
      %mul3A_258 = arith.mulf %mul3A_257, %dot_general3A_255 : vector<32x32xf32>
      %sub3A_259 = arith.subf %mul3A_253, %mul3A_258 : vector<32x32xf32>
      %dot_general3A_260 = arith.constant dense<0.000000e+00> : vector<32x32xf32>
      %dot_general3A_261 = tpu.matmul %dot_general3A_248, %sub3A_259, %dot_general3A_260 {dimension_numbers = #tpu.dot_dimension_numbers<[1], [0], [0], [1], [0, 0, 1, 1], [], []>, precision = #tpu.contract_precision<fp32>, transpose_lhs_hint = false} : vector<32x32xf32>, vector<32x32xf32>, vector<32x32xf32> -> vector<32x32xf32>
      %dot_general3A_262 = arith.constant dense<0.000000e+00> : vector<32x32xf32>
      %dot_general3A_263 = tpu.matmul %sub3A_259, %dot_general3A_250, %dot_general3A_262 {dimension_numbers = #tpu.dot_dimension_numbers<[1], [0], [0], [1], [0, 0, 1, 1], [], []>, precision = #tpu.contract_precision<fp32>, transpose_lhs_hint = false} : vector<32x32xf32>, vector<32x32xf32>, vector<32x32xf32> -> vector<32x32xf32>
      %mul3A_264 = arith.constant 1.500000e+00 : f32
      %mul3A_265 = vector.broadcast %mul3A_264 : f32 to vector<32x32xf32>
      %mul3A_266 = arith.mulf %mul3A_265, %select_n3A : vector<32x32xf32>
      %dot_general3A_267 = arith.constant dense<0.000000e+00> : vector<32x32xf32>
      %dot_general3A_268 = tpu.matmul %dot_general3A_263, %dot_general3A_261, %dot_general3A_267 {dimension_numbers = #tpu.dot_dimension_numbers<[1], [0], [0], [1], [0, 0, 1, 1], [], []>, precision = #tpu.contract_precision<fp32>, transpose_lhs_hint = false} : vector<32x32xf32>, vector<32x32xf32>, vector<32x32xf32> -> vector<32x32xf32>
      %mul3A_269 = arith.constant 5.000000e-01 : f32
      %mul3A_270 = vector.broadcast %mul3A_269 : f32 to vector<32x32xf32>
      %mul3A_271 = arith.mulf %mul3A_270, %dot_general3A_268 : vector<32x32xf32>
      %sub3A_272 = arith.subf %mul3A_266, %mul3A_271 : vector<32x32xf32>
      %dot_general3A_273 = arith.constant dense<0.000000e+00> : vector<32x32xf32>
      %dot_general3A_274 = tpu.matmul %sub3A_272, %dot_general3A_263, %dot_general3A_273 {dimension_numbers = #tpu.dot_dimension_numbers<[1], [0], [0], [1], [0, 0, 1, 1], [], []>, precision = #tpu.contract_precision<fp32>, transpose_lhs_hint = false} : vector<32x32xf32>, vector<32x32xf32>, vector<32x32xf32> -> vector<32x32xf32>
      %rsqrt3A = math.rsqrt %reduce_sum3A_93 : f32
      %mul3A_275 = vector.broadcast %rsqrt3A : f32 to vector<32x32xf32>
      %mul3A_276 = arith.mulf %dot_general3A_274, %mul3A_275 : vector<32x32xf32>
      %dot_general3A_277 = arith.constant dense<0.000000e+00> : vector<32x5000xf32>
      %dot_general3A_278 = tpu.matmul %mul3A_276, %get3A_79, %dot_general3A_277 {dimension_numbers = #tpu.dot_dimension_numbers<[1], [0], [0], [1], [0, 0, 1, 1], [], []>, precision = #tpu.contract_precision<fp32>, transpose_lhs_hint = false} : vector<32x32xf32>, vector<32x5000xf32>, vector<32x5000xf32> -> vector<32x5000xf32>
      %dot_general3A_279 = arith.constant dense<0.000000e+00> : vector<32x32xf32>
      %dot_general3A_280 = tpu.matmul %dot_general3A_278, %dot_general3A_278, %dot_general3A_279 {dimension_numbers = #tpu.dot_dimension_numbers<[1], [1], [0], [0], [0, 0, 1, 0], [], []>, transpose_lhs_hint = false} : vector<32x5000xf32>, vector<32x5000xf32>, vector<32x32xf32> -> vector<32x32xf32>
      %iota3A_281 = tpu.iota {dimensions = array<i32: 0>} : vector<32x32xi32>
      %iota3A_282 = tpu.iota {dimensions = array<i32: 1>} : vector<32x32xi32>
      %eq3A_283 = arith.cmpi eq, %iota3A_281, %iota3A_282 : vector<32x32xi32>
      %jit3A_284 = arith.constant 1.000000e+00 : f32
      %jit3A_285 = arith.constant 0.000000e+00 : f32
      %broadcast_in_dim3A_286 = vector.broadcast %jit3A_284 : f32 to vector<32x32xf32>
      %broadcast_in_dim3A_287 = vector.broadcast %jit3A_285 : f32 to vector<32x32xf32>
      %select_n3A_288 = arith.select %eq3A_283, %broadcast_in_dim3A_286, %broadcast_in_dim3A_287 : vector<32x32xi1>, vector<32x32xf32>
      %iota3A_289 = tpu.iota {dimensions = array<i32: 0>} : vector<32x32xi32>
      %iota3A_290 = tpu.iota {dimensions = array<i32: 1>} : vector<32x32xi32>
      %eq3A_291 = arith.cmpi eq, %iota3A_289, %iota3A_290 : vector<32x32xi32>
      %jit3A_292 = arith.constant 0.000000e+00 : f32
      %broadcast_in_dim3A_293 = vector.broadcast %jit3A_292 : f32 to vector<32x32xf32>
      %select_n3A_294 = arith.select %eq3A_291, %dot_general3A_280, %broadcast_in_dim3A_293 : vector<32x32xi1>, vector<32x32xf32>
      %reduce_sum3A_295 = vector.shape_cast %select_n3A_294 : vector<32x32xf32> to vector<1x32x32xf32>
      %reduce_sum3A_296 = arith.constant dense<0.000000e+00> : vector<1xf32>
      %reduce_sum3A_297 = vector.multi_reduction <add>, %reduce_sum3A_295, %reduce_sum3A_296 [1, 2] : vector<1x32x32xf32> to vector<1xf32>
      %reduce_sum3A_298 = vector.shape_cast %reduce_sum3A_297 : vector<1xf32> to vector<1x1x1xf32>
      %reduce_sum3A_299 = vector.extract %reduce_sum3A_298[0, 0, 0] : f32 from vector<1x1x1xf32>
      %div3A_300 = arith.constant 1.000000e+00 : f32
      %div3A_301 = arith.divf %div3A_300, %reduce_sum3A_299 : f32
      %mul3A_302 = vector.broadcast %div3A_301 : f32 to vector<32x32xf32>
      %mul3A_303 = arith.mulf %dot_general3A_280, %mul3A_302 : vector<32x32xf32>
      %mul3A_304 = arith.constant 1.500000e+00 : f32
      %mul3A_305 = vector.broadcast %mul3A_304 : f32 to vector<32x32xf32>
      %mul3A_306 = arith.mulf %mul3A_305, %select_n3A_288 : vector<32x32xf32>
      %dot_general3A_307 = arith.constant dense<0.000000e+00> : vector<32x32xf32>
      %dot_general3A_308 = tpu.matmul %select_n3A_288, %mul3A_303, %dot_general3A_307 {dimension_numbers = #tpu.dot_dimension_numbers<[1], [0], [0], [1], [0, 0, 1, 1], [], []>, precision = #tpu.contract_precision<fp32>, transpose_lhs_hint = false} : vector<32x32xf32>, vector<32x32xf32>, vector<32x32xf32> -> vector<32x32xf32>
      %mul3A_309 = arith.constant 5.000000e-01 : f32
      %mul3A_310 = vector.broadcast %mul3A_309 : f32 to vector<32x32xf32>
      %mul3A_311 = arith.mulf %mul3A_310, %dot_general3A_308 : vector<32x32xf32>
      %sub3A_312 = arith.subf %mul3A_306, %mul3A_311 : vector<32x32xf32>
      %dot_general3A_313 = arith.constant dense<0.000000e+00> : vector<32x32xf32>
      %dot_general3A_314 = tpu.matmul %mul3A_303, %sub3A_312, %dot_general3A_313 {dimension_numbers = #tpu.dot_dimension_numbers<[1], [0], [0], [1], [0, 0, 1, 1], [], []>, precision = #tpu.contract_precision<fp32>, transpose_lhs_hint = false} : vector<32x32xf32>, vector<32x32xf32>, vector<32x32xf32> -> vector<32x32xf32>
      %dot_general3A_315 = arith.constant dense<0.000000e+00> : vector<32x32xf32>
      %dot_general3A_316 = tpu.matmul %sub3A_312, %select_n3A_288, %dot_general3A_315 {dimension_numbers = #tpu.dot_dimension_numbers<[1], [0], [0], [1], [0, 0, 1, 1], [], []>, precision = #tpu.contract_precision<fp32>, transpose_lhs_hint = false} : vector<32x32xf32>, vector<32x32xf32>, vector<32x32xf32> -> vector<32x32xf32>
      %mul3A_317 = arith.constant 1.500000e+00 : f32
      %mul3A_318 = vector.broadcast %mul3A_317 : f32 to vector<32x32xf32>
      %mul3A_319 = arith.mulf %mul3A_318, %select_n3A_288 : vector<32x32xf32>
      %dot_general3A_320 = arith.constant dense<0.000000e+00> : vector<32x32xf32>
      %dot_general3A_321 = tpu.matmul %dot_general3A_316, %dot_general3A_314, %dot_general3A_320 {dimension_numbers = #tpu.dot_dimension_numbers<[1], [0], [0], [1], [0, 0, 1, 1], [], []>, precision = #tpu.contract_precision<fp32>, transpose_lhs_hint = false} : vector<32x32xf32>, vector<32x32xf32>, vector<32x32xf32> -> vector<32x32xf32>
      %mul3A_322 = arith.constant 5.000000e-01 : f32
      %mul3A_323 = vector.broadcast %mul3A_322 : f32 to vector<32x32xf32>
      %mul3A_324 = arith.mulf %mul3A_323, %dot_general3A_321 : vector<32x32xf32>
      %sub3A_325 = arith.subf %mul3A_319, %mul3A_324 : vector<32x32xf32>
      %dot_general3A_326 = arith.constant dense<0.000000e+00> : vector<32x32xf32>
      %dot_general3A_327 = tpu.matmul %dot_general3A_314, %sub3A_325, %dot_general3A_326 {dimension_numbers = #tpu.dot_dimension_numbers<[1], [0], [0], [1], [0, 0, 1, 1], [], []>, precision = #tpu.contract_precision<fp32>, transpose_lhs_hint = false} : vector<32x32xf32>, vector<32x32xf32>, vector<32x32xf32> -> vector<32x32xf32>
      %dot_general3A_328 = arith.constant dense<0.000000e+00> : vector<32x32xf32>
      %dot_general3A_329 = tpu.matmul %sub3A_325, %dot_general3A_316, %dot_general3A_328 {dimension_numbers = #tpu.dot_dimension_numbers<[1], [0], [0], [1], [0, 0, 1, 1], [], []>, precision = #tpu.contract_precision<fp32>, transpose_lhs_hint = false} : vector<32x32xf32>, vector<32x32xf32>, vector<32x32xf32> -> vector<32x32xf32>
      %mul3A_330 = arith.constant 1.500000e+00 : f32
      %mul3A_331 = vector.broadcast %mul3A_330 : f32 to vector<32x32xf32>
      %mul3A_332 = arith.mulf %mul3A_331, %select_n3A_288 : vector<32x32xf32>
      %dot_general3A_333 = arith.constant dense<0.000000e+00> : vector<32x32xf32>
      %dot_general3A_334 = tpu.matmul %dot_general3A_329, %dot_general3A_327, %dot_general3A_333 {dimension_numbers = #tpu.dot_dimension_numbers<[1], [0], [0], [1], [0, 0, 1, 1], [], []>, precision = #tpu.contract_precision<fp32>, transpose_lhs_hint = false} : vector<32x32xf32>, vector<32x32xf32>, vector<32x32xf32> -> vector<32x32xf32>
      %mul3A_335 = arith.constant 5.000000e-01 : f32
      %mul3A_336 = vector.broadcast %mul3A_335 : f32 to vector<32x32xf32>
      %mul3A_337 = arith.mulf %mul3A_336, %dot_general3A_334 : vector<32x32xf32>
      %sub3A_338 = arith.subf %mul3A_332, %mul3A_337 : vector<32x32xf32>
      %dot_general3A_339 = arith.constant dense<0.000000e+00> : vector<32x32xf32>
      %dot_general3A_340 = tpu.matmul %dot_general3A_327, %sub3A_338, %dot_general3A_339 {dimension_numbers = #tpu.dot_dimension_numbers<[1], [0], [0], [1], [0, 0, 1, 1], [], []>, precision = #tpu.contract_precision<fp32>, transpose_lhs_hint = false} : vector<32x32xf32>, vector<32x32xf32>, vector<32x32xf32> -> vector<32x32xf32>
      %dot_general3A_341 = arith.constant dense<0.000000e+00> : vector<32x32xf32>
      %dot_general3A_342 = tpu.matmul %sub3A_338, %dot_general3A_329, %dot_general3A_341 {dimension_numbers = #tpu.dot_dimension_numbers<[1], [0], [0], [1], [0, 0, 1, 1], [], []>, precision = #tpu.contract_precision<fp32>, transpose_lhs_hint = false} : vector<32x32xf32>, vector<32x32xf32>, vector<32x32xf32> -> vector<32x32xf32>
      %mul3A_343 = arith.constant 1.500000e+00 : f32
      %mul3A_344 = vector.broadcast %mul3A_343 : f32 to vector<32x32xf32>
      %mul3A_345 = arith.mulf %mul3A_344, %select_n3A_288 : vector<32x32xf32>
      %dot_general3A_346 = arith.constant dense<0.000000e+00> : vector<32x32xf32>
      %dot_general3A_347 = tpu.matmul %dot_general3A_342, %dot_general3A_340, %dot_general3A_346 {dimension_numbers = #tpu.dot_dimension_numbers<[1], [0], [0], [1], [0, 0, 1, 1], [], []>, precision = #tpu.contract_precision<fp32>, transpose_lhs_hint = false} : vector<32x32xf32>, vector<32x32xf32>, vector<32x32xf32> -> vector<32x32xf32>
      %mul3A_348 = arith.constant 5.000000e-01 : f32
      %mul3A_349 = vector.broadcast %mul3A_348 : f32 to vector<32x32xf32>
      %mul3A_350 = arith.mulf %mul3A_349, %dot_general3A_347 : vector<32x32xf32>
      %sub3A_351 = arith.subf %mul3A_345, %mul3A_350 : vector<32x32xf32>
      %dot_general3A_352 = arith.constant dense<0.000000e+00> : vector<32x32xf32>
      %dot_general3A_353 = tpu.matmul %dot_general3A_340, %sub3A_351, %dot_general3A_352 {dimension_numbers = #tpu.dot_dimension_numbers<[1], [0], [0], [1], [0, 0, 1, 1], [], []>, precision = #tpu.contract_precision<fp32>, transpose_lhs_hint = false} : vector<32x32xf32>, vector<32x32xf32>, vector<32x32xf32> -> vector<32x32xf32>
      %dot_general3A_354 = arith.constant dense<0.000000e+00> : vector<32x32xf32>
      %dot_general3A_355 = tpu.matmul %sub3A_351, %dot_general3A_342, %dot_general3A_354 {dimension_numbers = #tpu.dot_dimension_numbers<[1], [0], [0], [1], [0, 0, 1, 1], [], []>, precision = #tpu.contract_precision<fp32>, transpose_lhs_hint = false} : vector<32x32xf32>, vector<32x32xf32>, vector<32x32xf32> -> vector<32x32xf32>
      %mul3A_356 = arith.constant 1.500000e+00 : f32
      %mul3A_357 = vector.broadcast %mul3A_356 : f32 to vector<32x32xf32>
      %mul3A_358 = arith.mulf %mul3A_357, %select_n3A_288 : vector<32x32xf32>
      %dot_general3A_359 = arith.constant dense<0.000000e+00> : vector<32x32xf32>
      %dot_general3A_360 = tpu.matmul %dot_general3A_355, %dot_general3A_353, %dot_general3A_359 {dimension_numbers = #tpu.dot_dimension_numbers<[1], [0], [0], [1], [0, 0, 1, 1], [], []>, precision = #tpu.contract_precision<fp32>, transpose_lhs_hint = false} : vector<32x32xf32>, vector<32x32xf32>, vector<32x32xf32> -> vector<32x32xf32>
      %mul3A_361 = arith.constant 5.000000e-01 : f32
      %mul3A_362 = vector.broadcast %mul3A_361 : f32 to vector<32x32xf32>
      %mul3A_363 = arith.mulf %mul3A_362, %dot_general3A_360 : vector<32x32xf32>
      %sub3A_364 = arith.subf %mul3A_358, %mul3A_363 : vector<32x32xf32>
      %dot_general3A_365 = arith.constant dense<0.000000e+00> : vector<32x32xf32>
      %dot_general3A_366 = tpu.matmul %dot_general3A_353, %sub3A_364, %dot_general3A_365 {dimension_numbers = #tpu.dot_dimension_numbers<[1], [0], [0], [1], [0, 0, 1, 1], [], []>, precision = #tpu.contract_precision<fp32>, transpose_lhs_hint = false} : vector<32x32xf32>, vector<32x32xf32>, vector<32x32xf32> -> vector<32x32xf32>
      %dot_general3A_367 = arith.constant dense<0.000000e+00> : vector<32x32xf32>
      %dot_general3A_368 = tpu.matmul %sub3A_364, %dot_general3A_355, %dot_general3A_367 {dimension_numbers = #tpu.dot_dimension_numbers<[1], [0], [0], [1], [0, 0, 1, 1], [], []>, precision = #tpu.contract_precision<fp32>, transpose_lhs_hint = false} : vector<32x32xf32>, vector<32x32xf32>, vector<32x32xf32> -> vector<32x32xf32>
      %mul3A_369 = arith.constant 1.500000e+00 : f32
      %mul3A_370 = vector.broadcast %mul3A_369 : f32 to vector<32x32xf32>
      %mul3A_371 = arith.mulf %mul3A_370, %select_n3A_288 : vector<32x32xf32>
      %dot_general3A_372 = arith.constant dense<0.000000e+00> : vector<32x32xf32>
      %dot_general3A_373 = tpu.matmul %dot_general3A_368, %dot_general3A_366, %dot_general3A_372 {dimension_numbers = #tpu.dot_dimension_numbers<[1], [0], [0], [1], [0, 0, 1, 1], [], []>, precision = #tpu.contract_precision<fp32>, transpose_lhs_hint = false} : vector<32x32xf32>, vector<32x32xf32>, vector<32x32xf32> -> vector<32x32xf32>
      %mul3A_374 = arith.constant 5.000000e-01 : f32
      %mul3A_375 = vector.broadcast %mul3A_374 : f32 to vector<32x32xf32>
      %mul3A_376 = arith.mulf %mul3A_375, %dot_general3A_373 : vector<32x32xf32>
      %sub3A_377 = arith.subf %mul3A_371, %mul3A_376 : vector<32x32xf32>
      %dot_general3A_378 = arith.constant dense<0.000000e+00> : vector<32x32xf32>
      %dot_general3A_379 = tpu.matmul %dot_general3A_366, %sub3A_377, %dot_general3A_378 {dimension_numbers = #tpu.dot_dimension_numbers<[1], [0], [0], [1], [0, 0, 1, 1], [], []>, precision = #tpu.contract_precision<fp32>, transpose_lhs_hint = false} : vector<32x32xf32>, vector<32x32xf32>, vector<32x32xf32> -> vector<32x32xf32>
      %dot_general3A_380 = arith.constant dense<0.000000e+00> : vector<32x32xf32>
      %dot_general3A_381 = tpu.matmul %sub3A_377, %dot_general3A_368, %dot_general3A_380 {dimension_numbers = #tpu.dot_dimension_numbers<[1], [0], [0], [1], [0, 0, 1, 1], [], []>, precision = #tpu.contract_precision<fp32>, transpose_lhs_hint = false} : vector<32x32xf32>, vector<32x32xf32>, vector<32x32xf32> -> vector<32x32xf32>
      %mul3A_382 = arith.constant 1.500000e+00 : f32
      %mul3A_383 = vector.broadcast %mul3A_382 : f32 to vector<32x32xf32>
      %mul3A_384 = arith.mulf %mul3A_383, %select_n3A_288 : vector<32x32xf32>
      %dot_general3A_385 = arith.constant dense<0.000000e+00> : vector<32x32xf32>
      %dot_general3A_386 = tpu.matmul %dot_general3A_381, %dot_general3A_379, %dot_general3A_385 {dimension_numbers = #tpu.dot_dimension_numbers<[1], [0], [0], [1], [0, 0, 1, 1], [], []>, precision = #tpu.contract_precision<fp32>, transpose_lhs_hint = false} : vector<32x32xf32>, vector<32x32xf32>, vector<32x32xf32> -> vector<32x32xf32>
      %mul3A_387 = arith.constant 5.000000e-01 : f32
      %mul3A_388 = vector.broadcast %mul3A_387 : f32 to vector<32x32xf32>
      %mul3A_389 = arith.mulf %mul3A_388, %dot_general3A_386 : vector<32x32xf32>
      %sub3A_390 = arith.subf %mul3A_384, %mul3A_389 : vector<32x32xf32>
      %dot_general3A_391 = arith.constant dense<0.000000e+00> : vector<32x32xf32>
      %dot_general3A_392 = tpu.matmul %dot_general3A_379, %sub3A_390, %dot_general3A_391 {dimension_numbers = #tpu.dot_dimension_numbers<[1], [0], [0], [1], [0, 0, 1, 1], [], []>, precision = #tpu.contract_precision<fp32>, transpose_lhs_hint = false} : vector<32x32xf32>, vector<32x32xf32>, vector<32x32xf32> -> vector<32x32xf32>
      %dot_general3A_393 = arith.constant dense<0.000000e+00> : vector<32x32xf32>
      %dot_general3A_394 = tpu.matmul %sub3A_390, %dot_general3A_381, %dot_general3A_393 {dimension_numbers = #tpu.dot_dimension_numbers<[1], [0], [0], [1], [0, 0, 1, 1], [], []>, precision = #tpu.contract_precision<fp32>, transpose_lhs_hint = false} : vector<32x32xf32>, vector<32x32xf32>, vector<32x32xf32> -> vector<32x32xf32>
      %mul3A_395 = arith.constant 1.500000e+00 : f32
      %mul3A_396 = vector.broadcast %mul3A_395 : f32 to vector<32x32xf32>
      %mul3A_397 = arith.mulf %mul3A_396, %select_n3A_288 : vector<32x32xf32>
      %dot_general3A_398 = arith.constant dense<0.000000e+00> : vector<32x32xf32>
      %dot_general3A_399 = tpu.matmul %dot_general3A_394, %dot_general3A_392, %dot_general3A_398 {dimension_numbers = #tpu.dot_dimension_numbers<[1], [0], [0], [1], [0, 0, 1, 1], [], []>, precision = #tpu.contract_precision<fp32>, transpose_lhs_hint = false} : vector<32x32xf32>, vector<32x32xf32>, vector<32x32xf32> -> vector<32x32xf32>
      %mul3A_400 = arith.constant 5.000000e-01 : f32
      %mul3A_401 = vector.broadcast %mul3A_400 : f32 to vector<32x32xf32>
      %mul3A_402 = arith.mulf %mul3A_401, %dot_general3A_399 : vector<32x32xf32>
      %sub3A_403 = arith.subf %mul3A_397, %mul3A_402 : vector<32x32xf32>
      %dot_general3A_404 = arith.constant dense<0.000000e+00> : vector<32x32xf32>
      %dot_general3A_405 = tpu.matmul %dot_general3A_392, %sub3A_403, %dot_general3A_404 {dimension_numbers = #tpu.dot_dimension_numbers<[1], [0], [0], [1], [0, 0, 1, 1], [], []>, precision = #tpu.contract_precision<fp32>, transpose_lhs_hint = false} : vector<32x32xf32>, vector<32x32xf32>, vector<32x32xf32> -> vector<32x32xf32>
      %dot_general3A_406 = arith.constant dense<0.000000e+00> : vector<32x32xf32>
      %dot_general3A_407 = tpu.matmul %sub3A_403, %dot_general3A_394, %dot_general3A_406 {dimension_numbers = #tpu.dot_dimension_numbers<[1], [0], [0], [1], [0, 0, 1, 1], [], []>, precision = #tpu.contract_precision<fp32>, transpose_lhs_hint = false} : vector<32x32xf32>, vector<32x32xf32>, vector<32x32xf32> -> vector<32x32xf32>
      %mul3A_408 = arith.constant 1.500000e+00 : f32
      %mul3A_409 = vector.broadcast %mul3A_408 : f32 to vector<32x32xf32>
      %mul3A_410 = arith.mulf %mul3A_409, %select_n3A_288 : vector<32x32xf32>
      %dot_general3A_411 = arith.constant dense<0.000000e+00> : vector<32x32xf32>
      %dot_general3A_412 = tpu.matmul %dot_general3A_407, %dot_general3A_405, %dot_general3A_411 {dimension_numbers = #tpu.dot_dimension_numbers<[1], [0], [0], [1], [0, 0, 1, 1], [], []>, precision = #tpu.contract_precision<fp32>, transpose_lhs_hint = false} : vector<32x32xf32>, vector<32x32xf32>, vector<32x32xf32> -> vector<32x32xf32>
      %mul3A_413 = arith.constant 5.000000e-01 : f32
      %mul3A_414 = vector.broadcast %mul3A_413 : f32 to vector<32x32xf32>
      %mul3A_415 = arith.mulf %mul3A_414, %dot_general3A_412 : vector<32x32xf32>
      %sub3A_416 = arith.subf %mul3A_410, %mul3A_415 : vector<32x32xf32>
      %dot_general3A_417 = arith.constant dense<0.000000e+00> : vector<32x32xf32>
      %dot_general3A_418 = tpu.matmul %dot_general3A_405, %sub3A_416, %dot_general3A_417 {dimension_numbers = #tpu.dot_dimension_numbers<[1], [0], [0], [1], [0, 0, 1, 1], [], []>, precision = #tpu.contract_precision<fp32>, transpose_lhs_hint = false} : vector<32x32xf32>, vector<32x32xf32>, vector<32x32xf32> -> vector<32x32xf32>
      %dot_general3A_419 = arith.constant dense<0.000000e+00> : vector<32x32xf32>
      %dot_general3A_420 = tpu.matmul %sub3A_416, %dot_general3A_407, %dot_general3A_419 {dimension_numbers = #tpu.dot_dimension_numbers<[1], [0], [0], [1], [0, 0, 1, 1], [], []>, precision = #tpu.contract_precision<fp32>, transpose_lhs_hint = false} : vector<32x32xf32>, vector<32x32xf32>, vector<32x32xf32> -> vector<32x32xf32>
      %mul3A_421 = arith.constant 1.500000e+00 : f32
      %mul3A_422 = vector.broadcast %mul3A_421 : f32 to vector<32x32xf32>
      %mul3A_423 = arith.mulf %mul3A_422, %select_n3A_288 : vector<32x32xf32>
      %dot_general3A_424 = arith.constant dense<0.000000e+00> : vector<32x32xf32>
      %dot_general3A_425 = tpu.matmul %dot_general3A_420, %dot_general3A_418, %dot_general3A_424 {dimension_numbers = #tpu.dot_dimension_numbers<[1], [0], [0], [1], [0, 0, 1, 1], [], []>, precision = #tpu.contract_precision<fp32>, transpose_lhs_hint = false} : vector<32x32xf32>, vector<32x32xf32>, vector<32x32xf32> -> vector<32x32xf32>
      %mul3A_426 = arith.constant 5.000000e-01 : f32
      %mul3A_427 = vector.broadcast %mul3A_426 : f32 to vector<32x32xf32>
      %mul3A_428 = arith.mulf %mul3A_427, %dot_general3A_425 : vector<32x32xf32>
      %sub3A_429 = arith.subf %mul3A_423, %mul3A_428 : vector<32x32xf32>
      %dot_general3A_430 = arith.constant dense<0.000000e+00> : vector<32x32xf32>
      %dot_general3A_431 = tpu.matmul %dot_general3A_418, %sub3A_429, %dot_general3A_430 {dimension_numbers = #tpu.dot_dimension_numbers<[1], [0], [0], [1], [0, 0, 1, 1], [], []>, precision = #tpu.contract_precision<fp32>, transpose_lhs_hint = false} : vector<32x32xf32>, vector<32x32xf32>, vector<32x32xf32> -> vector<32x32xf32>
      %dot_general3A_432 = arith.constant dense<0.000000e+00> : vector<32x32xf32>
      %dot_general3A_433 = tpu.matmul %sub3A_429, %dot_general3A_420, %dot_general3A_432 {dimension_numbers = #tpu.dot_dimension_numbers<[1], [0], [0], [1], [0, 0, 1, 1], [], []>, precision = #tpu.contract_precision<fp32>, transpose_lhs_hint = false} : vector<32x32xf32>, vector<32x32xf32>, vector<32x32xf32> -> vector<32x32xf32>
      %mul3A_434 = arith.constant 1.500000e+00 : f32
      %mul3A_435 = vector.broadcast %mul3A_434 : f32 to vector<32x32xf32>
      %mul3A_436 = arith.mulf %mul3A_435, %select_n3A_288 : vector<32x32xf32>
      %dot_general3A_437 = arith.constant dense<0.000000e+00> : vector<32x32xf32>
      %dot_general3A_438 = tpu.matmul %dot_general3A_433, %dot_general3A_431, %dot_general3A_437 {dimension_numbers = #tpu.dot_dimension_numbers<[1], [0], [0], [1], [0, 0, 1, 1], [], []>, precision = #tpu.contract_precision<fp32>, transpose_lhs_hint = false} : vector<32x32xf32>, vector<32x32xf32>, vector<32x32xf32> -> vector<32x32xf32>
      %mul3A_439 = arith.constant 5.000000e-01 : f32
      %mul3A_440 = vector.broadcast %mul3A_439 : f32 to vector<32x32xf32>
      %mul3A_441 = arith.mulf %mul3A_440, %dot_general3A_438 : vector<32x32xf32>
      %sub3A_442 = arith.subf %mul3A_436, %mul3A_441 : vector<32x32xf32>
      %dot_general3A_443 = arith.constant dense<0.000000e+00> : vector<32x32xf32>
      %dot_general3A_444 = tpu.matmul %dot_general3A_431, %sub3A_442, %dot_general3A_443 {dimension_numbers = #tpu.dot_dimension_numbers<[1], [0], [0], [1], [0, 0, 1, 1], [], []>, precision = #tpu.contract_precision<fp32>, transpose_lhs_hint = false} : vector<32x32xf32>, vector<32x32xf32>, vector<32x32xf32> -> vector<32x32xf32>
      %dot_general3A_445 = arith.constant dense<0.000000e+00> : vector<32x32xf32>
      %dot_general3A_446 = tpu.matmul %sub3A_442, %dot_general3A_433, %dot_general3A_445 {dimension_numbers = #tpu.dot_dimension_numbers<[1], [0], [0], [1], [0, 0, 1, 1], [], []>, precision = #tpu.contract_precision<fp32>, transpose_lhs_hint = false} : vector<32x32xf32>, vector<32x32xf32>, vector<32x32xf32> -> vector<32x32xf32>
      %mul3A_447 = arith.constant 1.500000e+00 : f32
      %mul3A_448 = vector.broadcast %mul3A_447 : f32 to vector<32x32xf32>
      %mul3A_449 = arith.mulf %mul3A_448, %select_n3A_288 : vector<32x32xf32>
      %dot_general3A_450 = arith.constant dense<0.000000e+00> : vector<32x32xf32>
      %dot_general3A_451 = tpu.matmul %dot_general3A_446, %dot_general3A_444, %dot_general3A_450 {dimension_numbers = #tpu.dot_dimension_numbers<[1], [0], [0], [1], [0, 0, 1, 1], [], []>, precision = #tpu.contract_precision<fp32>, transpose_lhs_hint = false} : vector<32x32xf32>, vector<32x32xf32>, vector<32x32xf32> -> vector<32x32xf32>
      %mul3A_452 = arith.constant 5.000000e-01 : f32
      %mul3A_453 = vector.broadcast %mul3A_452 : f32 to vector<32x32xf32>
      %mul3A_454 = arith.mulf %mul3A_453, %dot_general3A_451 : vector<32x32xf32>
      %sub3A_455 = arith.subf %mul3A_449, %mul3A_454 : vector<32x32xf32>
      %dot_general3A_456 = arith.constant dense<0.000000e+00> : vector<32x32xf32>
      %dot_general3A_457 = tpu.matmul %dot_general3A_444, %sub3A_455, %dot_general3A_456 {dimension_numbers = #tpu.dot_dimension_numbers<[1], [0], [0], [1], [0, 0, 1, 1], [], []>, precision = #tpu.contract_precision<fp32>, transpose_lhs_hint = false} : vector<32x32xf32>, vector<32x32xf32>, vector<32x32xf32> -> vector<32x32xf32>
      %dot_general3A_458 = arith.constant dense<0.000000e+00> : vector<32x32xf32>
      %dot_general3A_459 = tpu.matmul %sub3A_455, %dot_general3A_446, %dot_general3A_458 {dimension_numbers = #tpu.dot_dimension_numbers<[1], [0], [0], [1], [0, 0, 1, 1], [], []>, precision = #tpu.contract_precision<fp32>, transpose_lhs_hint = false} : vector<32x32xf32>, vector<32x32xf32>, vector<32x32xf32> -> vector<32x32xf32>
      %mul3A_460 = arith.constant 1.500000e+00 : f32
      %mul3A_461 = vector.broadcast %mul3A_460 : f32 to vector<32x32xf32>
      %mul3A_462 = arith.mulf %mul3A_461, %select_n3A_288 : vector<32x32xf32>
      %dot_general3A_463 = arith.constant dense<0.000000e+00> : vector<32x32xf32>
      %dot_general3A_464 = tpu.matmul %dot_general3A_459, %dot_general3A_457, %dot_general3A_463 {dimension_numbers = #tpu.dot_dimension_numbers<[1], [0], [0], [1], [0, 0, 1, 1], [], []>, precision = #tpu.contract_precision<fp32>, transpose_lhs_hint = false} : vector<32x32xf32>, vector<32x32xf32>, vector<32x32xf32> -> vector<32x32xf32>
      %mul3A_465 = arith.constant 5.000000e-01 : f32
      %mul3A_466 = vector.broadcast %mul3A_465 : f32 to vector<32x32xf32>
      %mul3A_467 = arith.mulf %mul3A_466, %dot_general3A_464 : vector<32x32xf32>
      %sub3A_468 = arith.subf %mul3A_462, %mul3A_467 : vector<32x32xf32>
      %dot_general3A_469 = arith.constant dense<0.000000e+00> : vector<32x32xf32>
      %dot_general3A_470 = tpu.matmul %dot_general3A_457, %sub3A_468, %dot_general3A_469 {dimension_numbers = #tpu.dot_dimension_numbers<[1], [0], [0], [1], [0, 0, 1, 1], [], []>, precision = #tpu.contract_precision<fp32>, transpose_lhs_hint = false} : vector<32x32xf32>, vector<32x32xf32>, vector<32x32xf32> -> vector<32x32xf32>
      %dot_general3A_471 = arith.constant dense<0.000000e+00> : vector<32x32xf32>
      %dot_general3A_472 = tpu.matmul %sub3A_468, %dot_general3A_459, %dot_general3A_471 {dimension_numbers = #tpu.dot_dimension_numbers<[1], [0], [0], [1], [0, 0, 1, 1], [], []>, precision = #tpu.contract_precision<fp32>, transpose_lhs_hint = false} : vector<32x32xf32>, vector<32x32xf32>, vector<32x32xf32> -> vector<32x32xf32>
      %mul3A_473 = arith.constant 1.500000e+00 : f32
      %mul3A_474 = vector.broadcast %mul3A_473 : f32 to vector<32x32xf32>
      %mul3A_475 = arith.mulf %mul3A_474, %select_n3A_288 : vector<32x32xf32>
      %dot_general3A_476 = arith.constant dense<0.000000e+00> : vector<32x32xf32>
      %dot_general3A_477 = tpu.matmul %dot_general3A_472, %dot_general3A_470, %dot_general3A_476 {dimension_numbers = #tpu.dot_dimension_numbers<[1], [0], [0], [1], [0, 0, 1, 1], [], []>, precision = #tpu.contract_precision<fp32>, transpose_lhs_hint = false} : vector<32x32xf32>, vector<32x32xf32>, vector<32x32xf32> -> vector<32x32xf32>
      %mul3A_478 = arith.constant 5.000000e-01 : f32
      %mul3A_479 = vector.broadcast %mul3A_478 : f32 to vector<32x32xf32>
      %mul3A_480 = arith.mulf %mul3A_479, %dot_general3A_477 : vector<32x32xf32>
      %sub3A_481 = arith.subf %mul3A_475, %mul3A_480 : vector<32x32xf32>
      %dot_general3A_482 = arith.constant dense<0.000000e+00> : vector<32x32xf32>
      %dot_general3A_483 = tpu.matmul %sub3A_481, %dot_general3A_472, %dot_general3A_482 {dimension_numbers = #tpu.dot_dimension_numbers<[1], [0], [0], [1], [0, 0, 1, 1], [], []>, precision = #tpu.contract_precision<fp32>, transpose_lhs_hint = false} : vector<32x32xf32>, vector<32x32xf32>, vector<32x32xf32> -> vector<32x32xf32>
      %rsqrt3A_484 = math.rsqrt %reduce_sum3A_299 : f32
      %mul3A_485 = vector.broadcast %rsqrt3A_484 : f32 to vector<32x32xf32>
      %mul3A_486 = arith.mulf %dot_general3A_483, %mul3A_485 : vector<32x32xf32>
      %dot_general3A_487 = arith.constant dense<0.000000e+00> : vector<32x5000xf32>
      %dot_general3A_488 = tpu.matmul %mul3A_486, %dot_general3A_278, %dot_general3A_487 {dimension_numbers = #tpu.dot_dimension_numbers<[1], [0], [0], [1], [0, 0, 1, 1], [], []>, precision = #tpu.contract_precision<fp32>, transpose_lhs_hint = false} : vector<32x32xf32>, vector<32x5000xf32>, vector<32x5000xf32> -> vector<32x5000xf32>
      %convert_element_type3A_489 = arith.truncf %dot_general3A_488 : vector<32x5000xf32> to vector<32x5000xbf16>
      %swap3A_490 = arith.constant 0 : index
      %swap3A_491 = arith.constant 0 : index
      %swap3A_492 = vector.load %arg14[%swap3A_490, %swap3A_491] : memref<32x5000xbf16, #tpu.memory_space<vmem>>, vector<32x5000xbf16>
      tpu.vector_store %arg14[%swap3A_490, %swap3A_491], %convert_element_type3A_489 {strides = array<i32>} : memref<32x5000xbf16, #tpu.memory_space<vmem>>, vector<32x5000xbf16>,
      %broadcast_in_dim3A_493 = arith.constant 0.000000e+00 : f32
      %broadcast_in_dim3A_494 = vector.broadcast %broadcast_in_dim3A_493 : f32 to vector<32x32xf32>
      %swap3A_495 = arith.constant 0 : index
      %swap3A_496 = arith.constant 0 : index
      %swap3A_497 = vector.load %arg9[%swap3A_495, %swap3A_496] : memref<32x32xf32, #tpu.memory_space<vmem>>, vector<32x32xf32>
      tpu.vector_store %arg9[%swap3A_495, %swap3A_496], %broadcast_in_dim3A_494 {strides = array<i32>} : memref<32x32xf32, #tpu.memory_space<vmem>>, vector<32x32xf32>,
      %broadcast_in_dim3A_498 = arith.constant 0.000000e+00 : f32
      %broadcast_in_dim3A_499 = vector.broadcast %broadcast_in_dim3A_498 : f32 to vector<32x5000xf32>
      %swap3A_500 = arith.constant 0 : index
      %swap3A_501 = arith.constant 0 : index
      %swap3A_502 = vector.load %arg10[%swap3A_500, %swap3A_501] : memref<32x5000xf32, #tpu.memory_space<vmem>>, vector<32x5000xf32>
      tpu.vector_store %arg10[%swap3A_500, %swap3A_501], %broadcast_in_dim3A_499 {strides = array<i32>} : memref<32x5000xf32, #tpu.memory_space<vmem>>, vector<32x5000xf32>,
      %get3A_503 = arith.constant 0 : index
      %get3A_504 = arith.constant 0 : index
      %get3A_505 = vector.load %arg7[%get3A_503, %get3A_504] : memref<64x5000xf32, #tpu.memory_space<vmem>>, vector<64x5000xf32>
      %get3A_506 = arith.constant 0 : index
      %get3A_507 = arith.constant 0 : index
      %get3A_508 = vector.load %arg5[%get3A_506, %get3A_507] : memref<64x5000xf32, #tpu.memory_space<vmem>>, vector<64x5000xf32>
      %add3A_509 = arith.addf %get3A_505, %get3A_508 : vector<64x5000xf32>
      %swap3A_510 = arith.constant 0 : index
      %swap3A_511 = arith.constant 0 : index
      %swap3A_512 = vector.load %arg12[%swap3A_510, %swap3A_511] : memref<64x5000xf32, #tpu.memory_space<vmem>>, vector<64x5000xf32>
      tpu.vector_store %arg12[%swap3A_510, %swap3A_511], %add3A_509 {strides = array<i32>} : memref<64x5000xf32, #tpu.memory_space<vmem>>, vector<64x5000xf32>,
      %broadcast_in_dim3A_513 = arith.constant 0.000000e+00 : f32
      %broadcast_in_dim3A_514 = vector.broadcast %broadcast_in_dim3A_513 : f32 to vector<64x32xf32>
      %swap3A_515 = arith.constant 0 : index
      %swap3A_516 = arith.constant 0 : index
      %swap3A_517 = vector.load %arg13[%swap3A_515, %swap3A_516] : memref<64x32xf32, #tpu.memory_space<vmem>>, vector<64x32xf32>
      tpu.vector_store %arg13[%swap3A_515, %swap3A_516], %broadcast_in_dim3A_514 {strides = array<i32>} : memref<64x32xf32, #tpu.memory_space<vmem>>, vector<64x32xf32>,
    } else {
    }
    %get3A = arith.constant 0 : index
    %get3A_2 = arith.constant 0 : index
    %get3A_3 = vector.load %arg1[%get3A, %get3A_2] : memref<1000x5000xbf16, #tpu.memory_space<vmem>>, vector<1000x5000xbf16>
    %get3A_4 = arith.constant 0 : index
    %get3A_5 = arith.constant 0 : index
    %get3A_6 = vector.load %arg14[%get3A_4, %get3A_5] : memref<32x5000xbf16, #tpu.memory_space<vmem>>, vector<32x5000xbf16>
    %dot_general3A = arith.constant dense<0.000000e+00> : vector<1000x32xf32>
    %dot_general3A_7 = tpu.matmul %get3A_3, %get3A_6, %dot_general3A {dimension_numbers = #tpu.dot_dimension_numbers<[1], [1], [0], [0], [0, 0, 1, 0], [], []>, transpose_lhs_hint = false} : vector<1000x5000xbf16>, vector<32x5000xbf16>, vector<1000x32xf32> -> vector<1000x32xf32>
    %swap3A = arith.constant 0 : index
    %swap3A_8 = arith.constant 0 : index
    %swap3A_9 = vector.load %arg8[%swap3A, %swap3A_8] : memref<1000x32xf32, #tpu.memory_space<vmem>>, vector<1000x32xf32>
    tpu.vector_store %arg8[%swap3A, %swap3A_8], %dot_general3A_7 {strides = array<i32>} : memref<1000x32xf32, #tpu.memory_space<vmem>>, vector<1000x32xf32>,
    %get3A_10 = arith.constant 0 : index
    %get3A_11 = arith.constant 0 : index
    %get3A_12 = vector.load %arg4[%get3A_10, %get3A_11] : memref<1000x64xf32, #tpu.memory_space<vmem>>, vector<1000x64xf32>
    %get3A_13 = arith.constant 0 : index
    %get3A_14 = arith.constant 0 : index
    %get3A_15 = vector.load %arg6[%get3A_13, %get3A_14] : memref<1000x64xf32, #tpu.memory_space<vmem>>, vector<1000x64xf32>
    %add3A = arith.addf %get3A_15, %get3A_12 : vector<1000x64xf32>
    %get3A_16 = arith.constant 0 : index
    %get3A_17 = arith.constant 0 : index
    %get3A_18 = vector.load %arg1[%get3A_16, %get3A_17] : memref<1000x5000xbf16, #tpu.memory_space<vmem>>, vector<1000x5000xbf16>
    %get3A_19 = arith.constant 0 : index
    %get3A_20 = arith.constant 0 : index
    %get3A_21 = vector.load %arg5[%get3A_19, %get3A_20] : memref<64x5000xf32, #tpu.memory_space<vmem>>, vector<64x5000xf32>
    %convert_element_type3A_22 = arith.truncf %get3A_21 : vector<64x5000xf32> to vector<64x5000xbf16>
    %dot_general3A_23 = arith.constant dense<0.000000e+00> : vector<1000x64xf32>
    %dot_general3A_24 = tpu.matmul %get3A_18, %convert_element_type3A_22, %dot_general3A_23 {dimension_numbers = #tpu.dot_dimension_numbers<[1], [1], [0], [0], [0, 0, 1, 0], [], []>, transpose_lhs_hint = false} : vector<1000x5000xbf16>, vector<64x5000xbf16>, vector<1000x64xf32> -> vector<1000x64xf32>
    %add3A_25 = arith.addf %add3A, %dot_general3A_24 : vector<1000x64xf32>
    %swap3A_26 = arith.constant 0 : index
    %swap3A_27 = arith.constant 0 : index
    %swap3A_28 = vector.load %arg11[%swap3A_26, %swap3A_27] : memref<1000x64xf32, #tpu.memory_space<vmem>>, vector<1000x64xf32>
    tpu.vector_store %arg11[%swap3A_26, %swap3A_27], %add3A_25 {strides = array<i32>} : memref<1000x64xf32, #tpu.memory_space<vmem>>, vector<1000x64xf32>,
    %get3A_29 = arith.constant 0 : index
    %get3A_30 = arith.constant 0 : index
    %get3A_31 = vector.load %arg9[%get3A_29, %get3A_30] : memref<32x32xf32, #tpu.memory_space<vmem>>, vector<32x32xf32>
    %dot_general3A_32 = arith.constant dense<0.000000e+00> : vector<32x32xf32>
    %dot_general3A_33 = tpu.matmul %dot_general3A_7, %dot_general3A_7, %dot_general3A_32 {dimension_numbers = #tpu.dot_dimension_numbers<[0], [0], [1], [1], [0, 1, 1, 1], [], []>, transpose_lhs_hint = false} : vector<1000x32xf32>, vector<1000x32xf32>, vector<32x32xf32> -> vector<32x32xf32>
    %add3A_34 = arith.addf %get3A_31, %dot_general3A_33 : vector<32x32xf32>
    %swap3A_35 = arith.constant 0 : index
    %swap3A_36 = arith.constant 0 : index
    %swap3A_37 = vector.load %arg9[%swap3A_35, %swap3A_36] : memref<32x32xf32, #tpu.memory_space<vmem>>, vector<32x32xf32>
    tpu.vector_store %arg9[%swap3A_35, %swap3A_36], %add3A_34 {strides = array<i32>} : memref<32x32xf32, #tpu.memory_space<vmem>>, vector<32x32xf32>,
    %get3A_38 = arith.constant 0 : index
    %get3A_39 = arith.constant 0 : index
    %get3A_40 = vector.load %arg10[%get3A_38, %get3A_39] : memref<32x5000xf32, #tpu.memory_space<vmem>>, vector<32x5000xf32>
    %convert_element_type3A_41 = arith.truncf %dot_general3A_7 : vector<1000x32xf32> to vector<1000x32xbf16>
    %get3A_42 = arith.constant 0 : index
    %get3A_43 = arith.constant 0 : index
    %get3A_44 = vector.load %arg1[%get3A_42, %get3A_43] : memref<1000x5000xbf16, #tpu.memory_space<vmem>>, vector<1000x5000xbf16>
    %dot_general3A_45 = arith.constant dense<0.000000e+00> : vector<32x5000xf32>
    %dot_general3A_46 = tpu.matmul %convert_element_type3A_41, %get3A_44, %dot_general3A_45 {dimension_numbers = #tpu.dot_dimension_numbers<[0], [0], [1], [1], [0, 1, 1, 1], [], []>, transpose_lhs_hint = false} : vector<1000x32xbf16>, vector<1000x5000xbf16>, vector<32x5000xf32> -> vector<32x5000xf32>
    %add3A_47 = arith.addf %get3A_40, %dot_general3A_46 : vector<32x5000xf32>
    %swap3A_48 = arith.constant 0 : index
    %swap3A_49 = arith.constant 0 : index
    %swap3A_50 = vector.load %arg10[%swap3A_48, %swap3A_49] : memref<32x5000xf32, #tpu.memory_space<vmem>>, vector<32x5000xf32>
    tpu.vector_store %arg10[%swap3A_48, %swap3A_49], %add3A_47 {strides = array<i32>} : memref<32x5000xf32, #tpu.memory_space<vmem>>, vector<32x5000xf32>,
    %get3A_51 = arith.constant 0 : index
    %get3A_52 = arith.constant 0 : index
    %get3A_53 = vector.load %arg12[%get3A_51, %get3A_52] : memref<64x5000xf32, #tpu.memory_space<vmem>>, vector<64x5000xf32>
    %convert_element_type3A_54 = arith.truncf %get3A_12 : vector<1000x64xf32> to vector<1000x64xbf16>
    %get3A_55 = arith.constant 0 : index
    %get3A_56 = arith.constant 0 : index
    %get3A_57 = vector.load %arg1[%get3A_55, %get3A_56] : memref<1000x5000xbf16, #tpu.memory_space<vmem>>, vector<1000x5000xbf16>
    %dot_general3A_58 = arith.constant dense<0.000000e+00> : vector<64x5000xf32>
    %dot_general3A_59 = tpu.matmul %convert_element_type3A_54, %get3A_57, %dot_general3A_58 {dimension_numbers = #tpu.dot_dimension_numbers<[0], [0], [1], [1], [0, 1, 1, 1], [], []>, transpose_lhs_hint = false} : vector<1000x64xbf16>, vector<1000x5000xbf16>, vector<64x5000xf32> -> vector<64x5000xf32>
    %add3A_60 = arith.addf %get3A_53, %dot_general3A_59 : vector<64x5000xf32>
    %swap3A_61 = arith.constant 0 : index
    %swap3A_62 = arith.constant 0 : index
    %swap3A_63 = vector.load %arg12[%swap3A_61, %swap3A_62] : memref<64x5000xf32, #tpu.memory_space<vmem>>, vector<64x5000xf32>
    tpu.vector_store %arg12[%swap3A_61, %swap3A_62], %add3A_60 {strides = array<i32>} : memref<64x5000xf32, #tpu.memory_space<vmem>>, vector<64x5000xf32>,
    %get3A_64 = arith.constant 0 : index
    %get3A_65 = arith.constant 0 : index
    %get3A_66 = vector.load %arg13[%get3A_64, %get3A_65] : memref<64x32xf32, #tpu.memory_space<vmem>>, vector<64x32xf32>
    %add3A_67 = arith.addf %get3A_15, %get3A_12 : vector<1000x64xf32>
    %dot_general3A_68 = arith.constant dense<0.000000e+00> : vector<64x32xf32>
    %dot_general3A_69 = tpu.matmul %add3A_67, %dot_general3A_7, %dot_general3A_68 {dimension_numbers = #tpu.dot_dimension_numbers<[0], [0], [1], [1], [0, 1, 1, 1], [], []>, transpose_lhs_hint = false} : vector<1000x64xf32>, vector<1000x32xf32>, vector<64x32xf32> -> vector<64x32xf32>
    %add3A_70 = arith.addf %get3A_66, %dot_general3A_69 : vector<64x32xf32>
    %swap3A_71 = arith.constant 0 : index
    %swap3A_72 = arith.constant 0 : index
    %swap3A_73 = vector.load %arg13[%swap3A_71, %swap3A_72] : memref<64x32xf32, #tpu.memory_space<vmem>>, vector<64x32xf32>
    tpu.vector_store %arg13[%swap3A_71, %swap3A_72], %add3A_70 {strides = array<i32>} : memref<64x32xf32, #tpu.memory_space<vmem>>, vector<64x32xf32>,
    return
  }
  func.func @transform_0(%arg0: i32) -> (i32, i32) {
    %c0_i32 = arith.constant 0 : i32
    %c0_i32_0 = arith.constant 0 : i32
    return %arg0, %c0_i32 : i32, i32
  }
  func.func @transform_1(%arg0: i32) -> (i32, i32) {
    %c0_i32 = arith.constant 0 : i32
    %c0_i32_0 = arith.constant 0 : i32
    %c0_i32_1 = arith.constant 0 : i32
    return %c0_i32, %c0_i32_0 : i32, i32
  }
  func.func @transform_2(%arg0: i32) -> (i32, i32) {
    %c0_i32 = arith.constant 0 : i32
    %c0_i32_0 = arith.constant 0 : i32
    %c0_i32_1 = arith.constant 0 : i32
    return %c0_i32, %c0_i32_0 : i32, i32
  }
  func.func @transform_3(%arg0: i32) -> (i32, i32) {
    %c0_i32 = arith.constant 0 : i32
    %c0_i32_0 = arith.constant 0 : i32
    return %arg0, %c0_i32 : i32, i32
  }
  func.func @transform_4(%arg0: i32) -> (i32, i32) {
    %c0_i32 = arith.constant 0 : i32
    %c0_i32_0 = arith.constant 0 : i32
    %c0_i32_1 = arith.constant 0 : i32
    return %c0_i32, %c0_i32_0 : i32, i32
  }
  func.func @transform_5(%arg0: i32) -> (i32, i32) {
    %c0_i32 = arith.constant 0 : i32
    %c0_i32_0 = arith.constant 0 : i32
    return %arg0, %c0_i32 : i32, i32
  }
  func.func @transform_6(%arg0: i32) -> (i32, i32) {
    %c0_i32 = arith.constant 0 : i32
    %c0_i32_0 = arith.constant 0 : i32
    %c0_i32_1 = arith.constant 0 : i32
    return %c0_i32, %c0_i32_0 : i32, i32
  }
  func.func @transform_7(%arg0: i32) -> (i32, i32) {
    %c0_i32 = arith.constant 0 : i32
    %c0_i32_0 = arith.constant 0 : i32
    return %arg0, %c0_i32 : i32, i32
  }
  func.func @transform_8(%arg0: i32) -> (i32, i32) {
    %c0_i32 = arith.constant 0 : i32
    %c0_i32_0 = arith.constant 0 : i32
    %c0_i32_1 = arith.constant 0 : i32
    return %c0_i32, %c0_i32_0 : i32, i32
  }
  func.func @transform_9(%arg0: i32) -> (i32, i32) {
    %c0_i32 = arith.constant 0 : i32
    %c0_i32_0 = arith.constant 0 : i32
    %c0_i32_1 = arith.constant 0 : i32
    return %c0_i32, %c0_i32_0 : i32, i32
  }
  func.func @transform_10(%arg0: i32) -> (i32, i32) {
    %c0_i32 = arith.constant 0 : i32
    %c0_i32_0 = arith.constant 0 : i32
    return %arg0, %c0_i32 : i32, i32
  }
  func.func @transform_11(%arg0: i32) -> (i32, i32) {
    %c0_i32 = arith.constant 0 : i32
    %c0_i32_0 = arith.constant 0 : i32
    %c0_i32_1 = arith.constant 0 : i32
    return %c0_i32, %c0_i32_0 : i32, i32
  }
  func.func @transform_12(%arg0: i32) -> (i32, i32) {
    %c0_i32 = arith.constant 0 : i32
    %c0_i32_0 = arith.constant 0 : i32
    %c0_i32_1 = arith.constant 0 : i32
    return %c0_i32, %c0_i32_0 : i32, i32
  }
}

module attributes {stable_mosaic.version = 14 : i64} {
  func.func @_guei_body(%arg0: i32, %arg1: memref<1000x32xf32, #tpu.memory_space<vmem>>, %arg2: memref<32x32xf32, #tpu.memory_space<vmem>>, %arg3: memref<32x5000xf32, #tpu.memory_space<vmem>>, %arg4: memref<64x32xf32, #tpu.memory_space<vmem>>, %arg5: memref<1000x64xf32, #tpu.memory_space<vmem>>, %arg6: memref<1000x64xf32, #tpu.memory_space<vmem>>, %arg7: memref<64x5000xf32, #tpu.memory_space<vmem>>, %arg8: memref<64x5000xf32, #tpu.memory_space<vmem>>, %arg9: memref<64x5000xf32, #tpu.memory_space<vmem>>, %arg10: memref<1000x128xf32, #tpu.memory_space<vmem>>, %arg11: memref<128x5000xf32, #tpu.memory_space<vmem>>, %arg12: memref<32x64xf32, #tpu.memory_space<vmem>>) attributes {dimension_semantics = [#tpu.dimension_semantics<arbitrary>], iteration_bounds = array<i64: 10>, scalar_prefetch = 0 : i64, scratch_operands = 1 : i64, tpu.core_type = #tpu.core_type<tc>, window_params = [{transform_indices = @transform_0, window_bounds = array<i64: 1000, 32>}, {pipeline_mode = #tpu.pipeline_mode<synchronous>, transform_indices = @transform_1, window_bounds = array<i64: 32, 32>}, {pipeline_mode = #tpu.pipeline_mode<synchronous>, transform_indices = @transform_2, window_bounds = array<i64: 32, 5000>}, {pipeline_mode = #tpu.pipeline_mode<synchronous>, transform_indices = @transform_3, window_bounds = array<i64: 64, 32>}, {transform_indices = @transform_4, window_bounds = array<i64: 1000, 64>}, {transform_indices = @transform_5, window_bounds = array<i64: 1000, 64>}, {pipeline_mode = #tpu.pipeline_mode<synchronous>, transform_indices = @transform_6, window_bounds = array<i64: 64, 5000>}, {pipeline_mode = #tpu.pipeline_mode<synchronous>, transform_indices = @transform_7, window_bounds = array<i64: 64, 5000>}, {pipeline_mode = #tpu.pipeline_mode<synchronous>, transform_indices = @transform_8, window_bounds = array<i64: 64, 5000>}, {transform_indices = @transform_9, window_bounds = array<i64: 1000, 128>}, {pipeline_mode = #tpu.pipeline_mode<synchronous>, transform_indices = @transform_10, window_bounds = array<i64: 128, 5000>}]} {
    %eq3A = arith.constant 0 : i32
    %eq3A_0 = arith.cmpi eq, %arg0, %eq3A : i32
    %convert_element_type3A = arith.extui %eq3A_0 : i1 to i32
    %cond3A = arith.constant 0 : i32
    %cond3A_1 = arith.cmpi ne, %convert_element_type3A, %cond3A : i32
    scf.if %cond3A_1 {
      %get3A_16 = arith.constant 0 : index
      %get3A_17 = arith.constant 0 : index
      %get3A_18 = vector.load %arg2[%get3A_16, %get3A_17] : memref<32x32xf32, #tpu.memory_space<vmem>>, vector<32x32xf32>
      %iota3A = tpu.iota {dimensions = array<i32: 0>} : vector<32x32xi32>
      %iota3A_19 = tpu.iota {dimensions = array<i32: 1>} : vector<32x32xi32>
      %eq3A_20 = arith.cmpi eq, %iota3A, %iota3A_19 : vector<32x32xi32>
      %jit3A = arith.constant 1.000000e+00 : f32
      %jit3A_21 = arith.constant 0.000000e+00 : f32
      %broadcast_in_dim3A = vector.broadcast %jit3A : f32 to vector<32x32xf32>
      %broadcast_in_dim3A_22 = vector.broadcast %jit3A_21 : f32 to vector<32x32xf32>
      %select_n3A = arith.select %eq3A_20, %broadcast_in_dim3A, %broadcast_in_dim3A_22 : vector<32x32xi1>, vector<32x32xf32>
      %iota3A_23 = tpu.iota {dimensions = array<i32: 0>} : vector<32x32xi32>
      %iota3A_24 = tpu.iota {dimensions = array<i32: 1>} : vector<32x32xi32>
      %eq3A_25 = arith.cmpi eq, %iota3A_23, %iota3A_24 : vector<32x32xi32>
      %jit3A_26 = arith.constant 0.000000e+00 : f32
      %broadcast_in_dim3A_27 = vector.broadcast %jit3A_26 : f32 to vector<32x32xf32>
      %select_n3A_28 = arith.select %eq3A_25, %get3A_18, %broadcast_in_dim3A_27 : vector<32x32xi1>, vector<32x32xf32>
      %reduce_sum3A = vector.shape_cast %select_n3A_28 : vector<32x32xf32> to vector<1x32x32xf32>
      %reduce_sum3A_29 = arith.constant dense<0.000000e+00> : vector<1xf32>
      %reduce_sum3A_30 = vector.multi_reduction <add>, %reduce_sum3A, %reduce_sum3A_29 [1, 2] : vector<1x32x32xf32> to vector<1xf32>
      %reduce_sum3A_31 = vector.shape_cast %reduce_sum3A_30 : vector<1xf32> to vector<1x1x1xf32>
      %reduce_sum3A_32 = vector.extract %reduce_sum3A_31[0, 0, 0] : f32 from vector<1x1x1xf32>
      %div3A = arith.constant 1.000000e+00 : f32
      %div3A_33 = arith.divf %div3A, %reduce_sum3A_32 : f32
      %mul3A = vector.broadcast %div3A_33 : f32 to vector<32x32xf32>
      %mul3A_34 = arith.mulf %select_n3A, %mul3A : vector<32x32xf32>
      %mul3A_35 = arith.constant 2.000000e+00 : f32
      %mul3A_36 = vector.broadcast %mul3A_35 : f32 to vector<32x32xf32>
      %mul3A_37 = arith.mulf %mul3A_36, %select_n3A : vector<32x32xf32>
      %dot_general3A_38 = arith.constant dense<0.000000e+00> : vector<32x32xf32>
      %dot_general3A_39 = tpu.matmul %get3A_18, %mul3A_34, %dot_general3A_38 {dimension_numbers = #tpu.dot_dimension_numbers<[1], [0], [0], [1], [0, 0, 1, 1], [], []>, precision = #tpu.contract_precision<fp32>, transpose_lhs_hint = false} : vector<32x32xf32>, vector<32x32xf32>, vector<32x32xf32> -> vector<32x32xf32>
      %sub3A = arith.subf %mul3A_37, %dot_general3A_39 : vector<32x32xf32>
      %dot_general3A_40 = arith.constant dense<0.000000e+00> : vector<32x32xf32>
      %dot_general3A_41 = tpu.matmul %mul3A_34, %sub3A, %dot_general3A_40 {dimension_numbers = #tpu.dot_dimension_numbers<[1], [0], [0], [1], [0, 0, 1, 1], [], []>, precision = #tpu.contract_precision<fp32>, transpose_lhs_hint = false} : vector<32x32xf32>, vector<32x32xf32>, vector<32x32xf32> -> vector<32x32xf32>
      %mul3A_42 = arith.constant 2.000000e+00 : f32
      %mul3A_43 = vector.broadcast %mul3A_42 : f32 to vector<32x32xf32>
      %mul3A_44 = arith.mulf %mul3A_43, %select_n3A : vector<32x32xf32>
      %dot_general3A_45 = arith.constant dense<0.000000e+00> : vector<32x32xf32>
      %dot_general3A_46 = tpu.matmul %get3A_18, %dot_general3A_41, %dot_general3A_45 {dimension_numbers = #tpu.dot_dimension_numbers<[1], [0], [0], [1], [0, 0, 1, 1], [], []>, precision = #tpu.contract_precision<fp32>, transpose_lhs_hint = false} : vector<32x32xf32>, vector<32x32xf32>, vector<32x32xf32> -> vector<32x32xf32>
      %sub3A_47 = arith.subf %mul3A_44, %dot_general3A_46 : vector<32x32xf32>
      %dot_general3A_48 = arith.constant dense<0.000000e+00> : vector<32x32xf32>
      %dot_general3A_49 = tpu.matmul %dot_general3A_41, %sub3A_47, %dot_general3A_48 {dimension_numbers = #tpu.dot_dimension_numbers<[1], [0], [0], [1], [0, 0, 1, 1], [], []>, precision = #tpu.contract_precision<fp32>, transpose_lhs_hint = false} : vector<32x32xf32>, vector<32x32xf32>, vector<32x32xf32> -> vector<32x32xf32>
      %mul3A_50 = arith.constant 2.000000e+00 : f32
      %mul3A_51 = vector.broadcast %mul3A_50 : f32 to vector<32x32xf32>
      %mul3A_52 = arith.mulf %mul3A_51, %select_n3A : vector<32x32xf32>
      %dot_general3A_53 = arith.constant dense<0.000000e+00> : vector<32x32xf32>
      %dot_general3A_54 = tpu.matmul %get3A_18, %dot_general3A_49, %dot_general3A_53 {dimension_numbers = #tpu.dot_dimension_numbers<[1], [0], [0], [1], [0, 0, 1, 1], [], []>, precision = #tpu.contract_precision<fp32>, transpose_lhs_hint = false} : vector<32x32xf32>, vector<32x32xf32>, vector<32x32xf32> -> vector<32x32xf32>
      %sub3A_55 = arith.subf %mul3A_52, %dot_general3A_54 : vector<32x32xf32>
      %dot_general3A_56 = arith.constant dense<0.000000e+00> : vector<32x32xf32>
      %dot_general3A_57 = tpu.matmul %dot_general3A_49, %sub3A_55, %dot_general3A_56 {dimension_numbers = #tpu.dot_dimension_numbers<[1], [0], [0], [1], [0, 0, 1, 1], [], []>, precision = #tpu.contract_precision<fp32>, transpose_lhs_hint = false} : vector<32x32xf32>, vector<32x32xf32>, vector<32x32xf32> -> vector<32x32xf32>
      %mul3A_58 = arith.constant 2.000000e+00 : f32
      %mul3A_59 = vector.broadcast %mul3A_58 : f32 to vector<32x32xf32>
      %mul3A_60 = arith.mulf %mul3A_59, %select_n3A : vector<32x32xf32>
      %dot_general3A_61 = arith.constant dense<0.000000e+00> : vector<32x32xf32>
      %dot_general3A_62 = tpu.matmul %get3A_18, %dot_general3A_57, %dot_general3A_61 {dimension_numbers = #tpu.dot_dimension_numbers<[1], [0], [0], [1], [0, 0, 1, 1], [], []>, precision = #tpu.contract_precision<fp32>, transpose_lhs_hint = false} : vector<32x32xf32>, vector<32x32xf32>, vector<32x32xf32> -> vector<32x32xf32>
      %sub3A_63 = arith.subf %mul3A_60, %dot_general3A_62 : vector<32x32xf32>
      %dot_general3A_64 = arith.constant dense<0.000000e+00> : vector<32x32xf32>
      %dot_general3A_65 = tpu.matmul %dot_general3A_57, %sub3A_63, %dot_general3A_64 {dimension_numbers = #tpu.dot_dimension_numbers<[1], [0], [0], [1], [0, 0, 1, 1], [], []>, precision = #tpu.contract_precision<fp32>, transpose_lhs_hint = false} : vector<32x32xf32>, vector<32x32xf32>, vector<32x32xf32> -> vector<32x32xf32>
      %mul3A_66 = arith.constant 2.000000e+00 : f32
      %mul3A_67 = vector.broadcast %mul3A_66 : f32 to vector<32x32xf32>
      %mul3A_68 = arith.mulf %mul3A_67, %select_n3A : vector<32x32xf32>
      %dot_general3A_69 = arith.constant dense<0.000000e+00> : vector<32x32xf32>
      %dot_general3A_70 = tpu.matmul %get3A_18, %dot_general3A_65, %dot_general3A_69 {dimension_numbers = #tpu.dot_dimension_numbers<[1], [0], [0], [1], [0, 0, 1, 1], [], []>, precision = #tpu.contract_precision<fp32>, transpose_lhs_hint = false} : vector<32x32xf32>, vector<32x32xf32>, vector<32x32xf32> -> vector<32x32xf32>
      %sub3A_71 = arith.subf %mul3A_68, %dot_general3A_70 : vector<32x32xf32>
      %dot_general3A_72 = arith.constant dense<0.000000e+00> : vector<32x32xf32>
      %dot_general3A_73 = tpu.matmul %dot_general3A_65, %sub3A_71, %dot_general3A_72 {dimension_numbers = #tpu.dot_dimension_numbers<[1], [0], [0], [1], [0, 0, 1, 1], [], []>, precision = #tpu.contract_precision<fp32>, transpose_lhs_hint = false} : vector<32x32xf32>, vector<32x32xf32>, vector<32x32xf32> -> vector<32x32xf32>
      %mul3A_74 = arith.constant 2.000000e+00 : f32
      %mul3A_75 = vector.broadcast %mul3A_74 : f32 to vector<32x32xf32>
      %mul3A_76 = arith.mulf %mul3A_75, %select_n3A : vector<32x32xf32>
      %dot_general3A_77 = arith.constant dense<0.000000e+00> : vector<32x32xf32>
      %dot_general3A_78 = tpu.matmul %get3A_18, %dot_general3A_73, %dot_general3A_77 {dimension_numbers = #tpu.dot_dimension_numbers<[1], [0], [0], [1], [0, 0, 1, 1], [], []>, precision = #tpu.contract_precision<fp32>, transpose_lhs_hint = false} : vector<32x32xf32>, vector<32x32xf32>, vector<32x32xf32> -> vector<32x32xf32>
      %sub3A_79 = arith.subf %mul3A_76, %dot_general3A_78 : vector<32x32xf32>
      %dot_general3A_80 = arith.constant dense<0.000000e+00> : vector<32x32xf32>
      %dot_general3A_81 = tpu.matmul %dot_general3A_73, %sub3A_79, %dot_general3A_80 {dimension_numbers = #tpu.dot_dimension_numbers<[1], [0], [0], [1], [0, 0, 1, 1], [], []>, precision = #tpu.contract_precision<fp32>, transpose_lhs_hint = false} : vector<32x32xf32>, vector<32x32xf32>, vector<32x32xf32> -> vector<32x32xf32>
      %mul3A_82 = arith.constant 2.000000e+00 : f32
      %mul3A_83 = vector.broadcast %mul3A_82 : f32 to vector<32x32xf32>
      %mul3A_84 = arith.mulf %mul3A_83, %select_n3A : vector<32x32xf32>
      %dot_general3A_85 = arith.constant dense<0.000000e+00> : vector<32x32xf32>
      %dot_general3A_86 = tpu.matmul %get3A_18, %dot_general3A_81, %dot_general3A_85 {dimension_numbers = #tpu.dot_dimension_numbers<[1], [0], [0], [1], [0, 0, 1, 1], [], []>, precision = #tpu.contract_precision<fp32>, transpose_lhs_hint = false} : vector<32x32xf32>, vector<32x32xf32>, vector<32x32xf32> -> vector<32x32xf32>
      %sub3A_87 = arith.subf %mul3A_84, %dot_general3A_86 : vector<32x32xf32>
      %dot_general3A_88 = arith.constant dense<0.000000e+00> : vector<32x32xf32>
      %dot_general3A_89 = tpu.matmul %dot_general3A_81, %sub3A_87, %dot_general3A_88 {dimension_numbers = #tpu.dot_dimension_numbers<[1], [0], [0], [1], [0, 0, 1, 1], [], []>, precision = #tpu.contract_precision<fp32>, transpose_lhs_hint = false} : vector<32x32xf32>, vector<32x32xf32>, vector<32x32xf32> -> vector<32x32xf32>
      %mul3A_90 = arith.constant 2.000000e+00 : f32
      %mul3A_91 = vector.broadcast %mul3A_90 : f32 to vector<32x32xf32>
      %mul3A_92 = arith.mulf %mul3A_91, %select_n3A : vector<32x32xf32>
      %dot_general3A_93 = arith.constant dense<0.000000e+00> : vector<32x32xf32>
      %dot_general3A_94 = tpu.matmul %get3A_18, %dot_general3A_89, %dot_general3A_93 {dimension_numbers = #tpu.dot_dimension_numbers<[1], [0], [0], [1], [0, 0, 1, 1], [], []>, precision = #tpu.contract_precision<fp32>, transpose_lhs_hint = false} : vector<32x32xf32>, vector<32x32xf32>, vector<32x32xf32> -> vector<32x32xf32>
      %sub3A_95 = arith.subf %mul3A_92, %dot_general3A_94 : vector<32x32xf32>
      %dot_general3A_96 = arith.constant dense<0.000000e+00> : vector<32x32xf32>
      %dot_general3A_97 = tpu.matmul %dot_general3A_89, %sub3A_95, %dot_general3A_96 {dimension_numbers = #tpu.dot_dimension_numbers<[1], [0], [0], [1], [0, 0, 1, 1], [], []>, precision = #tpu.contract_precision<fp32>, transpose_lhs_hint = false} : vector<32x32xf32>, vector<32x32xf32>, vector<32x32xf32> -> vector<32x32xf32>
      %mul3A_98 = arith.constant 2.000000e+00 : f32
      %mul3A_99 = vector.broadcast %mul3A_98 : f32 to vector<32x32xf32>
      %mul3A_100 = arith.mulf %mul3A_99, %select_n3A : vector<32x32xf32>
      %dot_general3A_101 = arith.constant dense<0.000000e+00> : vector<32x32xf32>
      %dot_general3A_102 = tpu.matmul %get3A_18, %dot_general3A_97, %dot_general3A_101 {dimension_numbers = #tpu.dot_dimension_numbers<[1], [0], [0], [1], [0, 0, 1, 1], [], []>, precision = #tpu.contract_precision<fp32>, transpose_lhs_hint = false} : vector<32x32xf32>, vector<32x32xf32>, vector<32x32xf32> -> vector<32x32xf32>
      %sub3A_103 = arith.subf %mul3A_100, %dot_general3A_102 : vector<32x32xf32>
      %dot_general3A_104 = arith.constant dense<0.000000e+00> : vector<32x32xf32>
      %dot_general3A_105 = tpu.matmul %dot_general3A_97, %sub3A_103, %dot_general3A_104 {dimension_numbers = #tpu.dot_dimension_numbers<[1], [0], [0], [1], [0, 0, 1, 1], [], []>, precision = #tpu.contract_precision<fp32>, transpose_lhs_hint = false} : vector<32x32xf32>, vector<32x32xf32>, vector<32x32xf32> -> vector<32x32xf32>
      %mul3A_106 = arith.constant 2.000000e+00 : f32
      %mul3A_107 = vector.broadcast %mul3A_106 : f32 to vector<32x32xf32>
      %mul3A_108 = arith.mulf %mul3A_107, %select_n3A : vector<32x32xf32>
      %dot_general3A_109 = arith.constant dense<0.000000e+00> : vector<32x32xf32>
      %dot_general3A_110 = tpu.matmul %get3A_18, %dot_general3A_105, %dot_general3A_109 {dimension_numbers = #tpu.dot_dimension_numbers<[1], [0], [0], [1], [0, 0, 1, 1], [], []>, precision = #tpu.contract_precision<fp32>, transpose_lhs_hint = false} : vector<32x32xf32>, vector<32x32xf32>, vector<32x32xf32> -> vector<32x32xf32>
      %sub3A_111 = arith.subf %mul3A_108, %dot_general3A_110 : vector<32x32xf32>
      %dot_general3A_112 = arith.constant dense<0.000000e+00> : vector<32x32xf32>
      %dot_general3A_113 = tpu.matmul %dot_general3A_105, %sub3A_111, %dot_general3A_112 {dimension_numbers = #tpu.dot_dimension_numbers<[1], [0], [0], [1], [0, 0, 1, 1], [], []>, precision = #tpu.contract_precision<fp32>, transpose_lhs_hint = false} : vector<32x32xf32>, vector<32x32xf32>, vector<32x32xf32> -> vector<32x32xf32>
      %mul3A_114 = arith.constant 2.000000e+00 : f32
      %mul3A_115 = vector.broadcast %mul3A_114 : f32 to vector<32x32xf32>
      %mul3A_116 = arith.mulf %mul3A_115, %select_n3A : vector<32x32xf32>
      %dot_general3A_117 = arith.constant dense<0.000000e+00> : vector<32x32xf32>
      %dot_general3A_118 = tpu.matmul %get3A_18, %dot_general3A_113, %dot_general3A_117 {dimension_numbers = #tpu.dot_dimension_numbers<[1], [0], [0], [1], [0, 0, 1, 1], [], []>, precision = #tpu.contract_precision<fp32>, transpose_lhs_hint = false} : vector<32x32xf32>, vector<32x32xf32>, vector<32x32xf32> -> vector<32x32xf32>
      %sub3A_119 = arith.subf %mul3A_116, %dot_general3A_118 : vector<32x32xf32>
      %dot_general3A_120 = arith.constant dense<0.000000e+00> : vector<32x32xf32>
      %dot_general3A_121 = tpu.matmul %dot_general3A_113, %sub3A_119, %dot_general3A_120 {dimension_numbers = #tpu.dot_dimension_numbers<[1], [0], [0], [1], [0, 0, 1, 1], [], []>, precision = #tpu.contract_precision<fp32>, transpose_lhs_hint = false} : vector<32x32xf32>, vector<32x32xf32>, vector<32x32xf32> -> vector<32x32xf32>
      %mul3A_122 = arith.constant 2.000000e+00 : f32
      %mul3A_123 = vector.broadcast %mul3A_122 : f32 to vector<32x32xf32>
      %mul3A_124 = arith.mulf %mul3A_123, %select_n3A : vector<32x32xf32>
      %dot_general3A_125 = arith.constant dense<0.000000e+00> : vector<32x32xf32>
      %dot_general3A_126 = tpu.matmul %get3A_18, %dot_general3A_121, %dot_general3A_125 {dimension_numbers = #tpu.dot_dimension_numbers<[1], [0], [0], [1], [0, 0, 1, 1], [], []>, precision = #tpu.contract_precision<fp32>, transpose_lhs_hint = false} : vector<32x32xf32>, vector<32x32xf32>, vector<32x32xf32> -> vector<32x32xf32>
      %sub3A_127 = arith.subf %mul3A_124, %dot_general3A_126 : vector<32x32xf32>
      %dot_general3A_128 = arith.constant dense<0.000000e+00> : vector<32x32xf32>
      %dot_general3A_129 = tpu.matmul %dot_general3A_121, %sub3A_127, %dot_general3A_128 {dimension_numbers = #tpu.dot_dimension_numbers<[1], [0], [0], [1], [0, 0, 1, 1], [], []>, precision = #tpu.contract_precision<fp32>, transpose_lhs_hint = false} : vector<32x32xf32>, vector<32x32xf32>, vector<32x32xf32> -> vector<32x32xf32>
      %mul3A_130 = arith.constant 2.000000e+00 : f32
      %mul3A_131 = vector.broadcast %mul3A_130 : f32 to vector<32x32xf32>
      %mul3A_132 = arith.mulf %mul3A_131, %select_n3A : vector<32x32xf32>
      %dot_general3A_133 = arith.constant dense<0.000000e+00> : vector<32x32xf32>
      %dot_general3A_134 = tpu.matmul %get3A_18, %dot_general3A_129, %dot_general3A_133 {dimension_numbers = #tpu.dot_dimension_numbers<[1], [0], [0], [1], [0, 0, 1, 1], [], []>, precision = #tpu.contract_precision<fp32>, transpose_lhs_hint = false} : vector<32x32xf32>, vector<32x32xf32>, vector<32x32xf32> -> vector<32x32xf32>
      %sub3A_135 = arith.subf %mul3A_132, %dot_general3A_134 : vector<32x32xf32>
      %dot_general3A_136 = arith.constant dense<0.000000e+00> : vector<32x32xf32>
      %dot_general3A_137 = tpu.matmul %dot_general3A_129, %sub3A_135, %dot_general3A_136 {dimension_numbers = #tpu.dot_dimension_numbers<[1], [0], [0], [1], [0, 0, 1, 1], [], []>, precision = #tpu.contract_precision<fp32>, transpose_lhs_hint = false} : vector<32x32xf32>, vector<32x32xf32>, vector<32x32xf32> -> vector<32x32xf32>
      %mul3A_138 = arith.constant 2.000000e+00 : f32
      %mul3A_139 = vector.broadcast %mul3A_138 : f32 to vector<32x32xf32>
      %mul3A_140 = arith.mulf %mul3A_139, %select_n3A : vector<32x32xf32>
      %dot_general3A_141 = arith.constant dense<0.000000e+00> : vector<32x32xf32>
      %dot_general3A_142 = tpu.matmul %get3A_18, %dot_general3A_137, %dot_general3A_141 {dimension_numbers = #tpu.dot_dimension_numbers<[1], [0], [0], [1], [0, 0, 1, 1], [], []>, precision = #tpu.contract_precision<fp32>, transpose_lhs_hint = false} : vector<32x32xf32>, vector<32x32xf32>, vector<32x32xf32> -> vector<32x32xf32>
      %sub3A_143 = arith.subf %mul3A_140, %dot_general3A_142 : vector<32x32xf32>
      %dot_general3A_144 = arith.constant dense<0.000000e+00> : vector<32x32xf32>
      %dot_general3A_145 = tpu.matmul %dot_general3A_137, %sub3A_143, %dot_general3A_144 {dimension_numbers = #tpu.dot_dimension_numbers<[1], [0], [0], [1], [0, 0, 1, 1], [], []>, precision = #tpu.contract_precision<fp32>, transpose_lhs_hint = false} : vector<32x32xf32>, vector<32x32xf32>, vector<32x32xf32> -> vector<32x32xf32>
      %mul3A_146 = arith.constant 2.000000e+00 : f32
      %mul3A_147 = vector.broadcast %mul3A_146 : f32 to vector<32x32xf32>
      %mul3A_148 = arith.mulf %mul3A_147, %select_n3A : vector<32x32xf32>
      %dot_general3A_149 = arith.constant dense<0.000000e+00> : vector<32x32xf32>
      %dot_general3A_150 = tpu.matmul %get3A_18, %dot_general3A_145, %dot_general3A_149 {dimension_numbers = #tpu.dot_dimension_numbers<[1], [0], [0], [1], [0, 0, 1, 1], [], []>, precision = #tpu.contract_precision<fp32>, transpose_lhs_hint = false} : vector<32x32xf32>, vector<32x32xf32>, vector<32x32xf32> -> vector<32x32xf32>
      %sub3A_151 = arith.subf %mul3A_148, %dot_general3A_150 : vector<32x32xf32>
      %dot_general3A_152 = arith.constant dense<0.000000e+00> : vector<32x32xf32>
      %dot_general3A_153 = tpu.matmul %dot_general3A_145, %sub3A_151, %dot_general3A_152 {dimension_numbers = #tpu.dot_dimension_numbers<[1], [0], [0], [1], [0, 0, 1, 1], [], []>, precision = #tpu.contract_precision<fp32>, transpose_lhs_hint = false} : vector<32x32xf32>, vector<32x32xf32>, vector<32x32xf32> -> vector<32x32xf32>
      %mul3A_154 = arith.constant 2.000000e+00 : f32
      %mul3A_155 = vector.broadcast %mul3A_154 : f32 to vector<32x32xf32>
      %mul3A_156 = arith.mulf %mul3A_155, %select_n3A : vector<32x32xf32>
      %dot_general3A_157 = arith.constant dense<0.000000e+00> : vector<32x32xf32>
      %dot_general3A_158 = tpu.matmul %get3A_18, %dot_general3A_153, %dot_general3A_157 {dimension_numbers = #tpu.dot_dimension_numbers<[1], [0], [0], [1], [0, 0, 1, 1], [], []>, precision = #tpu.contract_precision<fp32>, transpose_lhs_hint = false} : vector<32x32xf32>, vector<32x32xf32>, vector<32x32xf32> -> vector<32x32xf32>
      %sub3A_159 = arith.subf %mul3A_156, %dot_general3A_158 : vector<32x32xf32>
      %dot_general3A_160 = arith.constant dense<0.000000e+00> : vector<32x32xf32>
      %dot_general3A_161 = tpu.matmul %dot_general3A_153, %sub3A_159, %dot_general3A_160 {dimension_numbers = #tpu.dot_dimension_numbers<[1], [0], [0], [1], [0, 0, 1, 1], [], []>, precision = #tpu.contract_precision<fp32>, transpose_lhs_hint = false} : vector<32x32xf32>, vector<32x32xf32>, vector<32x32xf32> -> vector<32x32xf32>
      %mul3A_162 = arith.constant 2.000000e+00 : f32
      %mul3A_163 = vector.broadcast %mul3A_162 : f32 to vector<32x32xf32>
      %mul3A_164 = arith.mulf %mul3A_163, %select_n3A : vector<32x32xf32>
      %dot_general3A_165 = arith.constant dense<0.000000e+00> : vector<32x32xf32>
      %dot_general3A_166 = tpu.matmul %get3A_18, %dot_general3A_161, %dot_general3A_165 {dimension_numbers = #tpu.dot_dimension_numbers<[1], [0], [0], [1], [0, 0, 1, 1], [], []>, precision = #tpu.contract_precision<fp32>, transpose_lhs_hint = false} : vector<32x32xf32>, vector<32x32xf32>, vector<32x32xf32> -> vector<32x32xf32>
      %sub3A_167 = arith.subf %mul3A_164, %dot_general3A_166 : vector<32x32xf32>
      %dot_general3A_168 = arith.constant dense<0.000000e+00> : vector<32x32xf32>
      %dot_general3A_169 = tpu.matmul %dot_general3A_161, %sub3A_167, %dot_general3A_168 {dimension_numbers = #tpu.dot_dimension_numbers<[1], [0], [0], [1], [0, 0, 1, 1], [], []>, precision = #tpu.contract_precision<fp32>, transpose_lhs_hint = false} : vector<32x32xf32>, vector<32x32xf32>, vector<32x32xf32> -> vector<32x32xf32>
      %mul3A_170 = arith.constant 2.000000e+00 : f32
      %mul3A_171 = vector.broadcast %mul3A_170 : f32 to vector<32x32xf32>
      %mul3A_172 = arith.mulf %mul3A_171, %select_n3A : vector<32x32xf32>
      %dot_general3A_173 = arith.constant dense<0.000000e+00> : vector<32x32xf32>
      %dot_general3A_174 = tpu.matmul %get3A_18, %dot_general3A_169, %dot_general3A_173 {dimension_numbers = #tpu.dot_dimension_numbers<[1], [0], [0], [1], [0, 0, 1, 1], [], []>, precision = #tpu.contract_precision<fp32>, transpose_lhs_hint = false} : vector<32x32xf32>, vector<32x32xf32>, vector<32x32xf32> -> vector<32x32xf32>
      %sub3A_175 = arith.subf %mul3A_172, %dot_general3A_174 : vector<32x32xf32>
      %dot_general3A_176 = arith.constant dense<0.000000e+00> : vector<32x32xf32>
      %dot_general3A_177 = tpu.matmul %dot_general3A_169, %sub3A_175, %dot_general3A_176 {dimension_numbers = #tpu.dot_dimension_numbers<[1], [0], [0], [1], [0, 0, 1, 1], [], []>, precision = #tpu.contract_precision<fp32>, transpose_lhs_hint = false} : vector<32x32xf32>, vector<32x32xf32>, vector<32x32xf32> -> vector<32x32xf32>
      %mul3A_178 = arith.constant 2.000000e+00 : f32
      %mul3A_179 = vector.broadcast %mul3A_178 : f32 to vector<32x32xf32>
      %mul3A_180 = arith.mulf %mul3A_179, %select_n3A : vector<32x32xf32>
      %dot_general3A_181 = arith.constant dense<0.000000e+00> : vector<32x32xf32>
      %dot_general3A_182 = tpu.matmul %get3A_18, %dot_general3A_177, %dot_general3A_181 {dimension_numbers = #tpu.dot_dimension_numbers<[1], [0], [0], [1], [0, 0, 1, 1], [], []>, precision = #tpu.contract_precision<fp32>, transpose_lhs_hint = false} : vector<32x32xf32>, vector<32x32xf32>, vector<32x32xf32> -> vector<32x32xf32>
      %sub3A_183 = arith.subf %mul3A_180, %dot_general3A_182 : vector<32x32xf32>
      %dot_general3A_184 = arith.constant dense<0.000000e+00> : vector<32x32xf32>
      %dot_general3A_185 = tpu.matmul %dot_general3A_177, %sub3A_183, %dot_general3A_184 {dimension_numbers = #tpu.dot_dimension_numbers<[1], [0], [0], [1], [0, 0, 1, 1], [], []>, precision = #tpu.contract_precision<fp32>, transpose_lhs_hint = false} : vector<32x32xf32>, vector<32x32xf32>, vector<32x32xf32> -> vector<32x32xf32>
      %mul3A_186 = arith.constant 2.000000e+00 : f32
      %mul3A_187 = vector.broadcast %mul3A_186 : f32 to vector<32x32xf32>
      %mul3A_188 = arith.mulf %mul3A_187, %select_n3A : vector<32x32xf32>
      %dot_general3A_189 = arith.constant dense<0.000000e+00> : vector<32x32xf32>
      %dot_general3A_190 = tpu.matmul %get3A_18, %dot_general3A_185, %dot_general3A_189 {dimension_numbers = #tpu.dot_dimension_numbers<[1], [0], [0], [1], [0, 0, 1, 1], [], []>, precision = #tpu.contract_precision<fp32>, transpose_lhs_hint = false} : vector<32x32xf32>, vector<32x32xf32>, vector<32x32xf32> -> vector<32x32xf32>
      %sub3A_191 = arith.subf %mul3A_188, %dot_general3A_190 : vector<32x32xf32>
      %dot_general3A_192 = arith.constant dense<0.000000e+00> : vector<32x32xf32>
      %dot_general3A_193 = tpu.matmul %dot_general3A_185, %sub3A_191, %dot_general3A_192 {dimension_numbers = #tpu.dot_dimension_numbers<[1], [0], [0], [1], [0, 0, 1, 1], [], []>, precision = #tpu.contract_precision<fp32>, transpose_lhs_hint = false} : vector<32x32xf32>, vector<32x32xf32>, vector<32x32xf32> -> vector<32x32xf32>
      %mul3A_194 = arith.constant 2.000000e+00 : f32
      %mul3A_195 = vector.broadcast %mul3A_194 : f32 to vector<32x32xf32>
      %mul3A_196 = arith.mulf %mul3A_195, %select_n3A : vector<32x32xf32>
      %dot_general3A_197 = arith.constant dense<0.000000e+00> : vector<32x32xf32>
      %dot_general3A_198 = tpu.matmul %get3A_18, %dot_general3A_193, %dot_general3A_197 {dimension_numbers = #tpu.dot_dimension_numbers<[1], [0], [0], [1], [0, 0, 1, 1], [], []>, precision = #tpu.contract_precision<fp32>, transpose_lhs_hint = false} : vector<32x32xf32>, vector<32x32xf32>, vector<32x32xf32> -> vector<32x32xf32>
      %sub3A_199 = arith.subf %mul3A_196, %dot_general3A_198 : vector<32x32xf32>
      %dot_general3A_200 = arith.constant dense<0.000000e+00> : vector<32x32xf32>
      %dot_general3A_201 = tpu.matmul %dot_general3A_193, %sub3A_199, %dot_general3A_200 {dimension_numbers = #tpu.dot_dimension_numbers<[1], [0], [0], [1], [0, 0, 1, 1], [], []>, precision = #tpu.contract_precision<fp32>, transpose_lhs_hint = false} : vector<32x32xf32>, vector<32x32xf32>, vector<32x32xf32> -> vector<32x32xf32>
      %mul3A_202 = arith.constant 2.000000e+00 : f32
      %mul3A_203 = vector.broadcast %mul3A_202 : f32 to vector<32x32xf32>
      %mul3A_204 = arith.mulf %mul3A_203, %select_n3A : vector<32x32xf32>
      %dot_general3A_205 = arith.constant dense<0.000000e+00> : vector<32x32xf32>
      %dot_general3A_206 = tpu.matmul %get3A_18, %dot_general3A_201, %dot_general3A_205 {dimension_numbers = #tpu.dot_dimension_numbers<[1], [0], [0], [1], [0, 0, 1, 1], [], []>, precision = #tpu.contract_precision<fp32>, transpose_lhs_hint = false} : vector<32x32xf32>, vector<32x32xf32>, vector<32x32xf32> -> vector<32x32xf32>
      %sub3A_207 = arith.subf %mul3A_204, %dot_general3A_206 : vector<32x32xf32>
      %dot_general3A_208 = arith.constant dense<0.000000e+00> : vector<32x32xf32>
      %dot_general3A_209 = tpu.matmul %dot_general3A_201, %sub3A_207, %dot_general3A_208 {dimension_numbers = #tpu.dot_dimension_numbers<[1], [0], [0], [1], [0, 0, 1, 1], [], []>, precision = #tpu.contract_precision<fp32>, transpose_lhs_hint = false} : vector<32x32xf32>, vector<32x32xf32>, vector<32x32xf32> -> vector<32x32xf32>
      %mul3A_210 = arith.constant 2.000000e+00 : f32
      %mul3A_211 = vector.broadcast %mul3A_210 : f32 to vector<32x32xf32>
      %mul3A_212 = arith.mulf %mul3A_211, %select_n3A : vector<32x32xf32>
      %dot_general3A_213 = arith.constant dense<0.000000e+00> : vector<32x32xf32>
      %dot_general3A_214 = tpu.matmul %get3A_18, %dot_general3A_209, %dot_general3A_213 {dimension_numbers = #tpu.dot_dimension_numbers<[1], [0], [0], [1], [0, 0, 1, 1], [], []>, precision = #tpu.contract_precision<fp32>, transpose_lhs_hint = false} : vector<32x32xf32>, vector<32x32xf32>, vector<32x32xf32> -> vector<32x32xf32>
      %sub3A_215 = arith.subf %mul3A_212, %dot_general3A_214 : vector<32x32xf32>
      %dot_general3A_216 = arith.constant dense<0.000000e+00> : vector<32x32xf32>
      %dot_general3A_217 = tpu.matmul %dot_general3A_209, %sub3A_215, %dot_general3A_216 {dimension_numbers = #tpu.dot_dimension_numbers<[1], [0], [0], [1], [0, 0, 1, 1], [], []>, precision = #tpu.contract_precision<fp32>, transpose_lhs_hint = false} : vector<32x32xf32>, vector<32x32xf32>, vector<32x32xf32> -> vector<32x32xf32>
      %mul3A_218 = arith.constant 2.000000e+00 : f32
      %mul3A_219 = vector.broadcast %mul3A_218 : f32 to vector<32x32xf32>
      %mul3A_220 = arith.mulf %mul3A_219, %select_n3A : vector<32x32xf32>
      %dot_general3A_221 = arith.constant dense<0.000000e+00> : vector<32x32xf32>
      %dot_general3A_222 = tpu.matmul %get3A_18, %dot_general3A_217, %dot_general3A_221 {dimension_numbers = #tpu.dot_dimension_numbers<[1], [0], [0], [1], [0, 0, 1, 1], [], []>, precision = #tpu.contract_precision<fp32>, transpose_lhs_hint = false} : vector<32x32xf32>, vector<32x32xf32>, vector<32x32xf32> -> vector<32x32xf32>
      %sub3A_223 = arith.subf %mul3A_220, %dot_general3A_222 : vector<32x32xf32>
      %dot_general3A_224 = arith.constant dense<0.000000e+00> : vector<32x32xf32>
      %dot_general3A_225 = tpu.matmul %dot_general3A_217, %sub3A_223, %dot_general3A_224 {dimension_numbers = #tpu.dot_dimension_numbers<[1], [0], [0], [1], [0, 0, 1, 1], [], []>, precision = #tpu.contract_precision<fp32>, transpose_lhs_hint = false} : vector<32x32xf32>, vector<32x32xf32>, vector<32x32xf32> -> vector<32x32xf32>
      %get3A_226 = arith.constant 0 : index
      %get3A_227 = arith.constant 0 : index
      %get3A_228 = vector.load %arg3[%get3A_226, %get3A_227] : memref<32x5000xf32, #tpu.memory_space<vmem>>, vector<32x5000xf32>
      %get3A_229 = arith.constant 0 : index
      %get3A_230 = arith.constant 0 : index
      %get3A_231 = vector.load %arg7[%get3A_229, %get3A_230] : memref<64x5000xf32, #tpu.memory_space<vmem>>, vector<64x5000xf32>
      %get3A_232 = arith.constant 0 : index
      %get3A_233 = arith.constant 0 : index
      %get3A_234 = vector.load %arg8[%get3A_232, %get3A_233] : memref<64x5000xf32, #tpu.memory_space<vmem>>, vector<64x5000xf32>
      %add3A_235 = arith.addf %get3A_231, %get3A_234 : vector<64x5000xf32>
      %dot_general3A_236 = arith.constant dense<0.000000e+00> : vector<32x64xf32>
      %dot_general3A_237 = tpu.matmul %get3A_228, %add3A_235, %dot_general3A_236 {dimension_numbers = #tpu.dot_dimension_numbers<[1], [1], [0], [0], [0, 0, 1, 0], [], []>, transpose_lhs_hint = false} : vector<32x5000xf32>, vector<64x5000xf32>, vector<32x64xf32> -> vector<32x64xf32>
      %dot_general3A_238 = arith.constant dense<0.000000e+00> : vector<32x64xf32>
      %dot_general3A_239 = tpu.matmul %dot_general3A_225, %dot_general3A_237, %dot_general3A_238 {dimension_numbers = #tpu.dot_dimension_numbers<[1], [0], [0], [1], [0, 0, 1, 1], [], []>, transpose_lhs_hint = false} : vector<32x32xf32>, vector<32x64xf32>, vector<32x64xf32> -> vector<32x64xf32>
      %swap3A_240 = arith.constant 0 : index
      %swap3A_241 = arith.constant 0 : index
      %swap3A_242 = vector.load %arg12[%swap3A_240, %swap3A_241] : memref<32x64xf32, #tpu.memory_space<vmem>>, vector<32x64xf32>
      tpu.vector_store %arg12[%swap3A_240, %swap3A_241], %dot_general3A_239 {strides = array<i32>} : memref<32x64xf32, #tpu.memory_space<vmem>>, vector<32x64xf32>,
      %get3A_243 = arith.constant 0 : index
      %get3A_244 = arith.constant 0 : index
      %get3A_245 = vector.load %arg7[%get3A_243, %get3A_244] : memref<64x5000xf32, #tpu.memory_space<vmem>>, vector<64x5000xf32>
      %get3A_246 = arith.constant 0 : index
      %get3A_247 = arith.constant 0 : index
      %get3A_248 = vector.load %arg4[%get3A_246, %get3A_247] : memref<64x32xf32, #tpu.memory_space<vmem>>, vector<64x32xf32>
      %dot_general3A_249 = arith.constant dense<0.000000e+00> : vector<64x32xf32>
      %dot_general3A_250 = tpu.matmul %get3A_248, %dot_general3A_225, %dot_general3A_249 {dimension_numbers = #tpu.dot_dimension_numbers<[1], [0], [0], [1], [0, 0, 1, 1], [], []>, transpose_lhs_hint = false} : vector<64x32xf32>, vector<32x32xf32>, vector<64x32xf32> -> vector<64x32xf32>
      %get3A_251 = arith.constant 0 : index
      %get3A_252 = arith.constant 0 : index
      %get3A_253 = vector.load %arg3[%get3A_251, %get3A_252] : memref<32x5000xf32, #tpu.memory_space<vmem>>, vector<32x5000xf32>
      %dot_general3A_254 = arith.constant dense<0.000000e+00> : vector<64x5000xf32>
      %dot_general3A_255 = tpu.matmul %dot_general3A_250, %get3A_253, %dot_general3A_254 {dimension_numbers = #tpu.dot_dimension_numbers<[1], [0], [0], [1], [0, 0, 1, 1], [], []>, transpose_lhs_hint = false} : vector<64x32xf32>, vector<32x5000xf32>, vector<64x5000xf32> -> vector<64x5000xf32>
      %add3A_256 = arith.addf %get3A_245, %dot_general3A_255 : vector<64x5000xf32>
      %get3A_257 = arith.constant 0 : index
      %get3A_258 = arith.constant 0 : index
      %get3A_259 = vector.load %arg9[%get3A_257, %get3A_258] : memref<64x5000xf32, #tpu.memory_space<vmem>>, vector<64x5000xf32>
      %concatenate3A_260 = tpu.concatenate %add3A_256, %get3A_259 in 0 : vector<64x5000xf32>, vector<64x5000xf32> -> vector<128x5000xf32>
      %swap3A_261 = arith.constant 0 : index
      %swap3A_262 = arith.constant 0 : index
      %swap3A_263 = vector.load %arg11[%swap3A_261, %swap3A_262] : memref<128x5000xf32, #tpu.memory_space<vmem>>, vector<128x5000xf32>
      tpu.vector_store %arg11[%swap3A_261, %swap3A_262], %concatenate3A_260 {strides = array<i32>} : memref<128x5000xf32, #tpu.memory_space<vmem>>, vector<128x5000xf32>,
    } else {
    }
    %get3A = arith.constant 0 : index
    %get3A_2 = arith.constant 0 : index
    %get3A_3 = vector.load %arg5[%get3A, %get3A_2] : memref<1000x64xf32, #tpu.memory_space<vmem>>, vector<1000x64xf32>
    %get3A_4 = arith.constant 0 : index
    %get3A_5 = arith.constant 0 : index
    %get3A_6 = vector.load %arg1[%get3A_4, %get3A_5] : memref<1000x32xf32, #tpu.memory_space<vmem>>, vector<1000x32xf32>
    %get3A_7 = arith.constant 0 : index
    %get3A_8 = arith.constant 0 : index
    %get3A_9 = vector.load %arg12[%get3A_7, %get3A_8] : memref<32x64xf32, #tpu.memory_space<vmem>>, vector<32x64xf32>
    %dot_general3A = arith.constant dense<0.000000e+00> : vector<1000x64xf32>
    %dot_general3A_10 = tpu.matmul %get3A_6, %get3A_9, %dot_general3A {dimension_numbers = #tpu.dot_dimension_numbers<[1], [0], [0], [1], [0, 0, 1, 1], [], []>, transpose_lhs_hint = false} : vector<1000x32xf32>, vector<32x64xf32>, vector<1000x64xf32> -> vector<1000x64xf32>
    %add3A = arith.addf %get3A_3, %dot_general3A_10 : vector<1000x64xf32>
    %get3A_11 = arith.constant 0 : index
    %get3A_12 = arith.constant 0 : index
    %get3A_13 = vector.load %arg6[%get3A_11, %get3A_12] : memref<1000x64xf32, #tpu.memory_space<vmem>>, vector<1000x64xf32>
    %concatenate3A = tpu.concatenate %add3A, %get3A_13 in 1 : vector<1000x64xf32>, vector<1000x64xf32> -> vector<1000x128xf32>
    %swap3A = arith.constant 0 : index
    %swap3A_14 = arith.constant 0 : index
    %swap3A_15 = vector.load %arg10[%swap3A, %swap3A_14] : memref<1000x128xf32, #tpu.memory_space<vmem>>, vector<1000x128xf32>
    tpu.vector_store %arg10[%swap3A, %swap3A_14], %concatenate3A {strides = array<i32>} : memref<1000x128xf32, #tpu.memory_space<vmem>>, vector<1000x128xf32>,
    return
  }
  func.func @transform_0(%arg0: i32) -> (i32, i32) {
    %c0_i32 = arith.constant 0 : i32
    %c0_i32_0 = arith.constant 0 : i32
    return %arg0, %c0_i32 : i32, i32
  }
  func.func @transform_1(%arg0: i32) -> (i32, i32) {
    %c0_i32 = arith.constant 0 : i32
    %c0_i32_0 = arith.constant 0 : i32
    %c0_i32_1 = arith.constant 0 : i32
    return %c0_i32, %c0_i32_0 : i32, i32
  }
  func.func @transform_2(%arg0: i32) -> (i32, i32) {
    %c0_i32 = arith.constant 0 : i32
    %c0_i32_0 = arith.constant 0 : i32
    %c0_i32_1 = arith.constant 0 : i32
    return %c0_i32, %c0_i32_0 : i32, i32
  }
  func.func @transform_3(%arg0: i32) -> (i32, i32) {
    %c0_i32 = arith.constant 0 : i32
    %c0_i32_0 = arith.constant 0 : i32
    %c0_i32_1 = arith.constant 0 : i32
    return %c0_i32, %c0_i32_0 : i32, i32
  }
  func.func @transform_4(%arg0: i32) -> (i32, i32) {
    %c0_i32 = arith.constant 0 : i32
    %c0_i32_0 = arith.constant 0 : i32
    return %arg0, %c0_i32 : i32, i32
  }
  func.func @transform_5(%arg0: i32) -> (i32, i32) {
    %c0_i32 = arith.constant 0 : i32
    %c0_i32_0 = arith.constant 0 : i32
    return %arg0, %c0_i32 : i32, i32
  }
  func.func @transform_6(%arg0: i32) -> (i32, i32) {
    %c0_i32 = arith.constant 0 : i32
    %c0_i32_0 = arith.constant 0 : i32
    %c0_i32_1 = arith.constant 0 : i32
    return %c0_i32, %c0_i32_0 : i32, i32
  }
  func.func @transform_7(%arg0: i32) -> (i32, i32) {
    %c0_i32 = arith.constant 0 : i32
    %c0_i32_0 = arith.constant 0 : i32
    %c0_i32_1 = arith.constant 0 : i32
    return %c0_i32, %c0_i32_0 : i32, i32
  }
  func.func @transform_8(%arg0: i32) -> (i32, i32) {
    %c0_i32 = arith.constant 0 : i32
    %c0_i32_0 = arith.constant 0 : i32
    %c0_i32_1 = arith.constant 0 : i32
    return %c0_i32, %c0_i32_0 : i32, i32
  }
  func.func @transform_9(%arg0: i32) -> (i32, i32) {
    %c0_i32 = arith.constant 0 : i32
    %c0_i32_0 = arith.constant 0 : i32
    return %arg0, %c0_i32 : i32, i32
  }
  func.func @transform_10(%arg0: i32) -> (i32, i32) {
    %c0_i32 = arith.constant 0 : i32
    %c0_i32_0 = arith.constant 0 : i32
    %c0_i32_1 = arith.constant 0 : i32
    return %c0_i32, %c0_i32_0 : i32, i32
  }
}

module attributes {stable_mosaic.version = 14 : i64} {
  func.func @_loss_body(%arg0: i32, %arg1: memref<10000x128xf32, #tpu.memory_space<vmem>>, %arg2: memref<64x5000xf32, #tpu.memory_space<vmem>>, %arg3: memref<1x1xf32, #tpu.memory_space<vmem>>, %arg4: memref<512x128xf32, #tpu.memory_space<vmem>>, %arg5: memref<512x128xf32, #tpu.memory_space<vmem>>, %arg6: memref<512x128xf32, #tpu.memory_space<vmem>>, %arg7: memref<512x128xf32, #tpu.memory_space<vmem>>, %arg8: memref<1x1xf32, #tpu.memory_space<vmem>>, %arg9: memref<1x2xf32, #tpu.memory_space<vmem>>, %arg10: memref<1x128xf32, #tpu.memory_space<vmem>>) attributes {dimension_semantics = [#tpu.dimension_semantics<arbitrary>], iteration_bounds = array<i64: 8>, scalar_prefetch = 0 : i64, scratch_operands = 1 : i64, tpu.core_type = #tpu.core_type<tc>, window_params = [{pipeline_mode = #tpu.pipeline_mode<synchronous>, transform_indices = @transform_0, window_bounds = array<i64: 10000, 128>}, {pipeline_mode = #tpu.pipeline_mode<synchronous>, transform_indices = @transform_1, window_bounds = array<i64: 64, 5000>}, {pipeline_mode = #tpu.pipeline_mode<synchronous>, transform_indices = @transform_2, window_bounds = array<i64: 1, 1>}, {transform_indices = @transform_3, window_bounds = array<i64: 512, 128>}, {transform_indices = @transform_4, window_bounds = array<i64: 512, 128>}, {transform_indices = @transform_5, window_bounds = array<i64: 512, 128>}, {transform_indices = @transform_6, window_bounds = array<i64: 512, 128>}, {pipeline_mode = #tpu.pipeline_mode<synchronous>, transform_indices = @transform_7, window_bounds = array<i64: 1, 1>}, {pipeline_mode = #tpu.pipeline_mode<synchronous>, transform_indices = @transform_8, window_bounds = array<i64: 1, 2>}]} {
    %get3A = arith.constant 0 : index
    %get3A_0 = arith.constant 0 : index
    %get3A_1 = vector.load %arg4[%get3A, %get3A_0] : memref<512x128xf32, #tpu.memory_space<vmem>>, vector<512x64xf32>
    %get3A_2 = arith.constant 0 : index
    %get3A_3 = arith.constant 64 : index
    %get3A_4 = vector.load %arg4[%get3A_2, %get3A_3] : memref<512x128xf32, #tpu.memory_space<vmem>>, vector<512x64xf32>
    %get3A_5 = arith.constant 0 : index
    %get3A_6 = arith.constant 0 : index
    %get3A_7 = vector.load %arg5[%get3A_5, %get3A_6] : memref<512x128xf32, #tpu.memory_space<vmem>>, vector<512x64xf32>
    %get3A_8 = arith.constant 0 : index
    %get3A_9 = arith.constant 64 : index
    %get3A_10 = vector.load %arg5[%get3A_8, %get3A_9] : memref<512x128xf32, #tpu.memory_space<vmem>>, vector<512x64xf32>
    %get3A_11 = arith.constant 0 : index
    %get3A_12 = arith.constant 64 : index
    %get3A_13 = vector.load %arg6[%get3A_11, %get3A_12] : memref<512x128xf32, #tpu.memory_space<vmem>>, vector<512x64xf32>
    %get3A_14 = arith.constant 0 : index
    %get3A_15 = arith.constant 64 : index
    %get3A_16 = vector.load %arg7[%get3A_14, %get3A_15] : memref<512x128xf32, #tpu.memory_space<vmem>>, vector<512x64xf32>
    %broadcast_in_dim3A = arith.constant 0.000000e+00 : f32
    %broadcast_in_dim3A_17 = vector.broadcast %broadcast_in_dim3A : f32 to vector<512x1xf32>
    %get3A_18 = arith.constant 0 : index
    %get3A_19 = arith.constant 64 : index
    %get3A_20 = vector.load %arg1[%get3A_18, %get3A_19] : memref<10000x128xf32, #tpu.memory_space<vmem>>, vector<2000x64xf32>
    %dot_general3A = arith.constant dense<0.000000e+00> : vector<512x2000xf32>
    %dot_general3A_21 = tpu.matmul %get3A_1, %get3A_20, %dot_general3A {dimension_numbers = #tpu.dot_dimension_numbers<[1], [1], [0], [0], [0, 0, 1, 0], [], []>, transpose_lhs_hint = false} : vector<512x64xf32>, vector<2000x64xf32>, vector<512x2000xf32> -> vector<512x2000xf32>
    %mul3A = arith.constant 5.000000e+00 : f32
    %mul3A_22 = vector.broadcast %mul3A : f32 to vector<512x2000xf32>
    %mul3A_23 = arith.mulf %dot_general3A_21, %mul3A_22 : vector<512x2000xf32>
    %exp3A = math.exp %mul3A_23 : vector<512x2000xf32>
    %reduce_sum3A = arith.constant dense<0.000000e+00> : vector<512xf32>
    %reduce_sum3A_24 = vector.multi_reduction <add>, %exp3A, %reduce_sum3A [1] : vector<512x2000xf32> to vector<512xf32>
    %broadcast_in_dim3A_25 = vector.shape_cast %reduce_sum3A_24 : vector<512xf32> to vector<512x1xf32>
    %add3A = arith.addf %broadcast_in_dim3A_17, %broadcast_in_dim3A_25 : vector<512x1xf32>
    %get3A_26 = arith.constant 2000 : index
    %get3A_27 = arith.constant 64 : index
    %get3A_28 = vector.load %arg1[%get3A_26, %get3A_27] : memref<10000x128xf32, #tpu.memory_space<vmem>>, vector<2000x64xf32>
    %dot_general3A_29 = arith.constant dense<0.000000e+00> : vector<512x2000xf32>
    %dot_general3A_30 = tpu.matmul %get3A_1, %get3A_28, %dot_general3A_29 {dimension_numbers = #tpu.dot_dimension_numbers<[1], [1], [0], [0], [0, 0, 1, 0], [], []>, transpose_lhs_hint = false} : vector<512x64xf32>, vector<2000x64xf32>, vector<512x2000xf32> -> vector<512x2000xf32>
    %mul3A_31 = arith.constant 5.000000e+00 : f32
    %mul3A_32 = vector.broadcast %mul3A_31 : f32 to vector<512x2000xf32>
    %mul3A_33 = arith.mulf %dot_general3A_30, %mul3A_32 : vector<512x2000xf32>
    %exp3A_34 = math.exp %mul3A_33 : vector<512x2000xf32>
    %reduce_sum3A_35 = arith.constant dense<0.000000e+00> : vector<512xf32>
    %reduce_sum3A_36 = vector.multi_reduction <add>, %exp3A_34, %reduce_sum3A_35 [1] : vector<512x2000xf32> to vector<512xf32>
    %broadcast_in_dim3A_37 = vector.shape_cast %reduce_sum3A_36 : vector<512xf32> to vector<512x1xf32>
    %add3A_38 = arith.addf %add3A, %broadcast_in_dim3A_37 : vector<512x1xf32>
    %get3A_39 = arith.constant 4000 : index
    %get3A_40 = arith.constant 64 : index
    %get3A_41 = vector.load %arg1[%get3A_39, %get3A_40] : memref<10000x128xf32, #tpu.memory_space<vmem>>, vector<2000x64xf32>
    %dot_general3A_42 = arith.constant dense<0.000000e+00> : vector<512x2000xf32>
    %dot_general3A_43 = tpu.matmul %get3A_1, %get3A_41, %dot_general3A_42 {dimension_numbers = #tpu.dot_dimension_numbers<[1], [1], [0], [0], [0, 0, 1, 0], [], []>, transpose_lhs_hint = false} : vector<512x64xf32>, vector<2000x64xf32>, vector<512x2000xf32> -> vector<512x2000xf32>
    %mul3A_44 = arith.constant 5.000000e+00 : f32
    %mul3A_45 = vector.broadcast %mul3A_44 : f32 to vector<512x2000xf32>
    %mul3A_46 = arith.mulf %dot_general3A_43, %mul3A_45 : vector<512x2000xf32>
    %exp3A_47 = math.exp %mul3A_46 : vector<512x2000xf32>
    %reduce_sum3A_48 = arith.constant dense<0.000000e+00> : vector<512xf32>
    %reduce_sum3A_49 = vector.multi_reduction <add>, %exp3A_47, %reduce_sum3A_48 [1] : vector<512x2000xf32> to vector<512xf32>
    %broadcast_in_dim3A_50 = vector.shape_cast %reduce_sum3A_49 : vector<512xf32> to vector<512x1xf32>
    %add3A_51 = arith.addf %add3A_38, %broadcast_in_dim3A_50 : vector<512x1xf32>
    %get3A_52 = arith.constant 6000 : index
    %get3A_53 = arith.constant 64 : index
    %get3A_54 = vector.load %arg1[%get3A_52, %get3A_53] : memref<10000x128xf32, #tpu.memory_space<vmem>>, vector<2000x64xf32>
    %dot_general3A_55 = arith.constant dense<0.000000e+00> : vector<512x2000xf32>
    %dot_general3A_56 = tpu.matmul %get3A_1, %get3A_54, %dot_general3A_55 {dimension_numbers = #tpu.dot_dimension_numbers<[1], [1], [0], [0], [0, 0, 1, 0], [], []>, transpose_lhs_hint = false} : vector<512x64xf32>, vector<2000x64xf32>, vector<512x2000xf32> -> vector<512x2000xf32>
    %mul3A_57 = arith.constant 5.000000e+00 : f32
    %mul3A_58 = vector.broadcast %mul3A_57 : f32 to vector<512x2000xf32>
    %mul3A_59 = arith.mulf %dot_general3A_56, %mul3A_58 : vector<512x2000xf32>
    %exp3A_60 = math.exp %mul3A_59 : vector<512x2000xf32>
    %reduce_sum3A_61 = arith.constant dense<0.000000e+00> : vector<512xf32>
    %reduce_sum3A_62 = vector.multi_reduction <add>, %exp3A_60, %reduce_sum3A_61 [1] : vector<512x2000xf32> to vector<512xf32>
    %broadcast_in_dim3A_63 = vector.shape_cast %reduce_sum3A_62 : vector<512xf32> to vector<512x1xf32>
    %add3A_64 = arith.addf %add3A_51, %broadcast_in_dim3A_63 : vector<512x1xf32>
    %get3A_65 = arith.constant 8000 : index
    %get3A_66 = arith.constant 64 : index
    %get3A_67 = vector.load %arg1[%get3A_65, %get3A_66] : memref<10000x128xf32, #tpu.memory_space<vmem>>, vector<2000x64xf32>
    %dot_general3A_68 = arith.constant dense<0.000000e+00> : vector<512x2000xf32>
    %dot_general3A_69 = tpu.matmul %get3A_1, %get3A_67, %dot_general3A_68 {dimension_numbers = #tpu.dot_dimension_numbers<[1], [1], [0], [0], [0, 0, 1, 0], [], []>, transpose_lhs_hint = false} : vector<512x64xf32>, vector<2000x64xf32>, vector<512x2000xf32> -> vector<512x2000xf32>
    %mul3A_70 = arith.constant 5.000000e+00 : f32
    %mul3A_71 = vector.broadcast %mul3A_70 : f32 to vector<512x2000xf32>
    %mul3A_72 = arith.mulf %dot_general3A_69, %mul3A_71 : vector<512x2000xf32>
    %exp3A_73 = math.exp %mul3A_72 : vector<512x2000xf32>
    %reduce_sum3A_74 = arith.constant dense<0.000000e+00> : vector<512xf32>
    %reduce_sum3A_75 = vector.multi_reduction <add>, %exp3A_73, %reduce_sum3A_74 [1] : vector<512x2000xf32> to vector<512xf32>
    %broadcast_in_dim3A_76 = vector.shape_cast %reduce_sum3A_75 : vector<512xf32> to vector<512x1xf32>
    %add3A_77 = arith.addf %add3A_64, %broadcast_in_dim3A_76 : vector<512x1xf32>
    %broadcast_in_dim3A_78 = arith.constant 0.000000e+00 : f32
    %broadcast_in_dim3A_79 = vector.broadcast %broadcast_in_dim3A_78 : f32 to vector<512x1xf32>
    %get3A_80 = arith.constant 0 : index
    %get3A_81 = arith.constant 0 : index
    %get3A_82 = vector.load %arg2[%get3A_80, %get3A_81] : memref<64x5000xf32, #tpu.memory_space<vmem>>, vector<64x2500xf32>
    %dot_general3A_83 = arith.constant dense<0.000000e+00> : vector<512x2500xf32>
    %dot_general3A_84 = tpu.matmul %get3A_7, %get3A_82, %dot_general3A_83 {dimension_numbers = #tpu.dot_dimension_numbers<[1], [0], [0], [1], [0, 0, 1, 1], [], []>, transpose_lhs_hint = false} : vector<512x64xf32>, vector<64x2500xf32>, vector<512x2500xf32> -> vector<512x2500xf32>
    %mul3A_85 = arith.constant 5.000000e+00 : f32
    %mul3A_86 = vector.broadcast %mul3A_85 : f32 to vector<512x2500xf32>
    %mul3A_87 = arith.mulf %dot_general3A_84, %mul3A_86 : vector<512x2500xf32>
    %exp3A_88 = math.exp %mul3A_87 : vector<512x2500xf32>
    %reduce_sum3A_89 = arith.constant dense<0.000000e+00> : vector<512xf32>
    %reduce_sum3A_90 = vector.multi_reduction <add>, %exp3A_88, %reduce_sum3A_89 [1] : vector<512x2500xf32> to vector<512xf32>
    %broadcast_in_dim3A_91 = vector.shape_cast %reduce_sum3A_90 : vector<512xf32> to vector<512x1xf32>
    %add3A_92 = arith.addf %broadcast_in_dim3A_79, %broadcast_in_dim3A_91 : vector<512x1xf32>
    %get3A_93 = arith.constant 0 : index
    %get3A_94 = arith.constant 2500 : index
    %get3A_95 = vector.load %arg2[%get3A_93, %get3A_94] : memref<64x5000xf32, #tpu.memory_space<vmem>>, vector<64x2500xf32>
    %dot_general3A_96 = arith.constant dense<0.000000e+00> : vector<512x2500xf32>
    %dot_general3A_97 = tpu.matmul %get3A_7, %get3A_95, %dot_general3A_96 {dimension_numbers = #tpu.dot_dimension_numbers<[1], [0], [0], [1], [0, 0, 1, 1], [], []>, transpose_lhs_hint = false} : vector<512x64xf32>, vector<64x2500xf32>, vector<512x2500xf32> -> vector<512x2500xf32>
    %mul3A_98 = arith.constant 5.000000e+00 : f32
    %mul3A_99 = vector.broadcast %mul3A_98 : f32 to vector<512x2500xf32>
    %mul3A_100 = arith.mulf %dot_general3A_97, %mul3A_99 : vector<512x2500xf32>
    %exp3A_101 = math.exp %mul3A_100 : vector<512x2500xf32>
    %reduce_sum3A_102 = arith.constant dense<0.000000e+00> : vector<512xf32>
    %reduce_sum3A_103 = vector.multi_reduction <add>, %exp3A_101, %reduce_sum3A_102 [1] : vector<512x2500xf32> to vector<512xf32>
    %broadcast_in_dim3A_104 = vector.shape_cast %reduce_sum3A_103 : vector<512xf32> to vector<512x1xf32>
    %add3A_105 = arith.addf %add3A_92, %broadcast_in_dim3A_104 : vector<512x1xf32>
    %add3A_106 = arith.constant 9.99999993E-9 : f32
    %add3A_107 = vector.broadcast %add3A_106 : f32 to vector<512x1xf32>
    %add3A_108 = arith.addf %add3A_77, %add3A_107 : vector<512x1xf32>
    %log3A = math.log %add3A_108 : vector<512x1xf32>
    %reduce_sum3A_109 = vector.shape_cast %log3A : vector<512x1xf32> to vector<1x512x1xf32>
    %reduce_sum3A_110 = arith.constant dense<0.000000e+00> : vector<1xf32>
    %reduce_sum3A_111 = vector.multi_reduction <add>, %reduce_sum3A_109, %reduce_sum3A_110 [1, 2] : vector<1x512x1xf32> to vector<1xf32>
    %reduce_sum3A_112 = vector.shape_cast %reduce_sum3A_111 : vector<1xf32> to vector<1x1x1xf32>
    %reduce_sum3A_113 = vector.extract %reduce_sum3A_112[0, 0, 0] : f32 from vector<1x1x1xf32>
    %add3A_114 = arith.constant 9.99999993E-9 : f32
    %add3A_115 = vector.broadcast %add3A_114 : f32 to vector<512x1xf32>
    %add3A_116 = arith.addf %add3A_105, %add3A_115 : vector<512x1xf32>
    %log3A_117 = math.log %add3A_116 : vector<512x1xf32>
    %reduce_sum3A_118 = vector.shape_cast %log3A_117 : vector<512x1xf32> to vector<1x512x1xf32>
    %reduce_sum3A_119 = arith.constant dense<0.000000e+00> : vector<1xf32>
    %reduce_sum3A_120 = vector.multi_reduction <add>, %reduce_sum3A_118, %reduce_sum3A_119 [1, 2] : vector<1x512x1xf32> to vector<1xf32>
    %reduce_sum3A_121 = vector.shape_cast %reduce_sum3A_120 : vector<1xf32> to vector<1x1x1xf32>
    %reduce_sum3A_122 = vector.extract %reduce_sum3A_121[0, 0, 0] : f32 from vector<1x1x1xf32>
    %mul3A_123 = arith.mulf %get3A_1, %get3A_4 : vector<512x64xf32>
    %reduce_sum3A_124 = arith.constant dense<0.000000e+00> : vector<512xf32>
    %reduce_sum3A_125 = vector.multi_reduction <add>, %mul3A_123, %reduce_sum3A_124 [1] : vector<512x64xf32> to vector<512xf32>
    %broadcast_in_dim3A_126 = vector.shape_cast %reduce_sum3A_125 : vector<512xf32> to vector<512x1xf32>
    %mul3A_127 = arith.constant 5.000000e+00 : f32
    %mul3A_128 = vector.broadcast %mul3A_127 : f32 to vector<512x1xf32>
    %mul3A_129 = arith.mulf %broadcast_in_dim3A_126, %mul3A_128 : vector<512x1xf32>
    %mul3A_130 = arith.mulf %get3A_7, %get3A_10 : vector<512x64xf32>
    %reduce_sum3A_131 = arith.constant dense<0.000000e+00> : vector<512xf32>
    %reduce_sum3A_132 = vector.multi_reduction <add>, %mul3A_130, %reduce_sum3A_131 [1] : vector<512x64xf32> to vector<512xf32>
    %broadcast_in_dim3A_133 = vector.shape_cast %reduce_sum3A_132 : vector<512xf32> to vector<512x1xf32>
    %mul3A_134 = arith.constant 5.000000e+00 : f32
    %mul3A_135 = vector.broadcast %mul3A_134 : f32 to vector<512x1xf32>
    %mul3A_136 = arith.mulf %broadcast_in_dim3A_133, %mul3A_135 : vector<512x1xf32>
    %jit3A = arith.constant -5.000000e+00 : f32
    %jit3A_137 = arith.constant 5.000000e+00 : f32
    %max3A = vector.broadcast %jit3A : f32 to vector<512x1xf32>
    %max3A_138 = arith.maximumf %max3A, %mul3A_129 : vector<512x1xf32>
    %min3A = vector.broadcast %jit3A_137 : f32 to vector<512x1xf32>
    %min3A_139 = arith.minimumf %min3A, %max3A_138 : vector<512x1xf32>
    %reduce_sum3A_140 = vector.shape_cast %min3A_139 : vector<512x1xf32> to vector<1x512x1xf32>
    %reduce_sum3A_141 = arith.constant dense<0.000000e+00> : vector<1xf32>
    %reduce_sum3A_142 = vector.multi_reduction <add>, %reduce_sum3A_140, %reduce_sum3A_141 [1, 2] : vector<1x512x1xf32> to vector<1xf32>
    %reduce_sum3A_143 = vector.shape_cast %reduce_sum3A_142 : vector<1xf32> to vector<1x1x1xf32>
    %reduce_sum3A_144 = vector.extract %reduce_sum3A_143[0, 0, 0] : f32 from vector<1x1x1xf32>
    %jit3A_145 = arith.constant -5.000000e+00 : f32
    %jit3A_146 = arith.constant 5.000000e+00 : f32
    %max3A_147 = vector.broadcast %jit3A_145 : f32 to vector<512x1xf32>
    %max3A_148 = arith.maximumf %max3A_147, %mul3A_136 : vector<512x1xf32>
    %min3A_149 = vector.broadcast %jit3A_146 : f32 to vector<512x1xf32>
    %min3A_150 = arith.minimumf %min3A_149, %max3A_148 : vector<512x1xf32>
    %reduce_sum3A_151 = vector.shape_cast %min3A_150 : vector<512x1xf32> to vector<1x512x1xf32>
    %reduce_sum3A_152 = arith.constant dense<0.000000e+00> : vector<1xf32>
    %reduce_sum3A_153 = vector.multi_reduction <add>, %reduce_sum3A_151, %reduce_sum3A_152 [1, 2] : vector<1x512x1xf32> to vector<1xf32>
    %reduce_sum3A_154 = vector.shape_cast %reduce_sum3A_153 : vector<1xf32> to vector<1x1x1xf32>
    %reduce_sum3A_155 = vector.extract %reduce_sum3A_154[0, 0, 0] : f32 from vector<1x1x1xf32>
    %add3A_156 = arith.addf %reduce_sum3A_144, %reduce_sum3A_155 : f32
    %mul3A_157 = arith.mulf %get3A_4, %get3A_13 : vector<512x64xf32>
    %reduce_sum3A_158 = arith.constant dense<0.000000e+00> : vector<512xf32>
    %reduce_sum3A_159 = vector.multi_reduction <add>, %mul3A_157, %reduce_sum3A_158 [1] : vector<512x64xf32> to vector<512xf32>
    %broadcast_in_dim3A_160 = vector.shape_cast %reduce_sum3A_159 : vector<512xf32> to vector<512x1xf32>
    %mul3A_161 = arith.mulf %get3A_4, %get3A_16 : vector<512x64xf32>
    %reduce_sum3A_162 = arith.constant dense<0.000000e+00> : vector<512xf32>
    %reduce_sum3A_163 = vector.multi_reduction <add>, %mul3A_161, %reduce_sum3A_162 [1] : vector<512x64xf32> to vector<512xf32>
    %broadcast_in_dim3A_164 = vector.shape_cast %reduce_sum3A_163 : vector<512xf32> to vector<512x1xf32>
    %sub3A = arith.subf %broadcast_in_dim3A_160, %broadcast_in_dim3A_164 : vector<512x1xf32>
    %neg3A = arith.constant 0.000000e+00 : f32
    %neg3A_165 = vector.broadcast %neg3A : f32 to vector<512x1xf32>
    %neg3A_166 = arith.subf %neg3A_165, %sub3A : vector<512x1xf32>
    %exp3A_167 = math.exp %neg3A_166 : vector<512x1xf32>
    %add3A_168 = arith.constant 1.000000e+00 : f32
    %add3A_169 = vector.broadcast %add3A_168 : f32 to vector<512x1xf32>
    %add3A_170 = arith.addf %add3A_169, %exp3A_167 : vector<512x1xf32>
    %log3A_171 = math.log %add3A_170 : vector<512x1xf32>
    %reduce_sum3A_172 = vector.shape_cast %log3A_171 : vector<512x1xf32> to vector<1x512x1xf32>
    %reduce_sum3A_173 = arith.constant dense<0.000000e+00> : vector<1xf32>
    %reduce_sum3A_174 = vector.multi_reduction <add>, %reduce_sum3A_172, %reduce_sum3A_173 [1, 2] : vector<1x512x1xf32> to vector<1xf32>
    %reduce_sum3A_175 = vector.shape_cast %reduce_sum3A_174 : vector<1xf32> to vector<1x1x1xf32>
    %reduce_sum3A_176 = vector.extract %reduce_sum3A_175[0, 0, 0] : f32 from vector<1x1x1xf32>
    %reshape3A = vector.broadcast %reduce_sum3A_113 : f32 to vector<1x1xf32>
    %reshape3A_177 = vector.broadcast %reduce_sum3A_122 : f32 to vector<1x1xf32>
    %reshape3A_178 = vector.broadcast %add3A_156 : f32 to vector<1x1xf32>
    %reshape3A_179 = vector.broadcast %reduce_sum3A_176 : f32 to vector<1x1xf32>
    %broadcast_in_dim3A_180 = arith.constant 0.000000e+00 : f32
    %broadcast_in_dim3A_181 = vector.broadcast %broadcast_in_dim3A_180 : f32 to vector<1x124xf32>
    %concatenate3A = tpu.concatenate %reshape3A, %reshape3A_177, %reshape3A_178, %reshape3A_179, %broadcast_in_dim3A_181 in 1 : vector<1x1xf32>, vector<1x1xf32>, vector<1x1xf32>, vector<1x1xf32>, vector<1x124xf32> -> vector<1x128xf32>
    %eq3A = arith.constant 0 : i32
    %eq3A_182 = arith.cmpi eq, %arg0, %eq3A : i32
    %convert_element_type3A = arith.extui %eq3A_182 : i1 to i32
    %cond3A = arith.constant 0 : i32
    %cond3A_183 = arith.cmpi ne, %convert_element_type3A, %cond3A : i32
    scf.if %cond3A_183 {
      %broadcast_in_dim3A_195 = arith.constant 0.000000e+00 : f32
      %broadcast_in_dim3A_196 = vector.broadcast %broadcast_in_dim3A_195 : f32 to vector<1x128xf32>
      %swap3A_197 = arith.constant 0 : index
      %swap3A_198 = arith.constant 0 : index
      %swap3A_199 = vector.load %arg10[%swap3A_197, %swap3A_198] : memref<1x128xf32, #tpu.memory_space<vmem>>, vector<1x128xf32>
      tpu.vector_store %arg10[%swap3A_197, %swap3A_198], %broadcast_in_dim3A_196 {strides = array<i32>} : memref<1x128xf32, #tpu.memory_space<vmem>>, vector<1x128xf32>,
    } else {
    }
    %get3A_184 = arith.constant 0 : index
    %get3A_185 = arith.constant 0 : index
    %get3A_186 = vector.load %arg10[%get3A_184, %get3A_185] : memref<1x128xf32, #tpu.memory_space<vmem>>, vector<1x128xf32>
    %add3A_187 = arith.addf %get3A_186, %concatenate3A : vector<1x128xf32>
    %swap3A = arith.constant 0 : index
    %swap3A_188 = arith.constant 0 : index
    %swap3A_189 = vector.load %arg10[%swap3A, %swap3A_188] : memref<1x128xf32, #tpu.memory_space<vmem>>, vector<1x128xf32>
    tpu.vector_store %arg10[%swap3A, %swap3A_188], %add3A_187 {strides = array<i32>} : memref<1x128xf32, #tpu.memory_space<vmem>>, vector<1x128xf32>,
    %eq3A_190 = arith.constant 7 : i32
    %eq3A_191 = arith.cmpi eq, %arg0, %eq3A_190 : i32
    %convert_element_type3A_192 = arith.extui %eq3A_191 : i1 to i32
    %cond3A_193 = arith.constant 0 : i32
    %cond3A_194 = arith.cmpi ne, %convert_element_type3A_192, %cond3A_193 : i32
    scf.if %cond3A_194 {
      %get3A_195 = arith.constant 0 : index
      %get3A_196 = arith.constant 0 : index
      %get3A_197 = vector.load %arg10[%get3A_195, %get3A_196] : memref<1x128xf32, #tpu.memory_space<vmem>>, vector<1x128xf32>
      %slice3A = vector.extract_strided_slice %get3A_197 {offsets = [0, 0], sizes = [1, 1], strides = [1, 1]} : vector<1x128xf32> to vector<1x1xf32>
      %squeeze3A = vector.extract %slice3A[0, 0] : f32 from vector<1x1xf32>
      %slice3A_198 = vector.extract_strided_slice %get3A_197 {offsets = [0, 1], sizes = [1, 1], strides = [1, 1]} : vector<1x128xf32> to vector<1x1xf32>
      %squeeze3A_199 = vector.extract %slice3A_198[0, 0] : f32 from vector<1x1xf32>
      %add3A_200 = arith.addf %squeeze3A, %squeeze3A_199 : f32
      %mul3A_201 = arith.constant 2.44140625E-4 : f32
      %mul3A_202 = arith.mulf %add3A_200, %mul3A_201 : f32
      %slice3A_203 = vector.extract_strided_slice %get3A_197 {offsets = [0, 2], sizes = [1, 1], strides = [1, 1]} : vector<1x128xf32> to vector<1x1xf32>
      %squeeze3A_204 = vector.extract %slice3A_203[0, 0] : f32 from vector<1x1xf32>
      %mul3A_205 = arith.constant 2.44140625E-4 : f32
      %mul3A_206 = arith.mulf %squeeze3A_204, %mul3A_205 : f32
      %slice3A_207 = vector.extract_strided_slice %get3A_197 {offsets = [0, 3], sizes = [1, 1], strides = [1, 1]} : vector<1x128xf32> to vector<1x1xf32>
      %squeeze3A_208 = vector.extract %slice3A_207[0, 0] : f32 from vector<1x1xf32>
      %mul3A_209 = arith.constant 2.44140625E-4 : f32
      %mul3A_210 = arith.mulf %squeeze3A_208, %mul3A_209 : f32
      %neg3A_211 = arith.constant 0.000000e+00 : f32
      %neg3A_212 = arith.subf %neg3A_211, %mul3A_206 : f32
      %add3A_213 = arith.addf %neg3A_212, %mul3A_202 : f32
      %mul3A_214 = arith.constant 2.000000e-01 : f32
      %mul3A_215 = arith.mulf %mul3A_214, %add3A_213 : f32
      %add3A_216 = arith.addf %mul3A_210, %mul3A_215 : f32
      %get3A_217 = arith.constant 0 : index
      %get3A_218 = arith.constant 0 : index
      %get3A_219 = vector.load %arg3[%get3A_217, %get3A_218] : memref<1x1xf32, #tpu.memory_space<vmem>>, vector<1x1xf32>
      %get3A_220 = vector.extract %get3A_219[0, 0] : f32 from vector<1x1xf32>
      %mul3A_221 = arith.constant 1.000000e-07 : f32
      %mul3A_222 = arith.mulf %mul3A_221, %get3A_220 : f32
      %add3A_223 = arith.addf %add3A_216, %mul3A_222 : f32
      %reshape3A_224 = vector.broadcast %add3A_223 : f32 to vector<1x1xf32>
      %swap3A_225 = arith.constant 0 : index
      %swap3A_226 = arith.constant 0 : index
      %swap3A_227 = vector.load %arg8[%swap3A_225, %swap3A_226] : memref<1x1xf32, #tpu.memory_space<vmem>>, vector<1x1xf32>
      tpu.vector_store %arg8[%swap3A_225, %swap3A_226], %reshape3A_224 {strides = array<i32>} : memref<1x1xf32, #tpu.memory_space<vmem>>, vector<1x1xf32>,
      %broadcast_in_dim3A_228 = vector.broadcast %mul3A_210 : f32 to vector<1x1xf32>
      %mul3A_229 = arith.constant 2.000000e-01 : f32
      %mul3A_230 = arith.mulf %mul3A_229, %add3A_213 : f32
      %broadcast_in_dim3A_231 = vector.broadcast %mul3A_230 : f32 to vector<1x1xf32>
      %concatenate3A_232 = tpu.concatenate %broadcast_in_dim3A_228, %broadcast_in_dim3A_231 in 1 : vector<1x1xf32>, vector<1x1xf32> -> vector<1x2xf32>
      %swap3A_233 = arith.constant 0 : index
      %swap3A_234 = arith.constant 0 : index
      %swap3A_235 = vector.load %arg9[%swap3A_233, %swap3A_234] : memref<1x2xf32, #tpu.memory_space<vmem>>, vector<1x2xf32>
      tpu.vector_store %arg9[%swap3A_233, %swap3A_234], %concatenate3A_232 {strides = array<i32>} : memref<1x2xf32, #tpu.memory_space<vmem>>, vector<1x2xf32>,
    } else {
    }
    return
  }
  func.func @transform_0(%arg0: i32) -> (i32, i32) {
    %c0_i32 = arith.constant 0 : i32
    %c0_i32_0 = arith.constant 0 : i32
    %c0_i32_1 = arith.constant 0 : i32
    return %c0_i32, %c0_i32_0 : i32, i32
  }
  func.func @transform_1(%arg0: i32) -> (i32, i32) {
    %c0_i32 = arith.constant 0 : i32
    %c0_i32_0 = arith.constant 0 : i32
    %c0_i32_1 = arith.constant 0 : i32
    return %c0_i32, %c0_i32_0 : i32, i32
  }
  func.func @transform_2(%arg0: i32) -> (i32, i32) {
    %c0_i32 = arith.constant 0 : i32
    %c0_i32_0 = arith.constant 0 : i32
    %c0_i32_1 = arith.constant 0 : i32
    return %c0_i32, %c0_i32_0 : i32, i32
  }
  func.func @transform_3(%arg0: i32) -> (i32, i32) {
    %c0_i32 = arith.constant 0 : i32
    %c0_i32_0 = arith.constant 0 : i32
    return %arg0, %c0_i32 : i32, i32
  }
  func.func @transform_4(%arg0: i32) -> (i32, i32) {
    %c0_i32 = arith.constant 0 : i32
    %c0_i32_0 = arith.constant 0 : i32
    return %arg0, %c0_i32 : i32, i32
  }
  func.func @transform_5(%arg0: i32) -> (i32, i32) {
    %c0_i32 = arith.constant 0 : i32
    %c0_i32_0 = arith.constant 0 : i32
    return %arg0, %c0_i32 : i32, i32
  }
  func.func @transform_6(%arg0: i32) -> (i32, i32) {
    %c0_i32 = arith.constant 0 : i32
    %c0_i32_0 = arith.constant 0 : i32
    return %arg0, %c0_i32 : i32, i32
  }
  func.func @transform_7(%arg0: i32) -> (i32, i32) {
    %c0_i32 = arith.constant 0 : i32
    %c0_i32_0 = arith.constant 0 : i32
    %c0_i32_1 = arith.constant 0 : i32
    return %c0_i32, %c0_i32_0 : i32, i32
  }
  func.func @transform_8(%arg0: i32) -> (i32, i32) {
    %c0_i32 = arith.constant 0 : i32
    %c0_i32_0 = arith.constant 0 : i32
    %c0_i32_1 = arith.constant 0 : i32
    return %c0_i32, %c0_i32_0 : i32, i32
  }
}

</mosaic_0001>

<sc_bundles>
// kernel: kernel.8.cloned.1.call-start
scs
__scs_entry_jumppad:
0x0: {  	(pc) =	sbr.rel $0x88, $3  }
0x1: {  	(tag) =	ssettag $0x0;
	lr =	simm.s32 $0x1  }
0x2: {  	[smem:$0x3F9A] =	sst lr;
	_ =	strace $0xD0000000  }
0x3: {  	_ = 	snop  }
0x4: {  	_ = 	snop  }
0x5: {  	_ = 	snop  }
0x6: {  	_ = 	snop  }
0x7: {  	_ = 	snop  }
__scs_overlays_trampoline_lowered:
0x8: {  	[smem:$0x3FA9] =	sst s0  }
0x9: {  	[smem:$0x3FAA] =	sst s1  }
0xa: {  	[smem:$0x3FAB] =	sst s2  }
0xb: {  	[smem:$0x3FAC] =	sst s3  }
0xc: {  	[smem:$0x3FAD] =	sst s4  }
0xd: {  	[smem:$0x3FAE] =	sst s5  }
0xe: {  	[smem:$0x3FAF] =	sst s6  }
0xf: {  	[smem:$0x3FB0] =	sst s7  }
0x10: {  	[smem:$0x3FB1] =	sst s8  }
0x11: {  	[smem:$0x3FB2] =	sst s9;
	s0 =	simm.s32 @!p0 $0x0  }
0x12: {  	s1 =	sld [smem:$0x3F98];
	s0 =	simm.s32 @p0 $0x1  }
0x13: {  	[smem:$0x3FB3] =	sst s0;
	s0 =	simm.s32 @!p1 $0x0  }
0x14: {  	s2 =	sld [smem:$0x3F97];
	s0 =	simm.s32 @p1 $0x1  }
0x15: {  	[smem:$0x3FB4] =	sst s0;
	s0 =	simm.s32 @!p2 $0x0  }
0x16: {  	s3 =	sld [smem:$0x3FDB];
	s0 =	simm.s32 @p2 $0x1  }
0x17: {  	s4 =	simm.s32 $0x1BF5;
	[smem:$0x3FB6] =	sst s0  }
0x18: {  	s0 =	sld [smem:$0x3F99];
	_ =	swait.ge [sflag:s4], $0x0  }
0x19: {  	s7 =	sld [smem:$0x3F9A]  }
0x1a: {  	s8 =	sadd.s32 $0xFFFFE003, lr  }
0x1b: {  	s9 =	sadd.s32 $0xFFFFFEF7, lr;
	s5 =	simm.s32 $0xFFFFFFFF;
	p2 =	slt.u32 s8, $0xFFFFF086  }
0x1c: {  	p1 =	slt.u32 s9, $0xF7A;
	s5 =	simm.s32 @!p2 $0x0  }
0x1d: {  	s5 =	simm.s32 @p1 $0x1;
	p0 =	seq.s32 s7, s2  }
0x1e: {  	s7 =	smul.u32 @!p0 $0xF7A, s2;
	p2 =	seq.s32 @!p0 s5, $0x0  }
0x1f: {  	s9 =	smul.u32 $0xF7A, s1;
	s8 =	simm.s32 @!p0 $0x1BF5;
	p2 =	por !p2, p0  }
0x20: {  	[sflag:s8] =	ssyncset.s32 @!p0 $0xFFFFF086;
	s6 =	sadd.s32 @!p0 s3, s7;
	s7 =	simm.s32 @!p0 $0x108  }
0x21: {  	s3 =	sadd.s32 s3, s9;
	s6 =	sadd.s32 @!p0 $0x88, s6;
	s7 =	simm.s32 @p2 $0x1082  }
0x22: {  	[simem:s7], [sflag:s8] =	dma.local @!p0 [hbm:s6], $0xF7A  }
0x23: {  	s9 =	sor.u32 $0xD0000000, s2;
	s6 =	simm.s32 $0x108;
	_ =	swait.ge @!p0 [sflag:s8], $0x0  }
0x24: {  	s3 =	sadd.s32 $0x88, s3;
	s6 =	simm.s32 @!p1 $0x1082;
	[sflag:s4] =	ssyncset.s32 $0xFFFFF086  }
0x25: {  	[simem:s6], [sflag:s4] =	dma.local [hbm:s3], $0xF7A  }
0x26: {  	[smem:$0x3F9A] =	sst s1;
	(tag) =	ssettag s2;
	_ =	strace s9  }
0x27: {  	s1 =	sld [smem:$0x3FAA]  }
0x28: {  	s2 =	sld [smem:$0x3FAB]  }
0x29: {  	s4 =	sld [smem:$0x3FAD]  }
0x2a: {  	p0 =	seq.s32 s5, $0x0;
	s5 =	sld [smem:$0x3FAE]  }
0x2b: {  	s6 =	sld [smem:$0x3FAF]  }
0x2c: {  	s7 =	sld [smem:$0x3FB0]  }
0x2d: {  	s3 =	simm.s32 $0x108;
	s8 =	sld [smem:$0x3FB1]  }
0x2e: {  	s3 =	simm.s32 @!p0 $0x1082;
	s9 =	sld [smem:$0x3FB2]  }
0x2f: {  	lr =	sadd.s32 s0, s3;
	s0 =	sld [smem:$0x3FA9]  }
0x30: {  	s3 =	sld [smem:$0x3FAC]  }
0x31: {  	[smem:$0x3FB5] =	sst s10  }
0x32: {  	s10 =	sld [smem:$0x3FB3];
	_ =	sdelay $0x3  }
0x33: {  	p0 =	seq.s32 s10, $0x1;
	s10 =	sld [smem:$0x3FB5];
	_ =	sdelay $0x3  }
0x34: {  	[smem:$0x3FB5] =	sst s10  }
0x35: {  	s10 =	sld [smem:$0x3FB4];
	_ =	sdelay $0x3  }
0x36: {  	p1 =	seq.s32 s10, $0x1;
	s10 =	sld [smem:$0x3FB5];
	_ =	sdelay $0x3  }
0x37: {  	[smem:$0x3FB5] =	sst s10  }
0x38: {  	s10 =	sld [smem:$0x3FB6]  }
0x39: {  	_ = 	snop;
	(pc) =	sbr.ind lr, $3  }
0x3a: {  	_ = 	snop  }
0x3b: {  	_ = 	snop  }
0x3c: {  	p2 =	seq.s32 s10, $0x1;
	s10 =	sld [smem:$0x3FB5]  }
0x3d: {  	_ =	shalt  }
0x3e: {  	_ =	shalt  }
0x3f: {  	_ =	shalt  }
0x40: {  	_ =	shalt  }
0x41: {  	_ =	shalt  }
0x42: {  	_ =	shalt  }
0x43: {  	_ =	shalt  }
0x44: {  	_ =	shalt  }
0x45: {  	_ =	shalt  }
0x46: {  	_ =	shalt  }
0x47: {  	_ =	shalt  }
0x48: {  	_ =	shalt  }
0x49: {  	_ =	shalt  }
0x4a: {  	_ =	shalt  }
0x4b: {  	_ =	shalt  }
0x4c: {  	_ =	shalt  }
0x4d: {  	_ =	shalt  }
0x4e: {  	_ =	shalt  }
0x4f: {  	_ =	shalt  }
0x50: {  	_ =	shalt  }
0x51: {  	_ =	shalt  }
0x52: {  	_ =	shalt  }
0x53: {  	_ =	shalt  }
0x54: {  	_ =	shalt  }
0x55: {  	_ =	shalt  }
0x56: {  	_ =	shalt  }
0x57: {  	_ =	shalt  }
0x58: {  	_ =	shalt  }
0x59: {  	_ =	shalt  }
0x5a: {  	_ =	shalt  }
0x5b: {  	_ =	shalt  }
0x5c: {  	_ =	shalt  }
0x5d: {  	_ =	shalt  }
0x5e: {  	_ =	shalt  }
0x5f: {  	_ =	shalt  }
0x60: {  	_ =	shalt  }
0x61: {  	_ =	shalt  }
0x62: {  	_ =	shalt  }
0x63: {  	_ =	shalt  }
0x64: {  	_ =	shalt  }
0x65: {  	_ =	shalt  }
0x66: {  	_ =	shalt  }
0x67: {  	_ =	shalt  }
0x68: {  	_ =	shalt  }
0x69: {  	_ =	shalt  }
0x6a: {  	_ =	shalt  }
0x6b: {  	_ =	shalt  }
0x6c: {  	_ =	shalt  }
0x6d: {  	_ =	shalt  }
0x6e: {  	_ =	shalt  }
0x6f: {  	_ =	shalt  }
0x70: {  	_ =	shalt  }
0x71: {  	_ =	shalt  }
0x72: {  	_ =	shalt  }
0x73: {  	_ =	shalt  }
0x74: {  	_ =	shalt  }
0x75: {  	_ =	shalt  }
0x76: {  	_ =	shalt  }
0x77: {  	_ =	shalt  }
0x78: {  	_ =	shalt  }
0x79: {  	_ =	shalt  }
0x7a: {  	_ =	shalt  }
0x7b: {  	_ =	shalt  }
0x7c: {  	_ =	shalt  }
0x7d: {  	_ =	shalt  }
0x7e: {  	_ =	shalt  }
0x7f: {  	_ =	shalt  }
0x80: {  	_ =	shalt  }
0x81: {  	_ =	shalt  }
0x82: {  	_ =	shalt  }
0x83: {  	_ =	shalt  }
0x84: {  	_ =	shalt  }
0x85: {  	_ =	shalt  }
0x86: {  	_ =	shalt  }
0x87: {  	_ =	shalt  }
.Lfunc_end0:
.L_simem_size_0:
called_computation_lowered:
.L_overlay_start_0:
0x88: {  	s2 =	sld [smem:$0x3FD9]  }
0x89: {  	s3 =	sld [smem:$0x3FFE];
	_ =	sdelay $0x1  }
0x8a: {  	s1 =	srdreg.scid  }
0x8b: {  	s0 =	sand.u32 $0x1, s1  }
0x8c: {  	s17 =	sshll.u32 s0, $0xA;
	s2 =	sadd.s32 s3, s2  }
0x8d: {  	s2 =	sadd.s32 s2, s17  }
0x8e: {  	[smem:$0x3FC1] =	sst s2  }
0x8f: {  	_ = 	snop  }
0x90: {  	s2 =	sld [smem:$0x3FC8]  }
0x91: {  	s18 =	sld [smem:$0x3FC7]  }
0x92: {  	s4 =	sld [smem:$0x3FC6]  }
0x93: {  	s5 =	sld [smem:$0x3FC5];
	(tm) =	ssettm $0x1  }
0x94: {  	s6 =	sld [smem:$0x3FFB];
	_ =	sdelay $0x3  }
0x95: {  	_ =	strace s6  }
0x96: {  	s6 =	sld [smem:$0x3FFC];
	_ =	sdelay $0x3  }
0x97: {  	_ =	strace s6  }
0x98: {  	s6 =	sld [smem:$0x3FFD];
	_ =	sdelay $0x3  }
0x99: {  	_ =	strace s6  }
0x9a: {  	_ =	strace $0x8FFFFFFF  }
0x9b: {  	s19 =	sld [smem:$0x3FDB];
	_ =	sdelay $0x1  }
0x9c: {  	s7 =	simm.s32 $_scs_section_size  }
0x9d: {  	s8 =	simm.s32 $_size__tile_overlayer_lowered;
	s9 =	simm.s32 $_tile_overlayer_lowered  }
0x9e: {  	s22 =	simm.s32 $0x1BFF;
	s21 =	sshll.u32 s9, $0x1;
	s6 =	sadd.s32 s7, s19  }
0x9f: {  	s10 =	simm.s32 $0x0;
	s20 =	sshll.u32 s8, $0x1;
	s8 =	sadd.s32 s21, s6  }
0xa0: {  	[timem:s10], [sflag:s22] =	dma.local [hbm:s8], s20  }
0xa1: {  	_ =	swait.ge [sflag:s22], s20  }
0xa2: {  	s7 =	ssub.s32 $0x0, s20;
	[sflag:s22] =	ssyncset.done $0x0  }
0xa3: {  	[sflag:s22] =	ssyncadd.s32 s7;
	_ =	sdelay $0x1  }
0xa4: {  	s23 =	simm.s32 $0x1B8B  }
0xa5: {  	_ =	swait.ge [sflag:s23], $0x1  }
0xa6: {  	[sflag:s23] =	ssyncset.done $0x0  }
0xa7: {  	s25 =	simm.s32 $0x1B8E;
	s24 =	sld [smem:$0x3FFE];
	[sflag:s23] =	ssyncadd.s32 $0xFFFFFFFF  }
0xa8: {  	s26 =	simm.s32 $execute0_lowered;
	[smem:$0x3FD2] =	sst s25  }
0xa9: {  	s8 =	sshll.u32 s26, $0x1;
	_ =	strace $0x80000046;
	[dreg:$0x1] =	wrdreg $0xFFFFFFFF  }
0xaa: {  	s28 =	simm.s32 $_size_execute0_lowered;
	s6 =	sadd.s32 s6, s8;
	[dreg:$0x0] =	wrdreg $0x0  }
0xab: {  	s8 =	sshll.u32 s28, $0x1;
	[dreg:$0x2] =	wrdreg s6  }
0xac: {  	[dreg:$0x3] =	wrdreg s8  }
0xad: {  	[dreg:$0x4] =	wrdreg $0xC0  }
0xae: {  	_ =	task [dreg:s10], $0x5FFFF  }
0xaf: {  	[dreg:$0x1] =	wrdreg $0xFFFFFFFF  }
0xb0: {  	[dreg:$0x0] =	wrdreg $0x60  }
0xb1: {  	[dreg:$0x2] =	wrdreg s24  }
0xb2: {  	[dreg:$0x3] =	wrdreg s2  }
0xb3: {  	[dreg:$0x4] =	wrdreg s18  }
0xb4: {  	[dreg:$0x5] =	wrdreg s4  }
0xb5: {  	[dreg:$0x6] =	wrdreg s5  }
0xb6: {  	[dreg:$0x7] =	wrdreg $0x9  }
0xb7: {  	_ =	task.clear_ibuf [dreg:s10], $0x8FFFF;
	_ =	strace $0x90000046  }
0xb8: {  	s29 =	simm.s32 $0x9;
	_ =	strace $0x80000048  }
0xb9: {  	_ =	swait.ge [sflag:s29], $0x1  }
0xba: {  	[sflag:s29] =	ssyncadd.s32 $0xFFFFFFFF  }
0xbb: {  	_ =	strace $0x90000048  }
0xbc: {  	_ =	sfence  }
0xbd: {  	s30 =	sld [smem:$0x0];
	_ =	sdelay $0x2  }
0xbe: {  	s31 =	sshll.u32 s1, $0xD;
	s1 =	sshrl.u32 s1, $0x2  }
0xbf: {  	s3 =	sand.u32 $0x4000, s31;
	s1 =	sadd.s32 s1, s30  }
0xc0: {  	s0 =	sor.u32 s3, s0;
	s1 =	sshll.u32 s1, $0x11  }
0xc1: {  	s0 =	sor.u32 s1, s0  }
0xc2: {  	s0 =	sadd.s32 $0x8F2B, s0  }
0xc3: {  	[sflag:s0] =	ssyncadd.remote.s32 $0x1  }
0xc4: {  	_ =	sfence.sel $0xFFFF  }
0xc5: {  	[dreg:$0x0] =	wrdreg $0xFFFFFFFF;
	(pc) =	sbr.abs _section_cstart, $3  }
0xc6: {  	[dreg:$0x1] =	wrdreg $0xFFFFFFFF  }
0xc7: {  	_ =	task.clear_ibuf [dreg:s10], $0x2FFFF;
	_ =	strace $0x9FFFFFFF  }
0xc8: {  	(tm) =	ssettm $0x7FFFFFFF  }
0xc9: {  	_ =	shalt  }
tec
execute0_lowered:
.L_overlay_start_1:
0x0: {  	(tag) =	ssettag $0x1  }
0x1: {  	s10 =	rddreg [dreg:$0x0]  }
0x2: {  	s3 =	rddreg [dreg:$0x1]  }
0x3: {  	s9 =	rddreg [dreg:$0x2];
	s1 =	srdreg.scid  }
0x4: {  	s12 =	rddreg [dreg:$0x3];
	s0 =	stileid.u32;
	s15 =	sand.u32 $0x1, s1  }
0x5: {  	s14 =	rddreg [dreg:$0x4];
	s4 =	sshll.u32 s0, $0x8;
	s5 =	sshll.u32 s15, $0x7  }
0x6: {  	s2 =	simm.s32 $0x0;
	s1 =	rddreg [dreg:$0x5];
	s8 =	sor.u32 s5, s4  }
0x7: {  	[smem:$0x7FF] =	sst s2;
	s16 =	sshrl.u32 s8, $0x3  }
0x8: {  	_ =	strace $0x80000047;
	s4 =	sadd.s32 s3, s16;
	s3 =	simm.s32 $0x2  }
0x9: {  	[tilespmem:s2], [sflag:$0x2] =	stream.linear.gather [hbm4b:s4+s2], $0x80, $0x38;
	[tilespmem:$0x4080] =	vst v63  }
0xa: {  	_ =	swait.ge [sflag:s3], $0x80  }
0xb: {  	s6 =	simm.s32 $0x80;
	[sflag:s3] =	ssyncset.done $0x0  }
0xc: {  	s7 =	simm.s32 $0x1;
	s5 =	sadd.s32 $0x3400, s10;
	[sflag:s3] =	ssyncadd.s32 $0xFFFFFF80  }
0xd: {  	[tilespmem:s6], [sflag:$0x1] =	stream.indirect.gather [hbm4b:s5+s6], $0x80, s2, s6, $0xb8;
	[tilespmem:$0x4080] =	vst v63  }
0xe: {  	s8 =	sshll.u32 s8, $0x4;
	_ =	swait.ge [sflag:s7], $0x4000  }
0xf: {  	s17 =	sadd.s32 s8, s10;
	[sflag:s7] =	ssyncset.done $0x0  }
0x10: {  	s8 =	sadd.s32 $0x3E000, s17;
	[sflag:s7] =	ssyncadd.s32 $0xFFFFC000  }
0x11: {  	[hbm4b:s8+s2] =	stream.linear.scatter [tilespmem:s6], [sflag:$0x2], $0x4000, $0x38;
	[tilespmem:$0x4080] =	vst v63  }
0x12: {  	_ =	swait.ge [sflag:s3], $0x4000  }
0x13: {  	[sflag:s3] =	ssyncset.done $0x0  }
0x14: {  	s9 =	sadd.s32 s9, s16;
	[sflag:s3] =	ssyncadd.s32 $0xFFFFC000  }
0x15: {  	[tilespmem:s2], [sflag:$0x2] =	stream.linear.gather [hbm4b:s9+s2], $0x80, $0x38;
	[tilespmem:$0x4080] =	vst v63  }
0x16: {  	_ =	swait.ge [sflag:s3], $0x80  }
0x17: {  	[sflag:s3] =	ssyncset.done $0x0  }
0x18: {  	s10 =	sadd.s32 $0x2A600, s10;
	[sflag:s3] =	ssyncadd.s32 $0xFFFFFF80  }
0x19: {  	[tilespmem:s6], [sflag:$0x1] =	stream.indirect.gather [hbm4b:s10+s6], $0x80, s2, s6, $0xb8;
	[tilespmem:$0x4080] =	vst v63  }
0x1a: {  	_ =	swait.ge [sflag:s7], $0x4000  }
0x1b: {  	[sflag:s7] =	ssyncset.done $0x0  }
0x1c: {  	s11 =	sadd.s32 $0x4E000, s17;
	[sflag:s7] =	ssyncadd.s32 $0xFFFFC000  }
0x1d: {  	[hbm4b:s11+s2] =	stream.linear.scatter [tilespmem:s6], [sflag:$0x2], $0x4000, $0x38;
	[tilespmem:$0x4080] =	vst v63  }
0x1e: {  	_ =	swait.ge [sflag:s3], $0x4000  }
0x1f: {  	[sflag:s3] =	ssyncset.done $0x0  }
0x20: {  	s12 =	sadd.s32 s12, s16;
	[sflag:s3] =	ssyncadd.s32 $0xFFFFC000  }
0x21: {  	[tilespmem:s2], [sflag:$0x2] =	stream.linear.gather [hbm4b:s12+s2], $0x80, $0x38;
	[tilespmem:$0x4080] =	vst v63  }
0x22: {  	_ =	swait.ge [sflag:s3], $0x80  }
0x23: {  	[sflag:s3] =	ssyncset.done $0x0  }
0x24: {  	[sflag:s3] =	ssyncadd.s32 $0xFFFFFF80  }
0x25: {  	[tilespmem:s6], [sflag:$0x1] =	stream.indirect.gather [hbm4b:s10+s6], $0x80, s2, s6, $0xb8;
	[tilespmem:$0x4080] =	vst v63  }
0x26: {  	_ =	swait.ge [sflag:s7], $0x4000  }
0x27: {  	[sflag:s7] =	ssyncset.done $0x0  }
0x28: {  	s13 =	sadd.s32 $0x5E000, s17;
	[sflag:s7] =	ssyncadd.s32 $0xFFFFC000  }
0x29: {  	[hbm4b:s13+s2] =	stream.linear.scatter [tilespmem:s6], [sflag:$0x2], $0x4000, $0x38;
	[tilespmem:$0x4080] =	vst v63  }
0x2a: {  	_ =	swait.ge [sflag:s3], $0x4000  }
0x2b: {  	[sflag:s3] =	ssyncset.done $0x0  }
0x2c: {  	s15 =	ssub.s32 $0x2, s15;
	s14 =	sadd.s32 s14, s16;
	[sflag:s3] =	ssyncadd.s32 $0xFFFFC000  }
0x2d: {  	[tilespmem:s2], [sflag:$0x2] =	stream.linear.gather [hbm4b:s14+s2], $0x80, $0x38;
	[tilespmem:$0x4080] =	vst v63  }
0x2e: {  	s31 =	sshrl.u32 s15, $0x1;
	_ =	swait.ge [sflag:s3], $0x80  }
0x2f: {  	s16 =	ssub.s32 s15, s31;
	[sflag:s3] =	ssyncset.done $0x0  }
0x30: {  	s16 =	smax.u32 s16, $0x1;
	[sflag:s3] =	ssyncadd.s32 $0xFFFFFF80  }
0x31: {  	[tilespmem:s6], [sflag:$0x1] =	stream.indirect.gather [hbm4b:s10+s6], $0x80, s2, s6, $0xb8;
	[tilespmem:$0x4080] =	vst v63  }
0x32: {  	p0 =	sne.s32 s16, $0x1;
	_ =	swait.ge [sflag:s7], $0x4000  }
.Ltmp0:
0x33: {  	[sflag:s7] =	ssyncset.done $0x0;
	(pc) =	sbr.rel @!p0 .LBB2_2-.Ltmp0, $4  }
0x34: {  	s15 =	sadd.s32 $0x6E000, s17;
	[sflag:s7] =	ssyncadd.s32 $0xFFFFC000  }
0x35: {  	[hbm4b:s15+s2] =	stream.linear.scatter [tilespmem:s6], [sflag:$0x2], $0x4000, $0x38;
	[tilespmem:$0x4080] =	vst v63  }
0x36: {  	_ =	swait.ge [sflag:s3], $0x4000  }
0x37: {  	s16 =	sadd.s32 $0xFFFFFFFF, s16;
	[sflag:s3] =	ssyncset.done $0x0  }
.LBB2_1:
0x38: {  	p0 =	sne.s32 s16, $0x1;
	s16 =	sadd.s32 $0xFFFFFFFF, s16;
	[sflag:s3] =	ssyncadd.s32 $0xFFFFC000  }
0x39: {  	[tilespmem:s2], [sflag:$0x2] =	stream.linear.gather [hbm4b:s4+s2], $0x80, $0x38;
	[tilespmem:$0x4080] =	vst v63  }
0x3a: {  	_ =	swait.ge [sflag:s3], $0x80  }
0x3b: {  	[sflag:s3] =	ssyncset.done $0x0  }
0x3c: {  	[sflag:s3] =	ssyncadd.s32 $0xFFFFFF80  }
0x3d: {  	[tilespmem:s6], [sflag:$0x1] =	stream.indirect.gather [hbm4b:s5+s6], $0x80, s2, s6, $0xb8;
	[tilespmem:$0x4080] =	vst v63  }
0x3e: {  	_ =	swait.ge [sflag:s7], $0x4000  }
0x3f: {  	[sflag:s7] =	ssyncset.done $0x0  }
0x40: {  	[sflag:s7] =	ssyncadd.s32 $0xFFFFC000  }
0x41: {  	[hbm4b:s8+s2] =	stream.linear.scatter [tilespmem:s6], [sflag:$0x2], $0x4000, $0x38;
	[tilespmem:$0x4080] =	vst v63  }
0x42: {  	_ =	swait.ge [sflag:s3], $0x4000  }
0x43: {  	[sflag:s3] =	ssyncset.done $0x0  }
0x44: {  	[sflag:s3] =	ssyncadd.s32 $0xFFFFC000  }
0x45: {  	[tilespmem:s2], [sflag:$0x2] =	stream.linear.gather [hbm4b:s9+s2], $0x80, $0x38;
	[tilespmem:$0x4080] =	vst v63  }
0x46: {  	_ =	swait.ge [sflag:s3], $0x80  }
0x47: {  	[sflag:s3] =	ssyncset.done $0x0  }
0x48: {  	[sflag:s3] =	ssyncadd.s32 $0xFFFFFF80  }
0x49: {  	[tilespmem:s6], [sflag:$0x1] =	stream.indirect.gather [hbm4b:s10+s6], $0x80, s2, s6, $0xb8;
	[tilespmem:$0x4080] =	vst v63  }
0x4a: {  	_ =	swait.ge [sflag:s7], $0x4000  }
0x4b: {  	[sflag:s7] =	ssyncset.done $0x0  }
0x4c: {  	[sflag:s7] =	ssyncadd.s32 $0xFFFFC000  }
0x4d: {  	[hbm4b:s11+s2] =	stream.linear.scatter [tilespmem:s6], [sflag:$0x2], $0x4000, $0x38;
	[tilespmem:$0x4080] =	vst v63  }
0x4e: {  	_ =	swait.ge [sflag:s3], $0x4000  }
0x4f: {  	[sflag:s3] =	ssyncset.done $0x0  }
0x50: {  	[sflag:s3] =	ssyncadd.s32 $0xFFFFC000  }
0x51: {  	[tilespmem:s2], [sflag:$0x2] =	stream.linear.gather [hbm4b:s12+s2], $0x80, $0x38;
	[tilespmem:$0x4080] =	vst v63  }
0x52: {  	_ =	swait.ge [sflag:s3], $0x80  }
0x53: {  	[sflag:s3] =	ssyncset.done $0x0  }
0x54: {  	[sflag:s3] =	ssyncadd.s32 $0xFFFFFF80  }
0x55: {  	[tilespmem:s6], [sflag:$0x1] =	stream.indirect.gather [hbm4b:s10+s6], $0x80, s2, s6, $0xb8;
	[tilespmem:$0x4080] =	vst v63  }
0x56: {  	_ =	swait.ge [sflag:s7], $0x4000  }
0x57: {  	[sflag:s7] =	ssyncset.done $0x0  }
0x58: {  	[sflag:s7] =	ssyncadd.s32 $0xFFFFC000  }
0x59: {  	[hbm4b:s13+s2] =	stream.linear.scatter [tilespmem:s6], [sflag:$0x2], $0x4000, $0x38;
	[tilespmem:$0x4080] =	vst v63  }
0x5a: {  	_ =	swait.ge [sflag:s3], $0x4000  }
0x5b: {  	[sflag:s3] =	ssyncset.done $0x0  }
0x5c: {  	[sflag:s3] =	ssyncadd.s32 $0xFFFFC000  }
0x5d: {  	[tilespmem:s2], [sflag:$0x2] =	stream.linear.gather [hbm4b:s14+s2], $0x80, $0x38;
	[tilespmem:$0x4080] =	vst v63  }
0x5e: {  	_ =	swait.ge [sflag:s3], $0x80  }
0x5f: {  	[sflag:s3] =	ssyncset.done $0x0  }
0x60: {  	[sflag:s3] =	ssyncadd.s32 $0xFFFFFF80  }
0x61: {  	[tilespmem:s6], [sflag:$0x1] =	stream.indirect.gather [hbm4b:s10+s6], $0x80, s2, s6, $0xb8;
	[tilespmem:$0x4080] =	vst v63  }
0x62: {  	_ =	swait.ge [sflag:s7], $0x4000  }
.Ltmp1:
0x63: {  	[sflag:s7] =	ssyncset.done $0x0;
	(pc) =	sbr.rel @p0 .LBB2_1-.Ltmp1, $4  }
0x64: {  	[sflag:s7] =	ssyncadd.s32 $0xFFFFC000  }
0x65: {  	[hbm4b:s15+s2] =	stream.linear.scatter [tilespmem:s6], [sflag:$0x2], $0x4000, $0x38;
	[tilespmem:$0x4080] =	vst v63  }
0x66: {  	_ =	swait.ge [sflag:s3], $0x4000  }
0x67: {  	[sflag:s3] =	ssyncset.done $0x0  }
.LBB2_2:
0x68: {  	[sflag:s3] =	ssyncadd.s32 $0xFFFFC000  }
0x69: {  	_ =	sfence.sel $0x180000  }
0x6a: {  	[bflag:$0x0] =	sbarrier.arrive $0xFFFF  }
0x6b: {  	p0 =	sne.s32 s0, $0x0;
	_ =	strace $0x90000047  }
0x6c: {  	s0 =	sadd.s32 @!p0 $0x100000, s1;
	[bflag:$0x2] =	sbarrier.arrive $0xFFFF  }
0x6d: {  	[sflag:s0] =	ssyncadd.tile.s32 @!p0 $0x1;
	_ =	shalt  }
.Lfunc_end2:
_tile_overlayer_lowered:
.L_overlay_start_2:
0x6e: {  	(tag) =	ssettag $0x2  }
0x6f: {  	s0 =	rddreg [dreg:$0x0];
	s2 =	stileid.u32  }
0x70: {  	s1 =	rddreg [dreg:$0x1];
	p0 =	sne.s32 s2, $0x0  }
0x71: {  	s3 =	rddreg [dreg:$0x2];
	[bflag:$0x3] =	sbarrier.arrive $0xFFFF;
	s2 =	simm.s32 @!p0 $0x1C02  }
0x72: {  	[timem:s3], [sflag:s2] =	dma.local @!p0 [hbm:s0], s1  }
0x73: {  	s0 =	simm.s32 @!p0 $0x2  }
0x74: {  	_ =	swait.ge @!p0 [sflag:s0], s1  }
0x75: {  	s1 =	ssub.s32 @!p0 $0x0, s1;
	[sflag:s0] =	ssyncset.done @!p0 $0x0  }
0x76: {  	[sflag:s0] =	ssyncadd.s32 @!p0 s1  }
0x77: {  	[bflag:$0x3] =	sbarrier.arrive $0xFFFF  }
0x78: {  	_ =	shalt  }

</sc_bundles>
